<compile_context>
chip_gen: v7x
topology: tpu7x:2x2x1
jax: 0.10.2.dev20260603
libtpu: 0.0.44.dev20260713+nightly
codegen_flags: <defaults>
</compile_context>

<pallas_src>
import functools

import jax
import jax.numpy as jnp
from jax import lax
from jax.experimental import pallas as pl
from jax.experimental.pallas import tpu as pltpu
from jax.experimental.pallas import tpu_sc as plsc

VOCAB = 1000000
DIM = 32
BATCH = 4096
HIST = 50
TOTAL = BATCH * HIST
NC, NS = 2, 16
NW = NC * NS
CHUNK = 128
CPW = TOTAL // (NW * CHUNK)
K = 10
G = CPW // K
GROWS = K * CHUNK

_mesh = plsc.VectorSubcoreMesh(core_axis_name="c", subcore_axis_name="s")


@functools.partial(
    pl.kernel,
    mesh=_mesh,
    out_type=jax.ShapeDtypeStruct((TOTAL, DIM), jnp.float32),
    compiler_params=pltpu.CompilerParams(use_tc_tiling_on_sc=False),
    scratch_types=[
        pltpu.VMEM((CPW, CHUNK), jnp.int32),
        pltpu.VMEM((2, GROWS, DIM), jnp.float32),
        pltpu.SemaphoreType.DMA,
        pltpu.SemaphoreType.DMA,
        pltpu.SemaphoreType.DMA,
        pltpu.SemaphoreType.DMA,
    ],
)
def _embed(idx_hbm, table_hbm, out_hbm, idx_v, rows_v, gsem0, gsem1, wsem0, wsem1):
    wid = lax.axis_index("s") * NC + lax.axis_index("c")
    pltpu.sync_copy(idx_hbm.at[wid], idx_v)
    out_base = wid * CPW * CHUNK
    gsems = (gsem0, gsem1)
    wsems = (wsem0, wsem1)

    gathers = [None] * G
    writes = [None] * G

    def _write(g):
        return pltpu.async_copy(
            rows_v.at[g % 2],
            out_hbm.at[pl.ds(out_base + g * GROWS, GROWS)],
            wsems[g % 2],
        )

    for g in range(G):
        buf = g % 2
        if g >= 2:
            writes[g - 2].wait()
        gathers[g] = [
            pltpu.async_copy(
                table_hbm.at[idx_v.at[g * K + j]],
                rows_v.at[buf, pl.ds(j * CHUNK, CHUNK)],
                gsems[buf],
            )
            for j in range(K)
        ]
        if g >= 1:
            for d in gathers[g - 1]:
                d.wait()
            writes[g - 1] = _write(g - 1)
    for d in gathers[G - 1]:
        d.wait()
    writes[G - 1] = _write(G - 1)
    writes[G - 2].wait()
    writes[G - 1].wait()


def kernel(input_ids, table):
    idx = input_ids.astype(jnp.int32).reshape(NW, CPW, CHUNK)
    out = _embed(idx, table)
    return out.reshape(BATCH, HIST, DIM)

# --- scband reference (transcript-rebuilt; emitter-appended) ---
"""Pipeline reference for scband-dummy-embedding-88287347736902 (READ-ONLY COPY).

The authoritative reference and input builder live on the scoring server;
editing this copy changes nothing except your own understanding.
"""

import jax, jax.numpy as jnp
import numpy as np

VOCAB = 1000000
DIM = 32
BATCH = 4096
HIST = 50

def setup_inputs(seed: int = 0) -> dict:
    key = jax.random.key(seed)
    k1, k2 = jax.random.split(key)
    input_ids = jax.random.randint(k1, (BATCH, HIST), 0, VOCAB, dtype=jnp.int64 if jax.config.jax_enable_x64 else jnp.int32)
    table = jax.random.normal(k2, (VOCAB, DIM), dtype=jnp.float32)
    return {"input_ids": input_ids, "table": table}

def reference(input_ids, table):
    # torch.nn.Embedding forward: gather rows of the table by index
    return jnp.take(table, input_ids, axis=0)

if __name__ == "__main__":
    import jax
    _d = setup_inputs()
    print(jax.jit(kernel)(*tuple(_d.values())))

</pallas_src>

<mosaic_0001>
#map = affine_map<(d0, d1) -> (0, 0, 0)>
#map1 = affine_map<(d0, d1) -> (0, 0)>
module attributes {stable_mosaic.version = 14 : i64} {
  func.func @_embed(%arg0: i32, %arg1: i32, %arg2: memref<32x50x128xi32, #tpu.memory_space<hbm>>, %arg3: memref<1000000x32xf32, #tpu.memory_space<hbm>>, %arg4: memref<204800x32xf32, #tpu.memory_space<hbm>>, %arg5: memref<50x128xi32, #tpu.memory_space<vmem>>, %arg6: memref<2x1280x32xf32, #tpu.memory_space<vmem>>, %arg7: memref<!tpu.dma_semaphore, #tpu.memory_space<semaphore_mem>>, %arg8: memref<!tpu.dma_semaphore, #tpu.memory_space<semaphore_mem>>, %arg9: memref<!tpu.dma_semaphore, #tpu.memory_space<semaphore_mem>>, %arg10: memref<!tpu.dma_semaphore, #tpu.memory_space<semaphore_mem>>) attributes {dimension_semantics = [#tpu.dimension_semantics<core_parallel>, #tpu.dimension_semantics<subcore_parallel>], iteration_bounds = array<i64: 2, 16>, scalar_prefetch = 0 : i64, scratch_operands = 6 : i64, tpu.core_type = #tpu.core_type<sc_vector_subcore>, window_params = [{transform_indices = #map}, {transform_indices = #map1}, {transform_indices = #map1}]} {
    %mul3A = arith.constant 2 : i32
    %mul3A_0 = arith.muli %arg1, %mul3A : i32
    %add3A = arith.addi %mul3A_0, %arg0 : i32
    "tpu.region"() ({
      %run_scoped3A = tpu.sem_alloc : memref<!tpu.dma_semaphore, #tpu.memory_space<semaphore_mem>>
      %dma_start3A_1343 = arith.constant 0 : i32
      %dma_start3A_1344 = arith.constant 0 : i32
      %dma_start3A_1345 = tpu.memref_slice %arg2[%add3A, %dma_start3A_1343, %dma_start3A_1344] : memref<32x50x128xi32, #tpu.memory_space<hbm>> -> memref<1x50x128xi32, #tpu.memory_space<hbm>>
      %dma_start3A_1346 = tpu.memref_squeeze %dma_start3A_1345 : memref<1x50x128xi32, #tpu.memory_space<hbm>> -> memref<50x128xi32, #tpu.memory_space<hbm>>
      %dma_start3A_1347 = arith.constant 0 : i32
      %dma_start3A_1348 = arith.constant 0 : i32
      %dma_start3A_1349 = tpu.memref_slice %arg2[%add3A, %dma_start3A_1347, %dma_start3A_1348] : memref<32x50x128xi32, #tpu.memory_space<hbm>> -> memref<1x50x128xi32, #tpu.memory_space<hbm>>
      %dma_start3A_1350 = tpu.memref_squeeze %dma_start3A_1349 : memref<1x50x128xi32, #tpu.memory_space<hbm>> -> memref<50x128xi32, #tpu.memory_space<hbm>>
      tpu.enqueue_dma source(%dma_start3A_1350 : memref<50x128xi32, #tpu.memory_space<hbm>>) target(%arg5 : memref<50x128xi32, #tpu.memory_space<vmem>>) target_semaphore(%run_scoped3A : memref<!tpu.dma_semaphore, #tpu.memory_space<semaphore_mem>>)
      %dma_wait3A_1351 = arith.constant 0 : i32
      %dma_wait3A_1352 = arith.constant 0 : i32
      %dma_wait3A_1353 = tpu.memref_slice %arg2[%add3A, %dma_wait3A_1351, %dma_wait3A_1352] : memref<32x50x128xi32, #tpu.memory_space<hbm>> -> memref<1x50x128xi32, #tpu.memory_space<hbm>>
      %dma_wait3A_1354 = tpu.memref_squeeze %dma_wait3A_1353 : memref<1x50x128xi32, #tpu.memory_space<hbm>> -> memref<50x128xi32, #tpu.memory_space<hbm>>
      %dma_wait3A_1355 = arith.constant 0 : i32
      %dma_wait3A_1356 = arith.constant 0 : i32
      %dma_wait3A_1357 = tpu.memref_slice %arg2[%add3A, %dma_wait3A_1355, %dma_wait3A_1356] : memref<32x50x128xi32, #tpu.memory_space<hbm>> -> memref<1x50x128xi32, #tpu.memory_space<hbm>>
      %dma_wait3A_1358 = tpu.memref_squeeze %dma_wait3A_1357 : memref<1x50x128xi32, #tpu.memory_space<hbm>> -> memref<50x128xi32, #tpu.memory_space<hbm>>
      tpu.wait_dma2 semaphore(%run_scoped3A : memref<!tpu.dma_semaphore, #tpu.memory_space<semaphore_mem>>) src(%dma_wait3A_1358 : memref<50x128xi32, #tpu.memory_space<hbm>>) dst(%arg5 : memref<50x128xi32, #tpu.memory_space<vmem>>)
      tpu.yield
    }) : () -> ()
    %mul3A_1 = arith.constant 50 : i32
    %mul3A_2 = arith.muli %add3A, %mul3A_1 : i32
    %mul3A_3 = arith.constant 128 : i32
    %mul3A_4 = arith.muli %mul3A_2, %mul3A_3 : i32
    %dma_start3A = arith.constant 0 : i32
    %dma_start3A_5 = arith.constant 0 : i32
    %dma_start3A_6 = arith.constant 0 : i32
    %dma_start3A_7 = arith.constant 0 : i32
    %dma_start3A_8 = tpu.memref_slice %arg6[%dma_start3A_5, %dma_start3A_6, %dma_start3A_7] : memref<2x1280x32xf32, #tpu.memory_space<vmem>> -> memref<1x128x32xf32, #tpu.memory_space<vmem>>
    %dma_start3A_9 = tpu.memref_squeeze %dma_start3A_8 : memref<1x128x32xf32, #tpu.memory_space<vmem>> -> memref<128x32xf32, #tpu.memory_space<vmem>>
    %dma_start3A_10 = arith.constant 0 : i32
    %dma_start3A_11 = tpu.memref_slice %arg5[%dma_start3A, %dma_start3A_10] : memref<50x128xi32, #tpu.memory_space<vmem>> -> memref<1x128xi32, #tpu.memory_space<vmem>>
    %dma_start3A_12 = tpu.memref_squeeze %dma_start3A_11 : memref<1x128xi32, #tpu.memory_space<vmem>> -> memref<128xi32, #tpu.memory_space<vmem>>
    %dma_start3A_13 = arith.constant 0 : i32
    %dma_start3A_14 = arith.constant 0 : i32
    %dma_start3A_15 = tpu.memref_slice %arg3[%dma_start3A_13, %dma_start3A_14] : memref<1000000x32xf32, #tpu.memory_space<hbm>> -> memref<1000000x32xf32, #tpu.memory_space<hbm>>
    tpu.enqueue_indirect_dma source(%dma_start3A_15 : memref<1000000x32xf32, #tpu.memory_space<hbm>>) target(%dma_start3A_9 : memref<128x32xf32, #tpu.memory_space<vmem>>) offsets(%dma_start3A_12 : memref<128xi32, #tpu.memory_space<vmem>>) semaphore(%arg7 : memref<!tpu.dma_semaphore, #tpu.memory_space<semaphore_mem>>)
    %dma_start3A_16 = arith.constant 1 : i32
    %dma_start3A_17 = arith.constant 0 : i32
    %dma_start3A_18 = arith.constant 128 : i32
    %dma_start3A_19 = arith.constant 0 : i32
    %dma_start3A_20 = tpu.memref_slice %arg6[%dma_start3A_17, %dma_start3A_18, %dma_start3A_19] : memref<2x1280x32xf32, #tpu.memory_space<vmem>> -> memref<1x128x32xf32, #tpu.memory_space<vmem>>
    %dma_start3A_21 = tpu.memref_squeeze %dma_start3A_20 : memref<1x128x32xf32, #tpu.memory_space<vmem>> -> memref<128x32xf32, #tpu.memory_space<vmem>>
    %dma_start3A_22 = arith.constant 0 : i32
    %dma_start3A_23 = tpu.memref_slice %arg5[%dma_start3A_16, %dma_start3A_22] : memref<50x128xi32, #tpu.memory_space<vmem>> -> memref<1x128xi32, #tpu.memory_space<vmem>>
    %dma_start3A_24 = tpu.memref_squeeze %dma_start3A_23 : memref<1x128xi32, #tpu.memory_space<vmem>> -> memref<128xi32, #tpu.memory_space<vmem>>
    %dma_start3A_25 = arith.constant 0 : i32
    %dma_start3A_26 = arith.constant 0 : i32
    %dma_start3A_27 = tpu.memref_slice %arg3[%dma_start3A_25, %dma_start3A_26] : memref<1000000x32xf32, #tpu.memory_space<hbm>> -> memref<1000000x32xf32, #tpu.memory_space<hbm>>
    tpu.enqueue_indirect_dma source(%dma_start3A_27 : memref<1000000x32xf32, #tpu.memory_space<hbm>>) target(%dma_start3A_21 : memref<128x32xf32, #tpu.memory_space<vmem>>) offsets(%dma_start3A_24 : memref<128xi32, #tpu.memory_space<vmem>>) semaphore(%arg7 : memref<!tpu.dma_semaphore, #tpu.memory_space<semaphore_mem>>)
    %dma_start3A_28 = arith.constant 2 : i32
    %dma_start3A_29 = arith.constant 0 : i32
    %dma_start3A_30 = arith.constant 256 : i32
    %dma_start3A_31 = arith.constant 0 : i32
    %dma_start3A_32 = tpu.memref_slice %arg6[%dma_start3A_29, %dma_start3A_30, %dma_start3A_31] : memref<2x1280x32xf32, #tpu.memory_space<vmem>> -> memref<1x128x32xf32, #tpu.memory_space<vmem>>
    %dma_start3A_33 = tpu.memref_squeeze %dma_start3A_32 : memref<1x128x32xf32, #tpu.memory_space<vmem>> -> memref<128x32xf32, #tpu.memory_space<vmem>>
    %dma_start3A_34 = arith.constant 0 : i32
    %dma_start3A_35 = tpu.memref_slice %arg5[%dma_start3A_28, %dma_start3A_34] : memref<50x128xi32, #tpu.memory_space<vmem>> -> memref<1x128xi32, #tpu.memory_space<vmem>>
    %dma_start3A_36 = tpu.memref_squeeze %dma_start3A_35 : memref<1x128xi32, #tpu.memory_space<vmem>> -> memref<128xi32, #tpu.memory_space<vmem>>
    %dma_start3A_37 = arith.constant 0 : i32
    %dma_start3A_38 = arith.constant 0 : i32
    %dma_start3A_39 = tpu.memref_slice %arg3[%dma_start3A_37, %dma_start3A_38] : memref<1000000x32xf32, #tpu.memory_space<hbm>> -> memref<1000000x32xf32, #tpu.memory_space<hbm>>
    tpu.enqueue_indirect_dma source(%dma_start3A_39 : memref<1000000x32xf32, #tpu.memory_space<hbm>>) target(%dma_start3A_33 : memref<128x32xf32, #tpu.memory_space<vmem>>) offsets(%dma_start3A_36 : memref<128xi32, #tpu.memory_space<vmem>>) semaphore(%arg7 : memref<!tpu.dma_semaphore, #tpu.memory_space<semaphore_mem>>)
    %dma_start3A_40 = arith.constant 3 : i32
    %dma_start3A_41 = arith.constant 0 : i32
    %dma_start3A_42 = arith.constant 384 : i32
    %dma_start3A_43 = arith.constant 0 : i32
    %dma_start3A_44 = tpu.memref_slice %arg6[%dma_start3A_41, %dma_start3A_42, %dma_start3A_43] : memref<2x1280x32xf32, #tpu.memory_space<vmem>> -> memref<1x128x32xf32, #tpu.memory_space<vmem>>
    %dma_start3A_45 = tpu.memref_squeeze %dma_start3A_44 : memref<1x128x32xf32, #tpu.memory_space<vmem>> -> memref<128x32xf32, #tpu.memory_space<vmem>>
    %dma_start3A_46 = arith.constant 0 : i32
    %dma_start3A_47 = tpu.memref_slice %arg5[%dma_start3A_40, %dma_start3A_46] : memref<50x128xi32, #tpu.memory_space<vmem>> -> memref<1x128xi32, #tpu.memory_space<vmem>>
    %dma_start3A_48 = tpu.memref_squeeze %dma_start3A_47 : memref<1x128xi32, #tpu.memory_space<vmem>> -> memref<128xi32, #tpu.memory_space<vmem>>
    %dma_start3A_49 = arith.constant 0 : i32
    %dma_start3A_50 = arith.constant 0 : i32
    %dma_start3A_51 = tpu.memref_slice %arg3[%dma_start3A_49, %dma_start3A_50] : memref<1000000x32xf32, #tpu.memory_space<hbm>> -> memref<1000000x32xf32, #tpu.memory_space<hbm>>
    tpu.enqueue_indirect_dma source(%dma_start3A_51 : memref<1000000x32xf32, #tpu.memory_space<hbm>>) target(%dma_start3A_45 : memref<128x32xf32, #tpu.memory_space<vmem>>) offsets(%dma_start3A_48 : memref<128xi32, #tpu.memory_space<vmem>>) semaphore(%arg7 : memref<!tpu.dma_semaphore, #tpu.memory_space<semaphore_mem>>)
    %dma_start3A_52 = arith.constant 4 : i32
    %dma_start3A_53 = arith.constant 0 : i32
    %dma_start3A_54 = arith.constant 512 : i32
    %dma_start3A_55 = arith.constant 0 : i32
    %dma_start3A_56 = tpu.memref_slice %arg6[%dma_start3A_53, %dma_start3A_54, %dma_start3A_55] : memref<2x1280x32xf32, #tpu.memory_space<vmem>> -> memref<1x128x32xf32, #tpu.memory_space<vmem>>
    %dma_start3A_57 = tpu.memref_squeeze %dma_start3A_56 : memref<1x128x32xf32, #tpu.memory_space<vmem>> -> memref<128x32xf32, #tpu.memory_space<vmem>>
    %dma_start3A_58 = arith.constant 0 : i32
    %dma_start3A_59 = tpu.memref_slice %arg5[%dma_start3A_52, %dma_start3A_58] : memref<50x128xi32, #tpu.memory_space<vmem>> -> memref<1x128xi32, #tpu.memory_space<vmem>>
    %dma_start3A_60 = tpu.memref_squeeze %dma_start3A_59 : memref<1x128xi32, #tpu.memory_space<vmem>> -> memref<128xi32, #tpu.memory_space<vmem>>
    %dma_start3A_61 = arith.constant 0 : i32
    %dma_start3A_62 = arith.constant 0 : i32
    %dma_start3A_63 = tpu.memref_slice %arg3[%dma_start3A_61, %dma_start3A_62] : memref<1000000x32xf32, #tpu.memory_space<hbm>> -> memref<1000000x32xf32, #tpu.memory_space<hbm>>
    tpu.enqueue_indirect_dma source(%dma_start3A_63 : memref<1000000x32xf32, #tpu.memory_space<hbm>>) target(%dma_start3A_57 : memref<128x32xf32, #tpu.memory_space<vmem>>) offsets(%dma_start3A_60 : memref<128xi32, #tpu.memory_space<vmem>>) semaphore(%arg7 : memref<!tpu.dma_semaphore, #tpu.memory_space<semaphore_mem>>)
    %dma_start3A_64 = arith.constant 5 : i32
    %dma_start3A_65 = arith.constant 0 : i32
    %dma_start3A_66 = arith.constant 640 : i32
    %dma_start3A_67 = arith.constant 0 : i32
    %dma_start3A_68 = tpu.memref_slice %arg6[%dma_start3A_65, %dma_start3A_66, %dma_start3A_67] : memref<2x1280x32xf32, #tpu.memory_space<vmem>> -> memref<1x128x32xf32, #tpu.memory_space<vmem>>
    %dma_start3A_69 = tpu.memref_squeeze %dma_start3A_68 : memref<1x128x32xf32, #tpu.memory_space<vmem>> -> memref<128x32xf32, #tpu.memory_space<vmem>>
    %dma_start3A_70 = arith.constant 0 : i32
    %dma_start3A_71 = tpu.memref_slice %arg5[%dma_start3A_64, %dma_start3A_70] : memref<50x128xi32, #tpu.memory_space<vmem>> -> memref<1x128xi32, #tpu.memory_space<vmem>>
    %dma_start3A_72 = tpu.memref_squeeze %dma_start3A_71 : memref<1x128xi32, #tpu.memory_space<vmem>> -> memref<128xi32, #tpu.memory_space<vmem>>
    %dma_start3A_73 = arith.constant 0 : i32
    %dma_start3A_74 = arith.constant 0 : i32
    %dma_start3A_75 = tpu.memref_slice %arg3[%dma_start3A_73, %dma_start3A_74] : memref<1000000x32xf32, #tpu.memory_space<hbm>> -> memref<1000000x32xf32, #tpu.memory_space<hbm>>
    tpu.enqueue_indirect_dma source(%dma_start3A_75 : memref<1000000x32xf32, #tpu.memory_space<hbm>>) target(%dma_start3A_69 : memref<128x32xf32, #tpu.memory_space<vmem>>) offsets(%dma_start3A_72 : memref<128xi32, #tpu.memory_space<vmem>>) semaphore(%arg7 : memref<!tpu.dma_semaphore, #tpu.memory_space<semaphore_mem>>)
    %dma_start3A_76 = arith.constant 6 : i32
    %dma_start3A_77 = arith.constant 0 : i32
    %dma_start3A_78 = arith.constant 768 : i32
    %dma_start3A_79 = arith.constant 0 : i32
    %dma_start3A_80 = tpu.memref_slice %arg6[%dma_start3A_77, %dma_start3A_78, %dma_start3A_79] : memref<2x1280x32xf32, #tpu.memory_space<vmem>> -> memref<1x128x32xf32, #tpu.memory_space<vmem>>
    %dma_start3A_81 = tpu.memref_squeeze %dma_start3A_80 : memref<1x128x32xf32, #tpu.memory_space<vmem>> -> memref<128x32xf32, #tpu.memory_space<vmem>>
    %dma_start3A_82 = arith.constant 0 : i32
    %dma_start3A_83 = tpu.memref_slice %arg5[%dma_start3A_76, %dma_start3A_82] : memref<50x128xi32, #tpu.memory_space<vmem>> -> memref<1x128xi32, #tpu.memory_space<vmem>>
    %dma_start3A_84 = tpu.memref_squeeze %dma_start3A_83 : memref<1x128xi32, #tpu.memory_space<vmem>> -> memref<128xi32, #tpu.memory_space<vmem>>
    %dma_start3A_85 = arith.constant 0 : i32
    %dma_start3A_86 = arith.constant 0 : i32
    %dma_start3A_87 = tpu.memref_slice %arg3[%dma_start3A_85, %dma_start3A_86] : memref<1000000x32xf32, #tpu.memory_space<hbm>> -> memref<1000000x32xf32, #tpu.memory_space<hbm>>
    tpu.enqueue_indirect_dma source(%dma_start3A_87 : memref<1000000x32xf32, #tpu.memory_space<hbm>>) target(%dma_start3A_81 : memref<128x32xf32, #tpu.memory_space<vmem>>) offsets(%dma_start3A_84 : memref<128xi32, #tpu.memory_space<vmem>>) semaphore(%arg7 : memref<!tpu.dma_semaphore, #tpu.memory_space<semaphore_mem>>)
    %dma_start3A_88 = arith.constant 7 : i32
    %dma_start3A_89 = arith.constant 0 : i32
    %dma_start3A_90 = arith.constant 896 : i32
    %dma_start3A_91 = arith.constant 0 : i32
    %dma_start3A_92 = tpu.memref_slice %arg6[%dma_start3A_89, %dma_start3A_90, %dma_start3A_91] : memref<2x1280x32xf32, #tpu.memory_space<vmem>> -> memref<1x128x32xf32, #tpu.memory_space<vmem>>
    %dma_start3A_93 = tpu.memref_squeeze %dma_start3A_92 : memref<1x128x32xf32, #tpu.memory_space<vmem>> -> memref<128x32xf32, #tpu.memory_space<vmem>>
    %dma_start3A_94 = arith.constant 0 : i32
    %dma_start3A_95 = tpu.memref_slice %arg5[%dma_start3A_88, %dma_start3A_94] : memref<50x128xi32, #tpu.memory_space<vmem>> -> memref<1x128xi32, #tpu.memory_space<vmem>>
    %dma_start3A_96 = tpu.memref_squeeze %dma_start3A_95 : memref<1x128xi32, #tpu.memory_space<vmem>> -> memref<128xi32, #tpu.memory_space<vmem>>
    %dma_start3A_97 = arith.constant 0 : i32
    %dma_start3A_98 = arith.constant 0 : i32
    %dma_start3A_99 = tpu.memref_slice %arg3[%dma_start3A_97, %dma_start3A_98] : memref<1000000x32xf32, #tpu.memory_space<hbm>> -> memref<1000000x32xf32, #tpu.memory_space<hbm>>
    tpu.enqueue_indirect_dma source(%dma_start3A_99 : memref<1000000x32xf32, #tpu.memory_space<hbm>>) target(%dma_start3A_93 : memref<128x32xf32, #tpu.memory_space<vmem>>) offsets(%dma_start3A_96 : memref<128xi32, #tpu.memory_space<vmem>>) semaphore(%arg7 : memref<!tpu.dma_semaphore, #tpu.memory_space<semaphore_mem>>)
    %dma_start3A_100 = arith.constant 8 : i32
    %dma_start3A_101 = arith.constant 0 : i32
    %dma_start3A_102 = arith.constant 1024 : i32
    %dma_start3A_103 = arith.constant 0 : i32
    %dma_start3A_104 = tpu.memref_slice %arg6[%dma_start3A_101, %dma_start3A_102, %dma_start3A_103] : memref<2x1280x32xf32, #tpu.memory_space<vmem>> -> memref<1x128x32xf32, #tpu.memory_space<vmem>>
    %dma_start3A_105 = tpu.memref_squeeze %dma_start3A_104 : memref<1x128x32xf32, #tpu.memory_space<vmem>> -> memref<128x32xf32, #tpu.memory_space<vmem>>
    %dma_start3A_106 = arith.constant 0 : i32
    %dma_start3A_107 = tpu.memref_slice %arg5[%dma_start3A_100, %dma_start3A_106] : memref<50x128xi32, #tpu.memory_space<vmem>> -> memref<1x128xi32, #tpu.memory_space<vmem>>
    %dma_start3A_108 = tpu.memref_squeeze %dma_start3A_107 : memref<1x128xi32, #tpu.memory_space<vmem>> -> memref<128xi32, #tpu.memory_space<vmem>>
    %dma_start3A_109 = arith.constant 0 : i32
    %dma_start3A_110 = arith.constant 0 : i32
    %dma_start3A_111 = tpu.memref_slice %arg3[%dma_start3A_109, %dma_start3A_110] : memref<1000000x32xf32, #tpu.memory_space<hbm>> -> memref<1000000x32xf32, #tpu.memory_space<hbm>>
    tpu.enqueue_indirect_dma source(%dma_start3A_111 : memref<1000000x32xf32, #tpu.memory_space<hbm>>) target(%dma_start3A_105 : memref<128x32xf32, #tpu.memory_space<vmem>>) offsets(%dma_start3A_108 : memref<128xi32, #tpu.memory_space<vmem>>) semaphore(%arg7 : memref<!tpu.dma_semaphore, #tpu.memory_space<semaphore_mem>>)
    %dma_start3A_112 = arith.constant 9 : i32
    %dma_start3A_113 = arith.constant 0 : i32
    %dma_start3A_114 = arith.constant 1152 : i32
    %dma_start3A_115 = arith.constant 0 : i32
    %dma_start3A_116 = tpu.memref_slice %arg6[%dma_start3A_113, %dma_start3A_114, %dma_start3A_115] : memref<2x1280x32xf32, #tpu.memory_space<vmem>> -> memref<1x128x32xf32, #tpu.memory_space<vmem>>
    %dma_start3A_117 = tpu.memref_squeeze %dma_start3A_116 : memref<1x128x32xf32, #tpu.memory_space<vmem>> -> memref<128x32xf32, #tpu.memory_space<vmem>>
    %dma_start3A_118 = arith.constant 0 : i32
    %dma_start3A_119 = tpu.memref_slice %arg5[%dma_start3A_112, %dma_start3A_118] : memref<50x128xi32, #tpu.memory_space<vmem>> -> memref<1x128xi32, #tpu.memory_space<vmem>>
    %dma_start3A_120 = tpu.memref_squeeze %dma_start3A_119 : memref<1x128xi32, #tpu.memory_space<vmem>> -> memref<128xi32, #tpu.memory_space<vmem>>
    %dma_start3A_121 = arith.constant 0 : i32
    %dma_start3A_122 = arith.constant 0 : i32
    %dma_start3A_123 = tpu.memref_slice %arg3[%dma_start3A_121, %dma_start3A_122] : memref<1000000x32xf32, #tpu.memory_space<hbm>> -> memref<1000000x32xf32, #tpu.memory_space<hbm>>
    tpu.enqueue_indirect_dma source(%dma_start3A_123 : memref<1000000x32xf32, #tpu.memory_space<hbm>>) target(%dma_start3A_117 : memref<128x32xf32, #tpu.memory_space<vmem>>) offsets(%dma_start3A_120 : memref<128xi32, #tpu.memory_space<vmem>>) semaphore(%arg7 : memref<!tpu.dma_semaphore, #tpu.memory_space<semaphore_mem>>)
    %dma_start3A_124 = arith.constant 10 : i32
    %dma_start3A_125 = arith.constant 1 : i32
    %dma_start3A_126 = arith.constant 0 : i32
    %dma_start3A_127 = arith.constant 0 : i32
    %dma_start3A_128 = tpu.memref_slice %arg6[%dma_start3A_125, %dma_start3A_126, %dma_start3A_127] : memref<2x1280x32xf32, #tpu.memory_space<vmem>> -> memref<1x128x32xf32, #tpu.memory_space<vmem>>
    %dma_start3A_129 = tpu.memref_squeeze %dma_start3A_128 : memref<1x128x32xf32, #tpu.memory_space<vmem>> -> memref<128x32xf32, #tpu.memory_space<vmem>>
    %dma_start3A_130 = arith.constant 0 : i32
    %dma_start3A_131 = tpu.memref_slice %arg5[%dma_start3A_124, %dma_start3A_130] : memref<50x128xi32, #tpu.memory_space<vmem>> -> memref<1x128xi32, #tpu.memory_space<vmem>>
    %dma_start3A_132 = tpu.memref_squeeze %dma_start3A_131 : memref<1x128xi32, #tpu.memory_space<vmem>> -> memref<128xi32, #tpu.memory_space<vmem>>
    %dma_start3A_133 = arith.constant 0 : i32
    %dma_start3A_134 = arith.constant 0 : i32
    %dma_start3A_135 = tpu.memref_slice %arg3[%dma_start3A_133, %dma_start3A_134] : memref<1000000x32xf32, #tpu.memory_space<hbm>> -> memref<1000000x32xf32, #tpu.memory_space<hbm>>
    tpu.enqueue_indirect_dma source(%dma_start3A_135 : memref<1000000x32xf32, #tpu.memory_space<hbm>>) target(%dma_start3A_129 : memref<128x32xf32, #tpu.memory_space<vmem>>) offsets(%dma_start3A_132 : memref<128xi32, #tpu.memory_space<vmem>>) semaphore(%arg8 : memref<!tpu.dma_semaphore, #tpu.memory_space<semaphore_mem>>)
    %dma_start3A_136 = arith.constant 11 : i32
    %dma_start3A_137 = arith.constant 1 : i32
    %dma_start3A_138 = arith.constant 128 : i32
    %dma_start3A_139 = arith.constant 0 : i32
    %dma_start3A_140 = tpu.memref_slice %arg6[%dma_start3A_137, %dma_start3A_138, %dma_start3A_139] : memref<2x1280x32xf32, #tpu.memory_space<vmem>> -> memref<1x128x32xf32, #tpu.memory_space<vmem>>
    %dma_start3A_141 = tpu.memref_squeeze %dma_start3A_140 : memref<1x128x32xf32, #tpu.memory_space<vmem>> -> memref<128x32xf32, #tpu.memory_space<vmem>>
    %dma_start3A_142 = arith.constant 0 : i32
    %dma_start3A_143 = tpu.memref_slice %arg5[%dma_start3A_136, %dma_start3A_142] : memref<50x128xi32, #tpu.memory_space<vmem>> -> memref<1x128xi32, #tpu.memory_space<vmem>>
    %dma_start3A_144 = tpu.memref_squeeze %dma_start3A_143 : memref<1x128xi32, #tpu.memory_space<vmem>> -> memref<128xi32, #tpu.memory_space<vmem>>
    %dma_start3A_145 = arith.constant 0 : i32
    %dma_start3A_146 = arith.constant 0 : i32
    %dma_start3A_147 = tpu.memref_slice %arg3[%dma_start3A_145, %dma_start3A_146] : memref<1000000x32xf32, #tpu.memory_space<hbm>> -> memref<1000000x32xf32, #tpu.memory_space<hbm>>
    tpu.enqueue_indirect_dma source(%dma_start3A_147 : memref<1000000x32xf32, #tpu.memory_space<hbm>>) target(%dma_start3A_141 : memref<128x32xf32, #tpu.memory_space<vmem>>) offsets(%dma_start3A_144 : memref<128xi32, #tpu.memory_space<vmem>>) semaphore(%arg8 : memref<!tpu.dma_semaphore, #tpu.memory_space<semaphore_mem>>)
    %dma_start3A_148 = arith.constant 12 : i32
    %dma_start3A_149 = arith.constant 1 : i32
    %dma_start3A_150 = arith.constant 256 : i32
    %dma_start3A_151 = arith.constant 0 : i32
    %dma_start3A_152 = tpu.memref_slice %arg6[%dma_start3A_149, %dma_start3A_150, %dma_start3A_151] : memref<2x1280x32xf32, #tpu.memory_space<vmem>> -> memref<1x128x32xf32, #tpu.memory_space<vmem>>
    %dma_start3A_153 = tpu.memref_squeeze %dma_start3A_152 : memref<1x128x32xf32, #tpu.memory_space<vmem>> -> memref<128x32xf32, #tpu.memory_space<vmem>>
    %dma_start3A_154 = arith.constant 0 : i32
    %dma_start3A_155 = tpu.memref_slice %arg5[%dma_start3A_148, %dma_start3A_154] : memref<50x128xi32, #tpu.memory_space<vmem>> -> memref<1x128xi32, #tpu.memory_space<vmem>>
    %dma_start3A_156 = tpu.memref_squeeze %dma_start3A_155 : memref<1x128xi32, #tpu.memory_space<vmem>> -> memref<128xi32, #tpu.memory_space<vmem>>
    %dma_start3A_157 = arith.constant 0 : i32
    %dma_start3A_158 = arith.constant 0 : i32
    %dma_start3A_159 = tpu.memref_slice %arg3[%dma_start3A_157, %dma_start3A_158] : memref<1000000x32xf32, #tpu.memory_space<hbm>> -> memref<1000000x32xf32, #tpu.memory_space<hbm>>
    tpu.enqueue_indirect_dma source(%dma_start3A_159 : memref<1000000x32xf32, #tpu.memory_space<hbm>>) target(%dma_start3A_153 : memref<128x32xf32, #tpu.memory_space<vmem>>) offsets(%dma_start3A_156 : memref<128xi32, #tpu.memory_space<vmem>>) semaphore(%arg8 : memref<!tpu.dma_semaphore, #tpu.memory_space<semaphore_mem>>)
    %dma_start3A_160 = arith.constant 13 : i32
    %dma_start3A_161 = arith.constant 1 : i32
    %dma_start3A_162 = arith.constant 384 : i32
    %dma_start3A_163 = arith.constant 0 : i32
    %dma_start3A_164 = tpu.memref_slice %arg6[%dma_start3A_161, %dma_start3A_162, %dma_start3A_163] : memref<2x1280x32xf32, #tpu.memory_space<vmem>> -> memref<1x128x32xf32, #tpu.memory_space<vmem>>
    %dma_start3A_165 = tpu.memref_squeeze %dma_start3A_164 : memref<1x128x32xf32, #tpu.memory_space<vmem>> -> memref<128x32xf32, #tpu.memory_space<vmem>>
    %dma_start3A_166 = arith.constant 0 : i32
    %dma_start3A_167 = tpu.memref_slice %arg5[%dma_start3A_160, %dma_start3A_166] : memref<50x128xi32, #tpu.memory_space<vmem>> -> memref<1x128xi32, #tpu.memory_space<vmem>>
    %dma_start3A_168 = tpu.memref_squeeze %dma_start3A_167 : memref<1x128xi32, #tpu.memory_space<vmem>> -> memref<128xi32, #tpu.memory_space<vmem>>
    %dma_start3A_169 = arith.constant 0 : i32
    %dma_start3A_170 = arith.constant 0 : i32
    %dma_start3A_171 = tpu.memref_slice %arg3[%dma_start3A_169, %dma_start3A_170] : memref<1000000x32xf32, #tpu.memory_space<hbm>> -> memref<1000000x32xf32, #tpu.memory_space<hbm>>
    tpu.enqueue_indirect_dma source(%dma_start3A_171 : memref<1000000x32xf32, #tpu.memory_space<hbm>>) target(%dma_start3A_165 : memref<128x32xf32, #tpu.memory_space<vmem>>) offsets(%dma_start3A_168 : memref<128xi32, #tpu.memory_space<vmem>>) semaphore(%arg8 : memref<!tpu.dma_semaphore, #tpu.memory_space<semaphore_mem>>)
    %dma_start3A_172 = arith.constant 14 : i32
    %dma_start3A_173 = arith.constant 1 : i32
    %dma_start3A_174 = arith.constant 512 : i32
    %dma_start3A_175 = arith.constant 0 : i32
    %dma_start3A_176 = tpu.memref_slice %arg6[%dma_start3A_173, %dma_start3A_174, %dma_start3A_175] : memref<2x1280x32xf32, #tpu.memory_space<vmem>> -> memref<1x128x32xf32, #tpu.memory_space<vmem>>
    %dma_start3A_177 = tpu.memref_squeeze %dma_start3A_176 : memref<1x128x32xf32, #tpu.memory_space<vmem>> -> memref<128x32xf32, #tpu.memory_space<vmem>>
    %dma_start3A_178 = arith.constant 0 : i32
    %dma_start3A_179 = tpu.memref_slice %arg5[%dma_start3A_172, %dma_start3A_178] : memref<50x128xi32, #tpu.memory_space<vmem>> -> memref<1x128xi32, #tpu.memory_space<vmem>>
    %dma_start3A_180 = tpu.memref_squeeze %dma_start3A_179 : memref<1x128xi32, #tpu.memory_space<vmem>> -> memref<128xi32, #tpu.memory_space<vmem>>
    %dma_start3A_181 = arith.constant 0 : i32
    %dma_start3A_182 = arith.constant 0 : i32
    %dma_start3A_183 = tpu.memref_slice %arg3[%dma_start3A_181, %dma_start3A_182] : memref<1000000x32xf32, #tpu.memory_space<hbm>> -> memref<1000000x32xf32, #tpu.memory_space<hbm>>
    tpu.enqueue_indirect_dma source(%dma_start3A_183 : memref<1000000x32xf32, #tpu.memory_space<hbm>>) target(%dma_start3A_177 : memref<128x32xf32, #tpu.memory_space<vmem>>) offsets(%dma_start3A_180 : memref<128xi32, #tpu.memory_space<vmem>>) semaphore(%arg8 : memref<!tpu.dma_semaphore, #tpu.memory_space<semaphore_mem>>)
    %dma_start3A_184 = arith.constant 15 : i32
    %dma_start3A_185 = arith.constant 1 : i32
    %dma_start3A_186 = arith.constant 640 : i32
    %dma_start3A_187 = arith.constant 0 : i32
    %dma_start3A_188 = tpu.memref_slice %arg6[%dma_start3A_185, %dma_start3A_186, %dma_start3A_187] : memref<2x1280x32xf32, #tpu.memory_space<vmem>> -> memref<1x128x32xf32, #tpu.memory_space<vmem>>
    %dma_start3A_189 = tpu.memref_squeeze %dma_start3A_188 : memref<1x128x32xf32, #tpu.memory_space<vmem>> -> memref<128x32xf32, #tpu.memory_space<vmem>>
    %dma_start3A_190 = arith.constant 0 : i32
    %dma_start3A_191 = tpu.memref_slice %arg5[%dma_start3A_184, %dma_start3A_190] : memref<50x128xi32, #tpu.memory_space<vmem>> -> memref<1x128xi32, #tpu.memory_space<vmem>>
    %dma_start3A_192 = tpu.memref_squeeze %dma_start3A_191 : memref<1x128xi32, #tpu.memory_space<vmem>> -> memref<128xi32, #tpu.memory_space<vmem>>
    %dma_start3A_193 = arith.constant 0 : i32
    %dma_start3A_194 = arith.constant 0 : i32
    %dma_start3A_195 = tpu.memref_slice %arg3[%dma_start3A_193, %dma_start3A_194] : memref<1000000x32xf32, #tpu.memory_space<hbm>> -> memref<1000000x32xf32, #tpu.memory_space<hbm>>
    tpu.enqueue_indirect_dma source(%dma_start3A_195 : memref<1000000x32xf32, #tpu.memory_space<hbm>>) target(%dma_start3A_189 : memref<128x32xf32, #tpu.memory_space<vmem>>) offsets(%dma_start3A_192 : memref<128xi32, #tpu.memory_space<vmem>>) semaphore(%arg8 : memref<!tpu.dma_semaphore, #tpu.memory_space<semaphore_mem>>)
    %dma_start3A_196 = arith.constant 16 : i32
    %dma_start3A_197 = arith.constant 1 : i32
    %dma_start3A_198 = arith.constant 768 : i32
    %dma_start3A_199 = arith.constant 0 : i32
    %dma_start3A_200 = tpu.memref_slice %arg6[%dma_start3A_197, %dma_start3A_198, %dma_start3A_199] : memref<2x1280x32xf32, #tpu.memory_space<vmem>> -> memref<1x128x32xf32, #tpu.memory_space<vmem>>
    %dma_start3A_201 = tpu.memref_squeeze %dma_start3A_200 : memref<1x128x32xf32, #tpu.memory_space<vmem>> -> memref<128x32xf32, #tpu.memory_space<vmem>>
    %dma_start3A_202 = arith.constant 0 : i32
    %dma_start3A_203 = tpu.memref_slice %arg5[%dma_start3A_196, %dma_start3A_202] : memref<50x128xi32, #tpu.memory_space<vmem>> -> memref<1x128xi32, #tpu.memory_space<vmem>>
    %dma_start3A_204 = tpu.memref_squeeze %dma_start3A_203 : memref<1x128xi32, #tpu.memory_space<vmem>> -> memref<128xi32, #tpu.memory_space<vmem>>
    %dma_start3A_205 = arith.constant 0 : i32
    %dma_start3A_206 = arith.constant 0 : i32
    %dma_start3A_207 = tpu.memref_slice %arg3[%dma_start3A_205, %dma_start3A_206] : memref<1000000x32xf32, #tpu.memory_space<hbm>> -> memref<1000000x32xf32, #tpu.memory_space<hbm>>
    tpu.enqueue_indirect_dma source(%dma_start3A_207 : memref<1000000x32xf32, #tpu.memory_space<hbm>>) target(%dma_start3A_201 : memref<128x32xf32, #tpu.memory_space<vmem>>) offsets(%dma_start3A_204 : memref<128xi32, #tpu.memory_space<vmem>>) semaphore(%arg8 : memref<!tpu.dma_semaphore, #tpu.memory_space<semaphore_mem>>)
    %dma_start3A_208 = arith.constant 17 : i32
    %dma_start3A_209 = arith.constant 1 : i32
    %dma_start3A_210 = arith.constant 896 : i32
    %dma_start3A_211 = arith.constant 0 : i32
    %dma_start3A_212 = tpu.memref_slice %arg6[%dma_start3A_209, %dma_start3A_210, %dma_start3A_211] : memref<2x1280x32xf32, #tpu.memory_space<vmem>> -> memref<1x128x32xf32, #tpu.memory_space<vmem>>
    %dma_start3A_213 = tpu.memref_squeeze %dma_start3A_212 : memref<1x128x32xf32, #tpu.memory_space<vmem>> -> memref<128x32xf32, #tpu.memory_space<vmem>>
    %dma_start3A_214 = arith.constant 0 : i32
    %dma_start3A_215 = tpu.memref_slice %arg5[%dma_start3A_208, %dma_start3A_214] : memref<50x128xi32, #tpu.memory_space<vmem>> -> memref<1x128xi32, #tpu.memory_space<vmem>>
    %dma_start3A_216 = tpu.memref_squeeze %dma_start3A_215 : memref<1x128xi32, #tpu.memory_space<vmem>> -> memref<128xi32, #tpu.memory_space<vmem>>
    %dma_start3A_217 = arith.constant 0 : i32
    %dma_start3A_218 = arith.constant 0 : i32
    %dma_start3A_219 = tpu.memref_slice %arg3[%dma_start3A_217, %dma_start3A_218] : memref<1000000x32xf32, #tpu.memory_space<hbm>> -> memref<1000000x32xf32, #tpu.memory_space<hbm>>
    tpu.enqueue_indirect_dma source(%dma_start3A_219 : memref<1000000x32xf32, #tpu.memory_space<hbm>>) target(%dma_start3A_213 : memref<128x32xf32, #tpu.memory_space<vmem>>) offsets(%dma_start3A_216 : memref<128xi32, #tpu.memory_space<vmem>>) semaphore(%arg8 : memref<!tpu.dma_semaphore, #tpu.memory_space<semaphore_mem>>)
    %dma_start3A_220 = arith.constant 18 : i32
    %dma_start3A_221 = arith.constant 1 : i32
    %dma_start3A_222 = arith.constant 1024 : i32
    %dma_start3A_223 = arith.constant 0 : i32
    %dma_start3A_224 = tpu.memref_slice %arg6[%dma_start3A_221, %dma_start3A_222, %dma_start3A_223] : memref<2x1280x32xf32, #tpu.memory_space<vmem>> -> memref<1x128x32xf32, #tpu.memory_space<vmem>>
    %dma_start3A_225 = tpu.memref_squeeze %dma_start3A_224 : memref<1x128x32xf32, #tpu.memory_space<vmem>> -> memref<128x32xf32, #tpu.memory_space<vmem>>
    %dma_start3A_226 = arith.constant 0 : i32
    %dma_start3A_227 = tpu.memref_slice %arg5[%dma_start3A_220, %dma_start3A_226] : memref<50x128xi32, #tpu.memory_space<vmem>> -> memref<1x128xi32, #tpu.memory_space<vmem>>
    %dma_start3A_228 = tpu.memref_squeeze %dma_start3A_227 : memref<1x128xi32, #tpu.memory_space<vmem>> -> memref<128xi32, #tpu.memory_space<vmem>>
    %dma_start3A_229 = arith.constant 0 : i32
    %dma_start3A_230 = arith.constant 0 : i32
    %dma_start3A_231 = tpu.memref_slice %arg3[%dma_start3A_229, %dma_start3A_230] : memref<1000000x32xf32, #tpu.memory_space<hbm>> -> memref<1000000x32xf32, #tpu.memory_space<hbm>>
    tpu.enqueue_indirect_dma source(%dma_start3A_231 : memref<1000000x32xf32, #tpu.memory_space<hbm>>) target(%dma_start3A_225 : memref<128x32xf32, #tpu.memory_space<vmem>>) offsets(%dma_start3A_228 : memref<128xi32, #tpu.memory_space<vmem>>) semaphore(%arg8 : memref<!tpu.dma_semaphore, #tpu.memory_space<semaphore_mem>>)
    %dma_start3A_232 = arith.constant 19 : i32
    %dma_start3A_233 = arith.constant 1 : i32
    %dma_start3A_234 = arith.constant 1152 : i32
    %dma_start3A_235 = arith.constant 0 : i32
    %dma_start3A_236 = tpu.memref_slice %arg6[%dma_start3A_233, %dma_start3A_234, %dma_start3A_235] : memref<2x1280x32xf32, #tpu.memory_space<vmem>> -> memref<1x128x32xf32, #tpu.memory_space<vmem>>
    %dma_start3A_237 = tpu.memref_squeeze %dma_start3A_236 : memref<1x128x32xf32, #tpu.memory_space<vmem>> -> memref<128x32xf32, #tpu.memory_space<vmem>>
    %dma_start3A_238 = arith.constant 0 : i32
    %dma_start3A_239 = tpu.memref_slice %arg5[%dma_start3A_232, %dma_start3A_238] : memref<50x128xi32, #tpu.memory_space<vmem>> -> memref<1x128xi32, #tpu.memory_space<vmem>>
    %dma_start3A_240 = tpu.memref_squeeze %dma_start3A_239 : memref<1x128xi32, #tpu.memory_space<vmem>> -> memref<128xi32, #tpu.memory_space<vmem>>
    %dma_start3A_241 = arith.constant 0 : i32
    %dma_start3A_242 = arith.constant 0 : i32
    %dma_start3A_243 = tpu.memref_slice %arg3[%dma_start3A_241, %dma_start3A_242] : memref<1000000x32xf32, #tpu.memory_space<hbm>> -> memref<1000000x32xf32, #tpu.memory_space<hbm>>
    tpu.enqueue_indirect_dma source(%dma_start3A_243 : memref<1000000x32xf32, #tpu.memory_space<hbm>>) target(%dma_start3A_237 : memref<128x32xf32, #tpu.memory_space<vmem>>) offsets(%dma_start3A_240 : memref<128xi32, #tpu.memory_space<vmem>>) semaphore(%arg8 : memref<!tpu.dma_semaphore, #tpu.memory_space<semaphore_mem>>)
    %dma_wait3A = arith.constant 0 : i32
    %dma_wait3A_244 = arith.constant 0 : i32
    %dma_wait3A_245 = arith.constant 0 : i32
    %dma_wait3A_246 = arith.constant 0 : i32
    %dma_wait3A_247 = tpu.memref_slice %arg6[%dma_wait3A_244, %dma_wait3A_245, %dma_wait3A_246] : memref<2x1280x32xf32, #tpu.memory_space<vmem>> -> memref<1x128x32xf32, #tpu.memory_space<vmem>>
    %dma_wait3A_248 = tpu.memref_squeeze %dma_wait3A_247 : memref<1x128x32xf32, #tpu.memory_space<vmem>> -> memref<128x32xf32, #tpu.memory_space<vmem>>
    %dma_wait3A_249 = arith.constant 0 : i32
    %dma_wait3A_250 = tpu.memref_slice %arg5[%dma_wait3A, %dma_wait3A_249] : memref<50x128xi32, #tpu.memory_space<vmem>> -> memref<1x128xi32, #tpu.memory_space<vmem>>
    %dma_wait3A_251 = tpu.memref_squeeze %dma_wait3A_250 : memref<1x128xi32, #tpu.memory_space<vmem>> -> memref<128xi32, #tpu.memory_space<vmem>>
    %dma_wait3A_252 = arith.constant 0 : i32
    %dma_wait3A_253 = arith.constant 0 : i32
    %dma_wait3A_254 = tpu.memref_slice %arg3[%dma_wait3A_252, %dma_wait3A_253] : memref<1000000x32xf32, #tpu.memory_space<hbm>> -> memref<1000000x32xf32, #tpu.memory_space<hbm>>
    tpu.wait_indirect_dma semaphore(%arg7 : memref<!tpu.dma_semaphore, #tpu.memory_space<semaphore_mem>>) src(%dma_wait3A_254 : memref<1000000x32xf32, #tpu.memory_space<hbm>>) dst(%dma_wait3A_248 : memref<128x32xf32, #tpu.memory_space<vmem>>)
    %dma_wait3A_255 = arith.constant 1 : i32
    %dma_wait3A_256 = arith.constant 0 : i32
    %dma_wait3A_257 = arith.constant 128 : i32
    %dma_wait3A_258 = arith.constant 0 : i32
    %dma_wait3A_259 = tpu.memref_slice %arg6[%dma_wait3A_256, %dma_wait3A_257, %dma_wait3A_258] : memref<2x1280x32xf32, #tpu.memory_space<vmem>> -> memref<1x128x32xf32, #tpu.memory_space<vmem>>
    %dma_wait3A_260 = tpu.memref_squeeze %dma_wait3A_259 : memref<1x128x32xf32, #tpu.memory_space<vmem>> -> memref<128x32xf32, #tpu.memory_space<vmem>>
    %dma_wait3A_261 = arith.constant 0 : i32
    %dma_wait3A_262 = tpu.memref_slice %arg5[%dma_wait3A_255, %dma_wait3A_261] : memref<50x128xi32, #tpu.memory_space<vmem>> -> memref<1x128xi32, #tpu.memory_space<vmem>>
    %dma_wait3A_263 = tpu.memref_squeeze %dma_wait3A_262 : memref<1x128xi32, #tpu.memory_space<vmem>> -> memref<128xi32, #tpu.memory_space<vmem>>
    %dma_wait3A_264 = arith.constant 0 : i32
    %dma_wait3A_265 = arith.constant 0 : i32
    %dma_wait3A_266 = tpu.memref_slice %arg3[%dma_wait3A_264, %dma_wait3A_265] : memref<1000000x32xf32, #tpu.memory_space<hbm>> -> memref<1000000x32xf32, #tpu.memory_space<hbm>>
    tpu.wait_indirect_dma semaphore(%arg7 : memref<!tpu.dma_semaphore, #tpu.memory_space<semaphore_mem>>) src(%dma_wait3A_266 : memref<1000000x32xf32, #tpu.memory_space<hbm>>) dst(%dma_wait3A_260 : memref<128x32xf32, #tpu.memory_space<vmem>>)
    %dma_wait3A_267 = arith.constant 2 : i32
    %dma_wait3A_268 = arith.constant 0 : i32
    %dma_wait3A_269 = arith.constant 256 : i32
    %dma_wait3A_270 = arith.constant 0 : i32
    %dma_wait3A_271 = tpu.memref_slice %arg6[%dma_wait3A_268, %dma_wait3A_269, %dma_wait3A_270] : memref<2x1280x32xf32, #tpu.memory_space<vmem>> -> memref<1x128x32xf32, #tpu.memory_space<vmem>>
    %dma_wait3A_272 = tpu.memref_squeeze %dma_wait3A_271 : memref<1x128x32xf32, #tpu.memory_space<vmem>> -> memref<128x32xf32, #tpu.memory_space<vmem>>
    %dma_wait3A_273 = arith.constant 0 : i32
    %dma_wait3A_274 = tpu.memref_slice %arg5[%dma_wait3A_267, %dma_wait3A_273] : memref<50x128xi32, #tpu.memory_space<vmem>> -> memref<1x128xi32, #tpu.memory_space<vmem>>
    %dma_wait3A_275 = tpu.memref_squeeze %dma_wait3A_274 : memref<1x128xi32, #tpu.memory_space<vmem>> -> memref<128xi32, #tpu.memory_space<vmem>>
    %dma_wait3A_276 = arith.constant 0 : i32
    %dma_wait3A_277 = arith.constant 0 : i32
    %dma_wait3A_278 = tpu.memref_slice %arg3[%dma_wait3A_276, %dma_wait3A_277] : memref<1000000x32xf32, #tpu.memory_space<hbm>> -> memref<1000000x32xf32, #tpu.memory_space<hbm>>
    tpu.wait_indirect_dma semaphore(%arg7 : memref<!tpu.dma_semaphore, #tpu.memory_space<semaphore_mem>>) src(%dma_wait3A_278 : memref<1000000x32xf32, #tpu.memory_space<hbm>>) dst(%dma_wait3A_272 : memref<128x32xf32, #tpu.memory_space<vmem>>)
    %dma_wait3A_279 = arith.constant 3 : i32
    %dma_wait3A_280 = arith.constant 0 : i32
    %dma_wait3A_281 = arith.constant 384 : i32
    %dma_wait3A_282 = arith.constant 0 : i32
    %dma_wait3A_283 = tpu.memref_slice %arg6[%dma_wait3A_280, %dma_wait3A_281, %dma_wait3A_282] : memref<2x1280x32xf32, #tpu.memory_space<vmem>> -> memref<1x128x32xf32, #tpu.memory_space<vmem>>
    %dma_wait3A_284 = tpu.memref_squeeze %dma_wait3A_283 : memref<1x128x32xf32, #tpu.memory_space<vmem>> -> memref<128x32xf32, #tpu.memory_space<vmem>>
    %dma_wait3A_285 = arith.constant 0 : i32
    %dma_wait3A_286 = tpu.memref_slice %arg5[%dma_wait3A_279, %dma_wait3A_285] : memref<50x128xi32, #tpu.memory_space<vmem>> -> memref<1x128xi32, #tpu.memory_space<vmem>>
    %dma_wait3A_287 = tpu.memref_squeeze %dma_wait3A_286 : memref<1x128xi32, #tpu.memory_space<vmem>> -> memref<128xi32, #tpu.memory_space<vmem>>
    %dma_wait3A_288 = arith.constant 0 : i32
    %dma_wait3A_289 = arith.constant 0 : i32
    %dma_wait3A_290 = tpu.memref_slice %arg3[%dma_wait3A_288, %dma_wait3A_289] : memref<1000000x32xf32, #tpu.memory_space<hbm>> -> memref<1000000x32xf32, #tpu.memory_space<hbm>>
    tpu.wait_indirect_dma semaphore(%arg7 : memref<!tpu.dma_semaphore, #tpu.memory_space<semaphore_mem>>) src(%dma_wait3A_290 : memref<1000000x32xf32, #tpu.memory_space<hbm>>) dst(%dma_wait3A_284 : memref<128x32xf32, #tpu.memory_space<vmem>>)
    %dma_wait3A_291 = arith.constant 4 : i32
    %dma_wait3A_292 = arith.constant 0 : i32
    %dma_wait3A_293 = arith.constant 512 : i32
    %dma_wait3A_294 = arith.constant 0 : i32
    %dma_wait3A_295 = tpu.memref_slice %arg6[%dma_wait3A_292, %dma_wait3A_293, %dma_wait3A_294] : memref<2x1280x32xf32, #tpu.memory_space<vmem>> -> memref<1x128x32xf32, #tpu.memory_space<vmem>>
    %dma_wait3A_296 = tpu.memref_squeeze %dma_wait3A_295 : memref<1x128x32xf32, #tpu.memory_space<vmem>> -> memref<128x32xf32, #tpu.memory_space<vmem>>
    %dma_wait3A_297 = arith.constant 0 : i32
    %dma_wait3A_298 = tpu.memref_slice %arg5[%dma_wait3A_291, %dma_wait3A_297] : memref<50x128xi32, #tpu.memory_space<vmem>> -> memref<1x128xi32, #tpu.memory_space<vmem>>
    %dma_wait3A_299 = tpu.memref_squeeze %dma_wait3A_298 : memref<1x128xi32, #tpu.memory_space<vmem>> -> memref<128xi32, #tpu.memory_space<vmem>>
    %dma_wait3A_300 = arith.constant 0 : i32
    %dma_wait3A_301 = arith.constant 0 : i32
    %dma_wait3A_302 = tpu.memref_slice %arg3[%dma_wait3A_300, %dma_wait3A_301] : memref<1000000x32xf32, #tpu.memory_space<hbm>> -> memref<1000000x32xf32, #tpu.memory_space<hbm>>
    tpu.wait_indirect_dma semaphore(%arg7 : memref<!tpu.dma_semaphore, #tpu.memory_space<semaphore_mem>>) src(%dma_wait3A_302 : memref<1000000x32xf32, #tpu.memory_space<hbm>>) dst(%dma_wait3A_296 : memref<128x32xf32, #tpu.memory_space<vmem>>)
    %dma_wait3A_303 = arith.constant 5 : i32
    %dma_wait3A_304 = arith.constant 0 : i32
    %dma_wait3A_305 = arith.constant 640 : i32
    %dma_wait3A_306 = arith.constant 0 : i32
    %dma_wait3A_307 = tpu.memref_slice %arg6[%dma_wait3A_304, %dma_wait3A_305, %dma_wait3A_306] : memref<2x1280x32xf32, #tpu.memory_space<vmem>> -> memref<1x128x32xf32, #tpu.memory_space<vmem>>
    %dma_wait3A_308 = tpu.memref_squeeze %dma_wait3A_307 : memref<1x128x32xf32, #tpu.memory_space<vmem>> -> memref<128x32xf32, #tpu.memory_space<vmem>>
    %dma_wait3A_309 = arith.constant 0 : i32
    %dma_wait3A_310 = tpu.memref_slice %arg5[%dma_wait3A_303, %dma_wait3A_309] : memref<50x128xi32, #tpu.memory_space<vmem>> -> memref<1x128xi32, #tpu.memory_space<vmem>>
    %dma_wait3A_311 = tpu.memref_squeeze %dma_wait3A_310 : memref<1x128xi32, #tpu.memory_space<vmem>> -> memref<128xi32, #tpu.memory_space<vmem>>
    %dma_wait3A_312 = arith.constant 0 : i32
    %dma_wait3A_313 = arith.constant 0 : i32
    %dma_wait3A_314 = tpu.memref_slice %arg3[%dma_wait3A_312, %dma_wait3A_313] : memref<1000000x32xf32, #tpu.memory_space<hbm>> -> memref<1000000x32xf32, #tpu.memory_space<hbm>>
    tpu.wait_indirect_dma semaphore(%arg7 : memref<!tpu.dma_semaphore, #tpu.memory_space<semaphore_mem>>) src(%dma_wait3A_314 : memref<1000000x32xf32, #tpu.memory_space<hbm>>) dst(%dma_wait3A_308 : memref<128x32xf32, #tpu.memory_space<vmem>>)
    %dma_wait3A_315 = arith.constant 6 : i32
    %dma_wait3A_316 = arith.constant 0 : i32
    %dma_wait3A_317 = arith.constant 768 : i32
    %dma_wait3A_318 = arith.constant 0 : i32
    %dma_wait3A_319 = tpu.memref_slice %arg6[%dma_wait3A_316, %dma_wait3A_317, %dma_wait3A_318] : memref<2x1280x32xf32, #tpu.memory_space<vmem>> -> memref<1x128x32xf32, #tpu.memory_space<vmem>>
    %dma_wait3A_320 = tpu.memref_squeeze %dma_wait3A_319 : memref<1x128x32xf32, #tpu.memory_space<vmem>> -> memref<128x32xf32, #tpu.memory_space<vmem>>
    %dma_wait3A_321 = arith.constant 0 : i32
    %dma_wait3A_322 = tpu.memref_slice %arg5[%dma_wait3A_315, %dma_wait3A_321] : memref<50x128xi32, #tpu.memory_space<vmem>> -> memref<1x128xi32, #tpu.memory_space<vmem>>
    %dma_wait3A_323 = tpu.memref_squeeze %dma_wait3A_322 : memref<1x128xi32, #tpu.memory_space<vmem>> -> memref<128xi32, #tpu.memory_space<vmem>>
    %dma_wait3A_324 = arith.constant 0 : i32
    %dma_wait3A_325 = arith.constant 0 : i32
    %dma_wait3A_326 = tpu.memref_slice %arg3[%dma_wait3A_324, %dma_wait3A_325] : memref<1000000x32xf32, #tpu.memory_space<hbm>> -> memref<1000000x32xf32, #tpu.memory_space<hbm>>
    tpu.wait_indirect_dma semaphore(%arg7 : memref<!tpu.dma_semaphore, #tpu.memory_space<semaphore_mem>>) src(%dma_wait3A_326 : memref<1000000x32xf32, #tpu.memory_space<hbm>>) dst(%dma_wait3A_320 : memref<128x32xf32, #tpu.memory_space<vmem>>)
    %dma_wait3A_327 = arith.constant 7 : i32
    %dma_wait3A_328 = arith.constant 0 : i32
    %dma_wait3A_329 = arith.constant 896 : i32
    %dma_wait3A_330 = arith.constant 0 : i32
    %dma_wait3A_331 = tpu.memref_slice %arg6[%dma_wait3A_328, %dma_wait3A_329, %dma_wait3A_330] : memref<2x1280x32xf32, #tpu.memory_space<vmem>> -> memref<1x128x32xf32, #tpu.memory_space<vmem>>
    %dma_wait3A_332 = tpu.memref_squeeze %dma_wait3A_331 : memref<1x128x32xf32, #tpu.memory_space<vmem>> -> memref<128x32xf32, #tpu.memory_space<vmem>>
    %dma_wait3A_333 = arith.constant 0 : i32
    %dma_wait3A_334 = tpu.memref_slice %arg5[%dma_wait3A_327, %dma_wait3A_333] : memref<50x128xi32, #tpu.memory_space<vmem>> -> memref<1x128xi32, #tpu.memory_space<vmem>>
    %dma_wait3A_335 = tpu.memref_squeeze %dma_wait3A_334 : memref<1x128xi32, #tpu.memory_space<vmem>> -> memref<128xi32, #tpu.memory_space<vmem>>
    %dma_wait3A_336 = arith.constant 0 : i32
    %dma_wait3A_337 = arith.constant 0 : i32
    %dma_wait3A_338 = tpu.memref_slice %arg3[%dma_wait3A_336, %dma_wait3A_337] : memref<1000000x32xf32, #tpu.memory_space<hbm>> -> memref<1000000x32xf32, #tpu.memory_space<hbm>>
    tpu.wait_indirect_dma semaphore(%arg7 : memref<!tpu.dma_semaphore, #tpu.memory_space<semaphore_mem>>) src(%dma_wait3A_338 : memref<1000000x32xf32, #tpu.memory_space<hbm>>) dst(%dma_wait3A_332 : memref<128x32xf32, #tpu.memory_space<vmem>>)
    %dma_wait3A_339 = arith.constant 8 : i32
    %dma_wait3A_340 = arith.constant 0 : i32
    %dma_wait3A_341 = arith.constant 1024 : i32
    %dma_wait3A_342 = arith.constant 0 : i32
    %dma_wait3A_343 = tpu.memref_slice %arg6[%dma_wait3A_340, %dma_wait3A_341, %dma_wait3A_342] : memref<2x1280x32xf32, #tpu.memory_space<vmem>> -> memref<1x128x32xf32, #tpu.memory_space<vmem>>
    %dma_wait3A_344 = tpu.memref_squeeze %dma_wait3A_343 : memref<1x128x32xf32, #tpu.memory_space<vmem>> -> memref<128x32xf32, #tpu.memory_space<vmem>>
    %dma_wait3A_345 = arith.constant 0 : i32
    %dma_wait3A_346 = tpu.memref_slice %arg5[%dma_wait3A_339, %dma_wait3A_345] : memref<50x128xi32, #tpu.memory_space<vmem>> -> memref<1x128xi32, #tpu.memory_space<vmem>>
    %dma_wait3A_347 = tpu.memref_squeeze %dma_wait3A_346 : memref<1x128xi32, #tpu.memory_space<vmem>> -> memref<128xi32, #tpu.memory_space<vmem>>
    %dma_wait3A_348 = arith.constant 0 : i32
    %dma_wait3A_349 = arith.constant 0 : i32
    %dma_wait3A_350 = tpu.memref_slice %arg3[%dma_wait3A_348, %dma_wait3A_349] : memref<1000000x32xf32, #tpu.memory_space<hbm>> -> memref<1000000x32xf32, #tpu.memory_space<hbm>>
    tpu.wait_indirect_dma semaphore(%arg7 : memref<!tpu.dma_semaphore, #tpu.memory_space<semaphore_mem>>) src(%dma_wait3A_350 : memref<1000000x32xf32, #tpu.memory_space<hbm>>) dst(%dma_wait3A_344 : memref<128x32xf32, #tpu.memory_space<vmem>>)
    %dma_wait3A_351 = arith.constant 9 : i32
    %dma_wait3A_352 = arith.constant 0 : i32
    %dma_wait3A_353 = arith.constant 1152 : i32
    %dma_wait3A_354 = arith.constant 0 : i32
    %dma_wait3A_355 = tpu.memref_slice %arg6[%dma_wait3A_352, %dma_wait3A_353, %dma_wait3A_354] : memref<2x1280x32xf32, #tpu.memory_space<vmem>> -> memref<1x128x32xf32, #tpu.memory_space<vmem>>
    %dma_wait3A_356 = tpu.memref_squeeze %dma_wait3A_355 : memref<1x128x32xf32, #tpu.memory_space<vmem>> -> memref<128x32xf32, #tpu.memory_space<vmem>>
    %dma_wait3A_357 = arith.constant 0 : i32
    %dma_wait3A_358 = tpu.memref_slice %arg5[%dma_wait3A_351, %dma_wait3A_357] : memref<50x128xi32, #tpu.memory_space<vmem>> -> memref<1x128xi32, #tpu.memory_space<vmem>>
    %dma_wait3A_359 = tpu.memref_squeeze %dma_wait3A_358 : memref<1x128xi32, #tpu.memory_space<vmem>> -> memref<128xi32, #tpu.memory_space<vmem>>
    %dma_wait3A_360 = arith.constant 0 : i32
    %dma_wait3A_361 = arith.constant 0 : i32
    %dma_wait3A_362 = tpu.memref_slice %arg3[%dma_wait3A_360, %dma_wait3A_361] : memref<1000000x32xf32, #tpu.memory_space<hbm>> -> memref<1000000x32xf32, #tpu.memory_space<hbm>>
    tpu.wait_indirect_dma semaphore(%arg7 : memref<!tpu.dma_semaphore, #tpu.memory_space<semaphore_mem>>) src(%dma_wait3A_362 : memref<1000000x32xf32, #tpu.memory_space<hbm>>) dst(%dma_wait3A_356 : memref<128x32xf32, #tpu.memory_space<vmem>>)
    %add3A_363 = arith.constant 0 : i32
    %add3A_364 = arith.addi %mul3A_4, %add3A_363 : i32
    %dma_start3A_365 = arith.constant 0 : i32
    %dma_start3A_366 = arith.constant 0 : i32
    %dma_start3A_367 = arith.constant 0 : i32
    %dma_start3A_368 = tpu.memref_slice %arg6[%dma_start3A_365, %dma_start3A_366, %dma_start3A_367] : memref<2x1280x32xf32, #tpu.memory_space<vmem>> -> memref<1x1280x32xf32, #tpu.memory_space<vmem>>
    %dma_start3A_369 = tpu.memref_squeeze %dma_start3A_368 : memref<1x1280x32xf32, #tpu.memory_space<vmem>> -> memref<1280x32xf32, #tpu.memory_space<vmem>>
    %dma_start3A_370 = arith.constant 0 : i32
    %dma_start3A_371 = tpu.memref_slice %arg4[%add3A_364, %dma_start3A_370] : memref<204800x32xf32, #tpu.memory_space<hbm>> -> memref<1280x32xf32, #tpu.memory_space<hbm>>
    %dma_start3A_372 = arith.constant 0 : i32
    %dma_start3A_373 = tpu.memref_slice %arg4[%add3A_364, %dma_start3A_372] : memref<204800x32xf32, #tpu.memory_space<hbm>> -> memref<1280x32xf32, #tpu.memory_space<hbm>>
    %dma_start3A_374 = arith.constant 0 : i32
    %dma_start3A_375 = arith.constant 0 : i32
    %dma_start3A_376 = tpu.memref_slice %arg6[%dma_start3A_365, %dma_start3A_374, %dma_start3A_375] : memref<2x1280x32xf32, #tpu.memory_space<vmem>> -> memref<1x1280x32xf32, #tpu.memory_space<vmem>>
    %dma_start3A_377 = tpu.memref_squeeze %dma_start3A_376 : memref<1x1280x32xf32, #tpu.memory_space<vmem>> -> memref<1280x32xf32, #tpu.memory_space<vmem>>
    tpu.enqueue_dma source(%dma_start3A_377 : memref<1280x32xf32, #tpu.memory_space<vmem>>) target(%dma_start3A_373 : memref<1280x32xf32, #tpu.memory_space<hbm>>) target_semaphore(%arg9 : memref<!tpu.dma_semaphore, #tpu.memory_space<semaphore_mem>>)
    %dma_wait3A_378 = arith.constant 0 : i32
    %dma_wait3A_379 = arith.constant 0 : i32
    %dma_wait3A_380 = arith.constant 0 : i32
    %dma_wait3A_381 = tpu.memref_slice %arg6[%dma_wait3A_378, %dma_wait3A_379, %dma_wait3A_380] : memref<2x1280x32xf32, #tpu.memory_space<vmem>> -> memref<1x1280x32xf32, #tpu.memory_space<vmem>>
    %dma_wait3A_382 = tpu.memref_squeeze %dma_wait3A_381 : memref<1x1280x32xf32, #tpu.memory_space<vmem>> -> memref<1280x32xf32, #tpu.memory_space<vmem>>
    %dma_wait3A_383 = arith.constant 0 : i32
    %dma_wait3A_384 = tpu.memref_slice %arg4[%add3A_364, %dma_wait3A_383] : memref<204800x32xf32, #tpu.memory_space<hbm>> -> memref<1280x32xf32, #tpu.memory_space<hbm>>
    %dma_wait3A_385 = arith.constant 0 : i32
    %dma_wait3A_386 = tpu.memref_slice %arg4[%add3A_364, %dma_wait3A_385] : memref<204800x32xf32, #tpu.memory_space<hbm>> -> memref<1280x32xf32, #tpu.memory_space<hbm>>
    %dma_wait3A_387 = arith.constant 0 : i32
    %dma_wait3A_388 = arith.constant 0 : i32
    %dma_wait3A_389 = tpu.memref_slice %arg6[%dma_wait3A_378, %dma_wait3A_387, %dma_wait3A_388] : memref<2x1280x32xf32, #tpu.memory_space<vmem>> -> memref<1x1280x32xf32, #tpu.memory_space<vmem>>
    %dma_wait3A_390 = tpu.memref_squeeze %dma_wait3A_389 : memref<1x1280x32xf32, #tpu.memory_space<vmem>> -> memref<1280x32xf32, #tpu.memory_space<vmem>>
    tpu.wait_dma2 semaphore(%arg9 : memref<!tpu.dma_semaphore, #tpu.memory_space<semaphore_mem>>) src(%dma_wait3A_390 : memref<1280x32xf32, #tpu.memory_space<vmem>>) dst(%dma_wait3A_386 : memref<1280x32xf32, #tpu.memory_space<hbm>>)
    %dma_start3A_391 = arith.constant 20 : i32
    %dma_start3A_392 = arith.constant 0 : i32
    %dma_start3A_393 = arith.constant 0 : i32
    %dma_start3A_394 = arith.constant 0 : i32
    %dma_start3A_395 = tpu.memref_slice %arg6[%dma_start3A_392, %dma_start3A_393, %dma_start3A_394] : memref<2x1280x32xf32, #tpu.memory_space<vmem>> -> memref<1x128x32xf32, #tpu.memory_space<vmem>>
    %dma_start3A_396 = tpu.memref_squeeze %dma_start3A_395 : memref<1x128x32xf32, #tpu.memory_space<vmem>> -> memref<128x32xf32, #tpu.memory_space<vmem>>
    %dma_start3A_397 = arith.constant 0 : i32
    %dma_start3A_398 = tpu.memref_slice %arg5[%dma_start3A_391, %dma_start3A_397] : memref<50x128xi32, #tpu.memory_space<vmem>> -> memref<1x128xi32, #tpu.memory_space<vmem>>
    %dma_start3A_399 = tpu.memref_squeeze %dma_start3A_398 : memref<1x128xi32, #tpu.memory_space<vmem>> -> memref<128xi32, #tpu.memory_space<vmem>>
    %dma_start3A_400 = arith.constant 0 : i32
    %dma_start3A_401 = arith.constant 0 : i32
    %dma_start3A_402 = tpu.memref_slice %arg3[%dma_start3A_400, %dma_start3A_401] : memref<1000000x32xf32, #tpu.memory_space<hbm>> -> memref<1000000x32xf32, #tpu.memory_space<hbm>>
    tpu.enqueue_indirect_dma source(%dma_start3A_402 : memref<1000000x32xf32, #tpu.memory_space<hbm>>) target(%dma_start3A_396 : memref<128x32xf32, #tpu.memory_space<vmem>>) offsets(%dma_start3A_399 : memref<128xi32, #tpu.memory_space<vmem>>) semaphore(%arg7 : memref<!tpu.dma_semaphore, #tpu.memory_space<semaphore_mem>>)
    %dma_start3A_403 = arith.constant 21 : i32
    %dma_start3A_404 = arith.constant 0 : i32
    %dma_start3A_405 = arith.constant 128 : i32
    %dma_start3A_406 = arith.constant 0 : i32
    %dma_start3A_407 = tpu.memref_slice %arg6[%dma_start3A_404, %dma_start3A_405, %dma_start3A_406] : memref<2x1280x32xf32, #tpu.memory_space<vmem>> -> memref<1x128x32xf32, #tpu.memory_space<vmem>>
    %dma_start3A_408 = tpu.memref_squeeze %dma_start3A_407 : memref<1x128x32xf32, #tpu.memory_space<vmem>> -> memref<128x32xf32, #tpu.memory_space<vmem>>
    %dma_start3A_409 = arith.constant 0 : i32
    %dma_start3A_410 = tpu.memref_slice %arg5[%dma_start3A_403, %dma_start3A_409] : memref<50x128xi32, #tpu.memory_space<vmem>> -> memref<1x128xi32, #tpu.memory_space<vmem>>
    %dma_start3A_411 = tpu.memref_squeeze %dma_start3A_410 : memref<1x128xi32, #tpu.memory_space<vmem>> -> memref<128xi32, #tpu.memory_space<vmem>>
    %dma_start3A_412 = arith.constant 0 : i32
    %dma_start3A_413 = arith.constant 0 : i32
    %dma_start3A_414 = tpu.memref_slice %arg3[%dma_start3A_412, %dma_start3A_413] : memref<1000000x32xf32, #tpu.memory_space<hbm>> -> memref<1000000x32xf32, #tpu.memory_space<hbm>>
    tpu.enqueue_indirect_dma source(%dma_start3A_414 : memref<1000000x32xf32, #tpu.memory_space<hbm>>) target(%dma_start3A_408 : memref<128x32xf32, #tpu.memory_space<vmem>>) offsets(%dma_start3A_411 : memref<128xi32, #tpu.memory_space<vmem>>) semaphore(%arg7 : memref<!tpu.dma_semaphore, #tpu.memory_space<semaphore_mem>>)
    %dma_start3A_415 = arith.constant 22 : i32
    %dma_start3A_416 = arith.constant 0 : i32
    %dma_start3A_417 = arith.constant 256 : i32
    %dma_start3A_418 = arith.constant 0 : i32
    %dma_start3A_419 = tpu.memref_slice %arg6[%dma_start3A_416, %dma_start3A_417, %dma_start3A_418] : memref<2x1280x32xf32, #tpu.memory_space<vmem>> -> memref<1x128x32xf32, #tpu.memory_space<vmem>>
    %dma_start3A_420 = tpu.memref_squeeze %dma_start3A_419 : memref<1x128x32xf32, #tpu.memory_space<vmem>> -> memref<128x32xf32, #tpu.memory_space<vmem>>
    %dma_start3A_421 = arith.constant 0 : i32
    %dma_start3A_422 = tpu.memref_slice %arg5[%dma_start3A_415, %dma_start3A_421] : memref<50x128xi32, #tpu.memory_space<vmem>> -> memref<1x128xi32, #tpu.memory_space<vmem>>
    %dma_start3A_423 = tpu.memref_squeeze %dma_start3A_422 : memref<1x128xi32, #tpu.memory_space<vmem>> -> memref<128xi32, #tpu.memory_space<vmem>>
    %dma_start3A_424 = arith.constant 0 : i32
    %dma_start3A_425 = arith.constant 0 : i32
    %dma_start3A_426 = tpu.memref_slice %arg3[%dma_start3A_424, %dma_start3A_425] : memref<1000000x32xf32, #tpu.memory_space<hbm>> -> memref<1000000x32xf32, #tpu.memory_space<hbm>>
    tpu.enqueue_indirect_dma source(%dma_start3A_426 : memref<1000000x32xf32, #tpu.memory_space<hbm>>) target(%dma_start3A_420 : memref<128x32xf32, #tpu.memory_space<vmem>>) offsets(%dma_start3A_423 : memref<128xi32, #tpu.memory_space<vmem>>) semaphore(%arg7 : memref<!tpu.dma_semaphore, #tpu.memory_space<semaphore_mem>>)
    %dma_start3A_427 = arith.constant 23 : i32
    %dma_start3A_428 = arith.constant 0 : i32
    %dma_start3A_429 = arith.constant 384 : i32
    %dma_start3A_430 = arith.constant 0 : i32
    %dma_start3A_431 = tpu.memref_slice %arg6[%dma_start3A_428, %dma_start3A_429, %dma_start3A_430] : memref<2x1280x32xf32, #tpu.memory_space<vmem>> -> memref<1x128x32xf32, #tpu.memory_space<vmem>>
    %dma_start3A_432 = tpu.memref_squeeze %dma_start3A_431 : memref<1x128x32xf32, #tpu.memory_space<vmem>> -> memref<128x32xf32, #tpu.memory_space<vmem>>
    %dma_start3A_433 = arith.constant 0 : i32
    %dma_start3A_434 = tpu.memref_slice %arg5[%dma_start3A_427, %dma_start3A_433] : memref<50x128xi32, #tpu.memory_space<vmem>> -> memref<1x128xi32, #tpu.memory_space<vmem>>
    %dma_start3A_435 = tpu.memref_squeeze %dma_start3A_434 : memref<1x128xi32, #tpu.memory_space<vmem>> -> memref<128xi32, #tpu.memory_space<vmem>>
    %dma_start3A_436 = arith.constant 0 : i32
    %dma_start3A_437 = arith.constant 0 : i32
    %dma_start3A_438 = tpu.memref_slice %arg3[%dma_start3A_436, %dma_start3A_437] : memref<1000000x32xf32, #tpu.memory_space<hbm>> -> memref<1000000x32xf32, #tpu.memory_space<hbm>>
    tpu.enqueue_indirect_dma source(%dma_start3A_438 : memref<1000000x32xf32, #tpu.memory_space<hbm>>) target(%dma_start3A_432 : memref<128x32xf32, #tpu.memory_space<vmem>>) offsets(%dma_start3A_435 : memref<128xi32, #tpu.memory_space<vmem>>) semaphore(%arg7 : memref<!tpu.dma_semaphore, #tpu.memory_space<semaphore_mem>>)
    %dma_start3A_439 = arith.constant 24 : i32
    %dma_start3A_440 = arith.constant 0 : i32
    %dma_start3A_441 = arith.constant 512 : i32
    %dma_start3A_442 = arith.constant 0 : i32
    %dma_start3A_443 = tpu.memref_slice %arg6[%dma_start3A_440, %dma_start3A_441, %dma_start3A_442] : memref<2x1280x32xf32, #tpu.memory_space<vmem>> -> memref<1x128x32xf32, #tpu.memory_space<vmem>>
    %dma_start3A_444 = tpu.memref_squeeze %dma_start3A_443 : memref<1x128x32xf32, #tpu.memory_space<vmem>> -> memref<128x32xf32, #tpu.memory_space<vmem>>
    %dma_start3A_445 = arith.constant 0 : i32
    %dma_start3A_446 = tpu.memref_slice %arg5[%dma_start3A_439, %dma_start3A_445] : memref<50x128xi32, #tpu.memory_space<vmem>> -> memref<1x128xi32, #tpu.memory_space<vmem>>
    %dma_start3A_447 = tpu.memref_squeeze %dma_start3A_446 : memref<1x128xi32, #tpu.memory_space<vmem>> -> memref<128xi32, #tpu.memory_space<vmem>>
    %dma_start3A_448 = arith.constant 0 : i32
    %dma_start3A_449 = arith.constant 0 : i32
    %dma_start3A_450 = tpu.memref_slice %arg3[%dma_start3A_448, %dma_start3A_449] : memref<1000000x32xf32, #tpu.memory_space<hbm>> -> memref<1000000x32xf32, #tpu.memory_space<hbm>>
    tpu.enqueue_indirect_dma source(%dma_start3A_450 : memref<1000000x32xf32, #tpu.memory_space<hbm>>) target(%dma_start3A_444 : memref<128x32xf32, #tpu.memory_space<vmem>>) offsets(%dma_start3A_447 : memref<128xi32, #tpu.memory_space<vmem>>) semaphore(%arg7 : memref<!tpu.dma_semaphore, #tpu.memory_space<semaphore_mem>>)
    %dma_start3A_451 = arith.constant 25 : i32
    %dma_start3A_452 = arith.constant 0 : i32
    %dma_start3A_453 = arith.constant 640 : i32
    %dma_start3A_454 = arith.constant 0 : i32
    %dma_start3A_455 = tpu.memref_slice %arg6[%dma_start3A_452, %dma_start3A_453, %dma_start3A_454] : memref<2x1280x32xf32, #tpu.memory_space<vmem>> -> memref<1x128x32xf32, #tpu.memory_space<vmem>>
    %dma_start3A_456 = tpu.memref_squeeze %dma_start3A_455 : memref<1x128x32xf32, #tpu.memory_space<vmem>> -> memref<128x32xf32, #tpu.memory_space<vmem>>
    %dma_start3A_457 = arith.constant 0 : i32
    %dma_start3A_458 = tpu.memref_slice %arg5[%dma_start3A_451, %dma_start3A_457] : memref<50x128xi32, #tpu.memory_space<vmem>> -> memref<1x128xi32, #tpu.memory_space<vmem>>
    %dma_start3A_459 = tpu.memref_squeeze %dma_start3A_458 : memref<1x128xi32, #tpu.memory_space<vmem>> -> memref<128xi32, #tpu.memory_space<vmem>>
    %dma_start3A_460 = arith.constant 0 : i32
    %dma_start3A_461 = arith.constant 0 : i32
    %dma_start3A_462 = tpu.memref_slice %arg3[%dma_start3A_460, %dma_start3A_461] : memref<1000000x32xf32, #tpu.memory_space<hbm>> -> memref<1000000x32xf32, #tpu.memory_space<hbm>>
    tpu.enqueue_indirect_dma source(%dma_start3A_462 : memref<1000000x32xf32, #tpu.memory_space<hbm>>) target(%dma_start3A_456 : memref<128x32xf32, #tpu.memory_space<vmem>>) offsets(%dma_start3A_459 : memref<128xi32, #tpu.memory_space<vmem>>) semaphore(%arg7 : memref<!tpu.dma_semaphore, #tpu.memory_space<semaphore_mem>>)
    %dma_start3A_463 = arith.constant 26 : i32
    %dma_start3A_464 = arith.constant 0 : i32
    %dma_start3A_465 = arith.constant 768 : i32
    %dma_start3A_466 = arith.constant 0 : i32
    %dma_start3A_467 = tpu.memref_slice %arg6[%dma_start3A_464, %dma_start3A_465, %dma_start3A_466] : memref<2x1280x32xf32, #tpu.memory_space<vmem>> -> memref<1x128x32xf32, #tpu.memory_space<vmem>>
    %dma_start3A_468 = tpu.memref_squeeze %dma_start3A_467 : memref<1x128x32xf32, #tpu.memory_space<vmem>> -> memref<128x32xf32, #tpu.memory_space<vmem>>
    %dma_start3A_469 = arith.constant 0 : i32
    %dma_start3A_470 = tpu.memref_slice %arg5[%dma_start3A_463, %dma_start3A_469] : memref<50x128xi32, #tpu.memory_space<vmem>> -> memref<1x128xi32, #tpu.memory_space<vmem>>
    %dma_start3A_471 = tpu.memref_squeeze %dma_start3A_470 : memref<1x128xi32, #tpu.memory_space<vmem>> -> memref<128xi32, #tpu.memory_space<vmem>>
    %dma_start3A_472 = arith.constant 0 : i32
    %dma_start3A_473 = arith.constant 0 : i32
    %dma_start3A_474 = tpu.memref_slice %arg3[%dma_start3A_472, %dma_start3A_473] : memref<1000000x32xf32, #tpu.memory_space<hbm>> -> memref<1000000x32xf32, #tpu.memory_space<hbm>>
    tpu.enqueue_indirect_dma source(%dma_start3A_474 : memref<1000000x32xf32, #tpu.memory_space<hbm>>) target(%dma_start3A_468 : memref<128x32xf32, #tpu.memory_space<vmem>>) offsets(%dma_start3A_471 : memref<128xi32, #tpu.memory_space<vmem>>) semaphore(%arg7 : memref<!tpu.dma_semaphore, #tpu.memory_space<semaphore_mem>>)
    %dma_start3A_475 = arith.constant 27 : i32
    %dma_start3A_476 = arith.constant 0 : i32
    %dma_start3A_477 = arith.constant 896 : i32
    %dma_start3A_478 = arith.constant 0 : i32
    %dma_start3A_479 = tpu.memref_slice %arg6[%dma_start3A_476, %dma_start3A_477, %dma_start3A_478] : memref<2x1280x32xf32, #tpu.memory_space<vmem>> -> memref<1x128x32xf32, #tpu.memory_space<vmem>>
    %dma_start3A_480 = tpu.memref_squeeze %dma_start3A_479 : memref<1x128x32xf32, #tpu.memory_space<vmem>> -> memref<128x32xf32, #tpu.memory_space<vmem>>
    %dma_start3A_481 = arith.constant 0 : i32
    %dma_start3A_482 = tpu.memref_slice %arg5[%dma_start3A_475, %dma_start3A_481] : memref<50x128xi32, #tpu.memory_space<vmem>> -> memref<1x128xi32, #tpu.memory_space<vmem>>
    %dma_start3A_483 = tpu.memref_squeeze %dma_start3A_482 : memref<1x128xi32, #tpu.memory_space<vmem>> -> memref<128xi32, #tpu.memory_space<vmem>>
    %dma_start3A_484 = arith.constant 0 : i32
    %dma_start3A_485 = arith.constant 0 : i32
    %dma_start3A_486 = tpu.memref_slice %arg3[%dma_start3A_484, %dma_start3A_485] : memref<1000000x32xf32, #tpu.memory_space<hbm>> -> memref<1000000x32xf32, #tpu.memory_space<hbm>>
    tpu.enqueue_indirect_dma source(%dma_start3A_486 : memref<1000000x32xf32, #tpu.memory_space<hbm>>) target(%dma_start3A_480 : memref<128x32xf32, #tpu.memory_space<vmem>>) offsets(%dma_start3A_483 : memref<128xi32, #tpu.memory_space<vmem>>) semaphore(%arg7 : memref<!tpu.dma_semaphore, #tpu.memory_space<semaphore_mem>>)
    %dma_start3A_487 = arith.constant 28 : i32
    %dma_start3A_488 = arith.constant 0 : i32
    %dma_start3A_489 = arith.constant 1024 : i32
    %dma_start3A_490 = arith.constant 0 : i32
    %dma_start3A_491 = tpu.memref_slice %arg6[%dma_start3A_488, %dma_start3A_489, %dma_start3A_490] : memref<2x1280x32xf32, #tpu.memory_space<vmem>> -> memref<1x128x32xf32, #tpu.memory_space<vmem>>
    %dma_start3A_492 = tpu.memref_squeeze %dma_start3A_491 : memref<1x128x32xf32, #tpu.memory_space<vmem>> -> memref<128x32xf32, #tpu.memory_space<vmem>>
    %dma_start3A_493 = arith.constant 0 : i32
    %dma_start3A_494 = tpu.memref_slice %arg5[%dma_start3A_487, %dma_start3A_493] : memref<50x128xi32, #tpu.memory_space<vmem>> -> memref<1x128xi32, #tpu.memory_space<vmem>>
    %dma_start3A_495 = tpu.memref_squeeze %dma_start3A_494 : memref<1x128xi32, #tpu.memory_space<vmem>> -> memref<128xi32, #tpu.memory_space<vmem>>
    %dma_start3A_496 = arith.constant 0 : i32
    %dma_start3A_497 = arith.constant 0 : i32
    %dma_start3A_498 = tpu.memref_slice %arg3[%dma_start3A_496, %dma_start3A_497] : memref<1000000x32xf32, #tpu.memory_space<hbm>> -> memref<1000000x32xf32, #tpu.memory_space<hbm>>
    tpu.enqueue_indirect_dma source(%dma_start3A_498 : memref<1000000x32xf32, #tpu.memory_space<hbm>>) target(%dma_start3A_492 : memref<128x32xf32, #tpu.memory_space<vmem>>) offsets(%dma_start3A_495 : memref<128xi32, #tpu.memory_space<vmem>>) semaphore(%arg7 : memref<!tpu.dma_semaphore, #tpu.memory_space<semaphore_mem>>)
    %dma_start3A_499 = arith.constant 29 : i32
    %dma_start3A_500 = arith.constant 0 : i32
    %dma_start3A_501 = arith.constant 1152 : i32
    %dma_start3A_502 = arith.constant 0 : i32
    %dma_start3A_503 = tpu.memref_slice %arg6[%dma_start3A_500, %dma_start3A_501, %dma_start3A_502] : memref<2x1280x32xf32, #tpu.memory_space<vmem>> -> memref<1x128x32xf32, #tpu.memory_space<vmem>>
    %dma_start3A_504 = tpu.memref_squeeze %dma_start3A_503 : memref<1x128x32xf32, #tpu.memory_space<vmem>> -> memref<128x32xf32, #tpu.memory_space<vmem>>
    %dma_start3A_505 = arith.constant 0 : i32
    %dma_start3A_506 = tpu.memref_slice %arg5[%dma_start3A_499, %dma_start3A_505] : memref<50x128xi32, #tpu.memory_space<vmem>> -> memref<1x128xi32, #tpu.memory_space<vmem>>
    %dma_start3A_507 = tpu.memref_squeeze %dma_start3A_506 : memref<1x128xi32, #tpu.memory_space<vmem>> -> memref<128xi32, #tpu.memory_space<vmem>>
    %dma_start3A_508 = arith.constant 0 : i32
    %dma_start3A_509 = arith.constant 0 : i32
    %dma_start3A_510 = tpu.memref_slice %arg3[%dma_start3A_508, %dma_start3A_509] : memref<1000000x32xf32, #tpu.memory_space<hbm>> -> memref<1000000x32xf32, #tpu.memory_space<hbm>>
    tpu.enqueue_indirect_dma source(%dma_start3A_510 : memref<1000000x32xf32, #tpu.memory_space<hbm>>) target(%dma_start3A_504 : memref<128x32xf32, #tpu.memory_space<vmem>>) offsets(%dma_start3A_507 : memref<128xi32, #tpu.memory_space<vmem>>) semaphore(%arg7 : memref<!tpu.dma_semaphore, #tpu.memory_space<semaphore_mem>>)
    %dma_wait3A_511 = arith.constant 10 : i32
    %dma_wait3A_512 = arith.constant 1 : i32
    %dma_wait3A_513 = arith.constant 0 : i32
    %dma_wait3A_514 = arith.constant 0 : i32
    %dma_wait3A_515 = tpu.memref_slice %arg6[%dma_wait3A_512, %dma_wait3A_513, %dma_wait3A_514] : memref<2x1280x32xf32, #tpu.memory_space<vmem>> -> memref<1x128x32xf32, #tpu.memory_space<vmem>>
    %dma_wait3A_516 = tpu.memref_squeeze %dma_wait3A_515 : memref<1x128x32xf32, #tpu.memory_space<vmem>> -> memref<128x32xf32, #tpu.memory_space<vmem>>
    %dma_wait3A_517 = arith.constant 0 : i32
    %dma_wait3A_518 = tpu.memref_slice %arg5[%dma_wait3A_511, %dma_wait3A_517] : memref<50x128xi32, #tpu.memory_space<vmem>> -> memref<1x128xi32, #tpu.memory_space<vmem>>
    %dma_wait3A_519 = tpu.memref_squeeze %dma_wait3A_518 : memref<1x128xi32, #tpu.memory_space<vmem>> -> memref<128xi32, #tpu.memory_space<vmem>>
    %dma_wait3A_520 = arith.constant 0 : i32
    %dma_wait3A_521 = arith.constant 0 : i32
    %dma_wait3A_522 = tpu.memref_slice %arg3[%dma_wait3A_520, %dma_wait3A_521] : memref<1000000x32xf32, #tpu.memory_space<hbm>> -> memref<1000000x32xf32, #tpu.memory_space<hbm>>
    tpu.wait_indirect_dma semaphore(%arg8 : memref<!tpu.dma_semaphore, #tpu.memory_space<semaphore_mem>>) src(%dma_wait3A_522 : memref<1000000x32xf32, #tpu.memory_space<hbm>>) dst(%dma_wait3A_516 : memref<128x32xf32, #tpu.memory_space<vmem>>)
    %dma_wait3A_523 = arith.constant 11 : i32
    %dma_wait3A_524 = arith.constant 1 : i32
    %dma_wait3A_525 = arith.constant 128 : i32
    %dma_wait3A_526 = arith.constant 0 : i32
    %dma_wait3A_527 = tpu.memref_slice %arg6[%dma_wait3A_524, %dma_wait3A_525, %dma_wait3A_526] : memref<2x1280x32xf32, #tpu.memory_space<vmem>> -> memref<1x128x32xf32, #tpu.memory_space<vmem>>
    %dma_wait3A_528 = tpu.memref_squeeze %dma_wait3A_527 : memref<1x128x32xf32, #tpu.memory_space<vmem>> -> memref<128x32xf32, #tpu.memory_space<vmem>>
    %dma_wait3A_529 = arith.constant 0 : i32
    %dma_wait3A_530 = tpu.memref_slice %arg5[%dma_wait3A_523, %dma_wait3A_529] : memref<50x128xi32, #tpu.memory_space<vmem>> -> memref<1x128xi32, #tpu.memory_space<vmem>>
    %dma_wait3A_531 = tpu.memref_squeeze %dma_wait3A_530 : memref<1x128xi32, #tpu.memory_space<vmem>> -> memref<128xi32, #tpu.memory_space<vmem>>
    %dma_wait3A_532 = arith.constant 0 : i32
    %dma_wait3A_533 = arith.constant 0 : i32
    %dma_wait3A_534 = tpu.memref_slice %arg3[%dma_wait3A_532, %dma_wait3A_533] : memref<1000000x32xf32, #tpu.memory_space<hbm>> -> memref<1000000x32xf32, #tpu.memory_space<hbm>>
    tpu.wait_indirect_dma semaphore(%arg8 : memref<!tpu.dma_semaphore, #tpu.memory_space<semaphore_mem>>) src(%dma_wait3A_534 : memref<1000000x32xf32, #tpu.memory_space<hbm>>) dst(%dma_wait3A_528 : memref<128x32xf32, #tpu.memory_space<vmem>>)
    %dma_wait3A_535 = arith.constant 12 : i32
    %dma_wait3A_536 = arith.constant 1 : i32
    %dma_wait3A_537 = arith.constant 256 : i32
    %dma_wait3A_538 = arith.constant 0 : i32
    %dma_wait3A_539 = tpu.memref_slice %arg6[%dma_wait3A_536, %dma_wait3A_537, %dma_wait3A_538] : memref<2x1280x32xf32, #tpu.memory_space<vmem>> -> memref<1x128x32xf32, #tpu.memory_space<vmem>>
    %dma_wait3A_540 = tpu.memref_squeeze %dma_wait3A_539 : memref<1x128x32xf32, #tpu.memory_space<vmem>> -> memref<128x32xf32, #tpu.memory_space<vmem>>
    %dma_wait3A_541 = arith.constant 0 : i32
    %dma_wait3A_542 = tpu.memref_slice %arg5[%dma_wait3A_535, %dma_wait3A_541] : memref<50x128xi32, #tpu.memory_space<vmem>> -> memref<1x128xi32, #tpu.memory_space<vmem>>
    %dma_wait3A_543 = tpu.memref_squeeze %dma_wait3A_542 : memref<1x128xi32, #tpu.memory_space<vmem>> -> memref<128xi32, #tpu.memory_space<vmem>>
    %dma_wait3A_544 = arith.constant 0 : i32
    %dma_wait3A_545 = arith.constant 0 : i32
    %dma_wait3A_546 = tpu.memref_slice %arg3[%dma_wait3A_544, %dma_wait3A_545] : memref<1000000x32xf32, #tpu.memory_space<hbm>> -> memref<1000000x32xf32, #tpu.memory_space<hbm>>
    tpu.wait_indirect_dma semaphore(%arg8 : memref<!tpu.dma_semaphore, #tpu.memory_space<semaphore_mem>>) src(%dma_wait3A_546 : memref<1000000x32xf32, #tpu.memory_space<hbm>>) dst(%dma_wait3A_540 : memref<128x32xf32, #tpu.memory_space<vmem>>)
    %dma_wait3A_547 = arith.constant 13 : i32
    %dma_wait3A_548 = arith.constant 1 : i32
    %dma_wait3A_549 = arith.constant 384 : i32
    %dma_wait3A_550 = arith.constant 0 : i32
    %dma_wait3A_551 = tpu.memref_slice %arg6[%dma_wait3A_548, %dma_wait3A_549, %dma_wait3A_550] : memref<2x1280x32xf32, #tpu.memory_space<vmem>> -> memref<1x128x32xf32, #tpu.memory_space<vmem>>
    %dma_wait3A_552 = tpu.memref_squeeze %dma_wait3A_551 : memref<1x128x32xf32, #tpu.memory_space<vmem>> -> memref<128x32xf32, #tpu.memory_space<vmem>>
    %dma_wait3A_553 = arith.constant 0 : i32
    %dma_wait3A_554 = tpu.memref_slice %arg5[%dma_wait3A_547, %dma_wait3A_553] : memref<50x128xi32, #tpu.memory_space<vmem>> -> memref<1x128xi32, #tpu.memory_space<vmem>>
    %dma_wait3A_555 = tpu.memref_squeeze %dma_wait3A_554 : memref<1x128xi32, #tpu.memory_space<vmem>> -> memref<128xi32, #tpu.memory_space<vmem>>
    %dma_wait3A_556 = arith.constant 0 : i32
    %dma_wait3A_557 = arith.constant 0 : i32
    %dma_wait3A_558 = tpu.memref_slice %arg3[%dma_wait3A_556, %dma_wait3A_557] : memref<1000000x32xf32, #tpu.memory_space<hbm>> -> memref<1000000x32xf32, #tpu.memory_space<hbm>>
    tpu.wait_indirect_dma semaphore(%arg8 : memref<!tpu.dma_semaphore, #tpu.memory_space<semaphore_mem>>) src(%dma_wait3A_558 : memref<1000000x32xf32, #tpu.memory_space<hbm>>) dst(%dma_wait3A_552 : memref<128x32xf32, #tpu.memory_space<vmem>>)
    %dma_wait3A_559 = arith.constant 14 : i32
    %dma_wait3A_560 = arith.constant 1 : i32
    %dma_wait3A_561 = arith.constant 512 : i32
    %dma_wait3A_562 = arith.constant 0 : i32
    %dma_wait3A_563 = tpu.memref_slice %arg6[%dma_wait3A_560, %dma_wait3A_561, %dma_wait3A_562] : memref<2x1280x32xf32, #tpu.memory_space<vmem>> -> memref<1x128x32xf32, #tpu.memory_space<vmem>>
    %dma_wait3A_564 = tpu.memref_squeeze %dma_wait3A_563 : memref<1x128x32xf32, #tpu.memory_space<vmem>> -> memref<128x32xf32, #tpu.memory_space<vmem>>
    %dma_wait3A_565 = arith.constant 0 : i32
    %dma_wait3A_566 = tpu.memref_slice %arg5[%dma_wait3A_559, %dma_wait3A_565] : memref<50x128xi32, #tpu.memory_space<vmem>> -> memref<1x128xi32, #tpu.memory_space<vmem>>
    %dma_wait3A_567 = tpu.memref_squeeze %dma_wait3A_566 : memref<1x128xi32, #tpu.memory_space<vmem>> -> memref<128xi32, #tpu.memory_space<vmem>>
    %dma_wait3A_568 = arith.constant 0 : i32
    %dma_wait3A_569 = arith.constant 0 : i32
    %dma_wait3A_570 = tpu.memref_slice %arg3[%dma_wait3A_568, %dma_wait3A_569] : memref<1000000x32xf32, #tpu.memory_space<hbm>> -> memref<1000000x32xf32, #tpu.memory_space<hbm>>
    tpu.wait_indirect_dma semaphore(%arg8 : memref<!tpu.dma_semaphore, #tpu.memory_space<semaphore_mem>>) src(%dma_wait3A_570 : memref<1000000x32xf32, #tpu.memory_space<hbm>>) dst(%dma_wait3A_564 : memref<128x32xf32, #tpu.memory_space<vmem>>)
    %dma_wait3A_571 = arith.constant 15 : i32
    %dma_wait3A_572 = arith.constant 1 : i32
    %dma_wait3A_573 = arith.constant 640 : i32
    %dma_wait3A_574 = arith.constant 0 : i32
    %dma_wait3A_575 = tpu.memref_slice %arg6[%dma_wait3A_572, %dma_wait3A_573, %dma_wait3A_574] : memref<2x1280x32xf32, #tpu.memory_space<vmem>> -> memref<1x128x32xf32, #tpu.memory_space<vmem>>
    %dma_wait3A_576 = tpu.memref_squeeze %dma_wait3A_575 : memref<1x128x32xf32, #tpu.memory_space<vmem>> -> memref<128x32xf32, #tpu.memory_space<vmem>>
    %dma_wait3A_577 = arith.constant 0 : i32
    %dma_wait3A_578 = tpu.memref_slice %arg5[%dma_wait3A_571, %dma_wait3A_577] : memref<50x128xi32, #tpu.memory_space<vmem>> -> memref<1x128xi32, #tpu.memory_space<vmem>>
    %dma_wait3A_579 = tpu.memref_squeeze %dma_wait3A_578 : memref<1x128xi32, #tpu.memory_space<vmem>> -> memref<128xi32, #tpu.memory_space<vmem>>
    %dma_wait3A_580 = arith.constant 0 : i32
    %dma_wait3A_581 = arith.constant 0 : i32
    %dma_wait3A_582 = tpu.memref_slice %arg3[%dma_wait3A_580, %dma_wait3A_581] : memref<1000000x32xf32, #tpu.memory_space<hbm>> -> memref<1000000x32xf32, #tpu.memory_space<hbm>>
    tpu.wait_indirect_dma semaphore(%arg8 : memref<!tpu.dma_semaphore, #tpu.memory_space<semaphore_mem>>) src(%dma_wait3A_582 : memref<1000000x32xf32, #tpu.memory_space<hbm>>) dst(%dma_wait3A_576 : memref<128x32xf32, #tpu.memory_space<vmem>>)
    %dma_wait3A_583 = arith.constant 16 : i32
    %dma_wait3A_584 = arith.constant 1 : i32
    %dma_wait3A_585 = arith.constant 768 : i32
    %dma_wait3A_586 = arith.constant 0 : i32
    %dma_wait3A_587 = tpu.memref_slice %arg6[%dma_wait3A_584, %dma_wait3A_585, %dma_wait3A_586] : memref<2x1280x32xf32, #tpu.memory_space<vmem>> -> memref<1x128x32xf32, #tpu.memory_space<vmem>>
    %dma_wait3A_588 = tpu.memref_squeeze %dma_wait3A_587 : memref<1x128x32xf32, #tpu.memory_space<vmem>> -> memref<128x32xf32, #tpu.memory_space<vmem>>
    %dma_wait3A_589 = arith.constant 0 : i32
    %dma_wait3A_590 = tpu.memref_slice %arg5[%dma_wait3A_583, %dma_wait3A_589] : memref<50x128xi32, #tpu.memory_space<vmem>> -> memref<1x128xi32, #tpu.memory_space<vmem>>
    %dma_wait3A_591 = tpu.memref_squeeze %dma_wait3A_590 : memref<1x128xi32, #tpu.memory_space<vmem>> -> memref<128xi32, #tpu.memory_space<vmem>>
    %dma_wait3A_592 = arith.constant 0 : i32
    %dma_wait3A_593 = arith.constant 0 : i32
    %dma_wait3A_594 = tpu.memref_slice %arg3[%dma_wait3A_592, %dma_wait3A_593] : memref<1000000x32xf32, #tpu.memory_space<hbm>> -> memref<1000000x32xf32, #tpu.memory_space<hbm>>
    tpu.wait_indirect_dma semaphore(%arg8 : memref<!tpu.dma_semaphore, #tpu.memory_space<semaphore_mem>>) src(%dma_wait3A_594 : memref<1000000x32xf32, #tpu.memory_space<hbm>>) dst(%dma_wait3A_588 : memref<128x32xf32, #tpu.memory_space<vmem>>)
    %dma_wait3A_595 = arith.constant 17 : i32
    %dma_wait3A_596 = arith.constant 1 : i32
    %dma_wait3A_597 = arith.constant 896 : i32
    %dma_wait3A_598 = arith.constant 0 : i32
    %dma_wait3A_599 = tpu.memref_slice %arg6[%dma_wait3A_596, %dma_wait3A_597, %dma_wait3A_598] : memref<2x1280x32xf32, #tpu.memory_space<vmem>> -> memref<1x128x32xf32, #tpu.memory_space<vmem>>
    %dma_wait3A_600 = tpu.memref_squeeze %dma_wait3A_599 : memref<1x128x32xf32, #tpu.memory_space<vmem>> -> memref<128x32xf32, #tpu.memory_space<vmem>>
    %dma_wait3A_601 = arith.constant 0 : i32
    %dma_wait3A_602 = tpu.memref_slice %arg5[%dma_wait3A_595, %dma_wait3A_601] : memref<50x128xi32, #tpu.memory_space<vmem>> -> memref<1x128xi32, #tpu.memory_space<vmem>>
    %dma_wait3A_603 = tpu.memref_squeeze %dma_wait3A_602 : memref<1x128xi32, #tpu.memory_space<vmem>> -> memref<128xi32, #tpu.memory_space<vmem>>
    %dma_wait3A_604 = arith.constant 0 : i32
    %dma_wait3A_605 = arith.constant 0 : i32
    %dma_wait3A_606 = tpu.memref_slice %arg3[%dma_wait3A_604, %dma_wait3A_605] : memref<1000000x32xf32, #tpu.memory_space<hbm>> -> memref<1000000x32xf32, #tpu.memory_space<hbm>>
    tpu.wait_indirect_dma semaphore(%arg8 : memref<!tpu.dma_semaphore, #tpu.memory_space<semaphore_mem>>) src(%dma_wait3A_606 : memref<1000000x32xf32, #tpu.memory_space<hbm>>) dst(%dma_wait3A_600 : memref<128x32xf32, #tpu.memory_space<vmem>>)
    %dma_wait3A_607 = arith.constant 18 : i32
    %dma_wait3A_608 = arith.constant 1 : i32
    %dma_wait3A_609 = arith.constant 1024 : i32
    %dma_wait3A_610 = arith.constant 0 : i32
    %dma_wait3A_611 = tpu.memref_slice %arg6[%dma_wait3A_608, %dma_wait3A_609, %dma_wait3A_610] : memref<2x1280x32xf32, #tpu.memory_space<vmem>> -> memref<1x128x32xf32, #tpu.memory_space<vmem>>
    %dma_wait3A_612 = tpu.memref_squeeze %dma_wait3A_611 : memref<1x128x32xf32, #tpu.memory_space<vmem>> -> memref<128x32xf32, #tpu.memory_space<vmem>>
    %dma_wait3A_613 = arith.constant 0 : i32
    %dma_wait3A_614 = tpu.memref_slice %arg5[%dma_wait3A_607, %dma_wait3A_613] : memref<50x128xi32, #tpu.memory_space<vmem>> -> memref<1x128xi32, #tpu.memory_space<vmem>>
    %dma_wait3A_615 = tpu.memref_squeeze %dma_wait3A_614 : memref<1x128xi32, #tpu.memory_space<vmem>> -> memref<128xi32, #tpu.memory_space<vmem>>
    %dma_wait3A_616 = arith.constant 0 : i32
    %dma_wait3A_617 = arith.constant 0 : i32
    %dma_wait3A_618 = tpu.memref_slice %arg3[%dma_wait3A_616, %dma_wait3A_617] : memref<1000000x32xf32, #tpu.memory_space<hbm>> -> memref<1000000x32xf32, #tpu.memory_space<hbm>>
    tpu.wait_indirect_dma semaphore(%arg8 : memref<!tpu.dma_semaphore, #tpu.memory_space<semaphore_mem>>) src(%dma_wait3A_618 : memref<1000000x32xf32, #tpu.memory_space<hbm>>) dst(%dma_wait3A_612 : memref<128x32xf32, #tpu.memory_space<vmem>>)
    %dma_wait3A_619 = arith.constant 19 : i32
    %dma_wait3A_620 = arith.constant 1 : i32
    %dma_wait3A_621 = arith.constant 1152 : i32
    %dma_wait3A_622 = arith.constant 0 : i32
    %dma_wait3A_623 = tpu.memref_slice %arg6[%dma_wait3A_620, %dma_wait3A_621, %dma_wait3A_622] : memref<2x1280x32xf32, #tpu.memory_space<vmem>> -> memref<1x128x32xf32, #tpu.memory_space<vmem>>
    %dma_wait3A_624 = tpu.memref_squeeze %dma_wait3A_623 : memref<1x128x32xf32, #tpu.memory_space<vmem>> -> memref<128x32xf32, #tpu.memory_space<vmem>>
    %dma_wait3A_625 = arith.constant 0 : i32
    %dma_wait3A_626 = tpu.memref_slice %arg5[%dma_wait3A_619, %dma_wait3A_625] : memref<50x128xi32, #tpu.memory_space<vmem>> -> memref<1x128xi32, #tpu.memory_space<vmem>>
    %dma_wait3A_627 = tpu.memref_squeeze %dma_wait3A_626 : memref<1x128xi32, #tpu.memory_space<vmem>> -> memref<128xi32, #tpu.memory_space<vmem>>
    %dma_wait3A_628 = arith.constant 0 : i32
    %dma_wait3A_629 = arith.constant 0 : i32
    %dma_wait3A_630 = tpu.memref_slice %arg3[%dma_wait3A_628, %dma_wait3A_629] : memref<1000000x32xf32, #tpu.memory_space<hbm>> -> memref<1000000x32xf32, #tpu.memory_space<hbm>>
    tpu.wait_indirect_dma semaphore(%arg8 : memref<!tpu.dma_semaphore, #tpu.memory_space<semaphore_mem>>) src(%dma_wait3A_630 : memref<1000000x32xf32, #tpu.memory_space<hbm>>) dst(%dma_wait3A_624 : memref<128x32xf32, #tpu.memory_space<vmem>>)
    %add3A_631 = arith.constant 1280 : i32
    %add3A_632 = arith.addi %mul3A_4, %add3A_631 : i32
    %dma_start3A_633 = arith.constant 1 : i32
    %dma_start3A_634 = arith.constant 0 : i32
    %dma_start3A_635 = arith.constant 0 : i32
    %dma_start3A_636 = tpu.memref_slice %arg6[%dma_start3A_633, %dma_start3A_634, %dma_start3A_635] : memref<2x1280x32xf32, #tpu.memory_space<vmem>> -> memref<1x1280x32xf32, #tpu.memory_space<vmem>>
    %dma_start3A_637 = tpu.memref_squeeze %dma_start3A_636 : memref<1x1280x32xf32, #tpu.memory_space<vmem>> -> memref<1280x32xf32, #tpu.memory_space<vmem>>
    %dma_start3A_638 = arith.constant 0 : i32
    %dma_start3A_639 = tpu.memref_slice %arg4[%add3A_632, %dma_start3A_638] : memref<204800x32xf32, #tpu.memory_space<hbm>> -> memref<1280x32xf32, #tpu.memory_space<hbm>>
    %dma_start3A_640 = arith.constant 0 : i32
    %dma_start3A_641 = tpu.memref_slice %arg4[%add3A_632, %dma_start3A_640] : memref<204800x32xf32, #tpu.memory_space<hbm>> -> memref<1280x32xf32, #tpu.memory_space<hbm>>
    %dma_start3A_642 = arith.constant 0 : i32
    %dma_start3A_643 = arith.constant 0 : i32
    %dma_start3A_644 = tpu.memref_slice %arg6[%dma_start3A_633, %dma_start3A_642, %dma_start3A_643] : memref<2x1280x32xf32, #tpu.memory_space<vmem>> -> memref<1x1280x32xf32, #tpu.memory_space<vmem>>
    %dma_start3A_645 = tpu.memref_squeeze %dma_start3A_644 : memref<1x1280x32xf32, #tpu.memory_space<vmem>> -> memref<1280x32xf32, #tpu.memory_space<vmem>>
    tpu.enqueue_dma source(%dma_start3A_645 : memref<1280x32xf32, #tpu.memory_space<vmem>>) target(%dma_start3A_641 : memref<1280x32xf32, #tpu.memory_space<hbm>>) target_semaphore(%arg10 : memref<!tpu.dma_semaphore, #tpu.memory_space<semaphore_mem>>)
    %dma_wait3A_646 = arith.constant 1 : i32
    %dma_wait3A_647 = arith.constant 0 : i32
    %dma_wait3A_648 = arith.constant 0 : i32
    %dma_wait3A_649 = tpu.memref_slice %arg6[%dma_wait3A_646, %dma_wait3A_647, %dma_wait3A_648] : memref<2x1280x32xf32, #tpu.memory_space<vmem>> -> memref<1x1280x32xf32, #tpu.memory_space<vmem>>
    %dma_wait3A_650 = tpu.memref_squeeze %dma_wait3A_649 : memref<1x1280x32xf32, #tpu.memory_space<vmem>> -> memref<1280x32xf32, #tpu.memory_space<vmem>>
    %dma_wait3A_651 = arith.constant 0 : i32
    %dma_wait3A_652 = tpu.memref_slice %arg4[%add3A_632, %dma_wait3A_651] : memref<204800x32xf32, #tpu.memory_space<hbm>> -> memref<1280x32xf32, #tpu.memory_space<hbm>>
    %dma_wait3A_653 = arith.constant 0 : i32
    %dma_wait3A_654 = tpu.memref_slice %arg4[%add3A_632, %dma_wait3A_653] : memref<204800x32xf32, #tpu.memory_space<hbm>> -> memref<1280x32xf32, #tpu.memory_space<hbm>>
    %dma_wait3A_655 = arith.constant 0 : i32
    %dma_wait3A_656 = arith.constant 0 : i32
    %dma_wait3A_657 = tpu.memref_slice %arg6[%dma_wait3A_646, %dma_wait3A_655, %dma_wait3A_656] : memref<2x1280x32xf32, #tpu.memory_space<vmem>> -> memref<1x1280x32xf32, #tpu.memory_space<vmem>>
    %dma_wait3A_658 = tpu.memref_squeeze %dma_wait3A_657 : memref<1x1280x32xf32, #tpu.memory_space<vmem>> -> memref<1280x32xf32, #tpu.memory_space<vmem>>
    tpu.wait_dma2 semaphore(%arg10 : memref<!tpu.dma_semaphore, #tpu.memory_space<semaphore_mem>>) src(%dma_wait3A_658 : memref<1280x32xf32, #tpu.memory_space<vmem>>) dst(%dma_wait3A_654 : memref<1280x32xf32, #tpu.memory_space<hbm>>)
    %dma_start3A_659 = arith.constant 30 : i32
    %dma_start3A_660 = arith.constant 1 : i32
    %dma_start3A_661 = arith.constant 0 : i32
    %dma_start3A_662 = arith.constant 0 : i32
    %dma_start3A_663 = tpu.memref_slice %arg6[%dma_start3A_660, %dma_start3A_661, %dma_start3A_662] : memref<2x1280x32xf32, #tpu.memory_space<vmem>> -> memref<1x128x32xf32, #tpu.memory_space<vmem>>
    %dma_start3A_664 = tpu.memref_squeeze %dma_start3A_663 : memref<1x128x32xf32, #tpu.memory_space<vmem>> -> memref<128x32xf32, #tpu.memory_space<vmem>>
    %dma_start3A_665 = arith.constant 0 : i32
    %dma_start3A_666 = tpu.memref_slice %arg5[%dma_start3A_659, %dma_start3A_665] : memref<50x128xi32, #tpu.memory_space<vmem>> -> memref<1x128xi32, #tpu.memory_space<vmem>>
    %dma_start3A_667 = tpu.memref_squeeze %dma_start3A_666 : memref<1x128xi32, #tpu.memory_space<vmem>> -> memref<128xi32, #tpu.memory_space<vmem>>
    %dma_start3A_668 = arith.constant 0 : i32
    %dma_start3A_669 = arith.constant 0 : i32
    %dma_start3A_670 = tpu.memref_slice %arg3[%dma_start3A_668, %dma_start3A_669] : memref<1000000x32xf32, #tpu.memory_space<hbm>> -> memref<1000000x32xf32, #tpu.memory_space<hbm>>
    tpu.enqueue_indirect_dma source(%dma_start3A_670 : memref<1000000x32xf32, #tpu.memory_space<hbm>>) target(%dma_start3A_664 : memref<128x32xf32, #tpu.memory_space<vmem>>) offsets(%dma_start3A_667 : memref<128xi32, #tpu.memory_space<vmem>>) semaphore(%arg8 : memref<!tpu.dma_semaphore, #tpu.memory_space<semaphore_mem>>)
    %dma_start3A_671 = arith.constant 31 : i32
    %dma_start3A_672 = arith.constant 1 : i32
    %dma_start3A_673 = arith.constant 128 : i32
    %dma_start3A_674 = arith.constant 0 : i32
    %dma_start3A_675 = tpu.memref_slice %arg6[%dma_start3A_672, %dma_start3A_673, %dma_start3A_674] : memref<2x1280x32xf32, #tpu.memory_space<vmem>> -> memref<1x128x32xf32, #tpu.memory_space<vmem>>
    %dma_start3A_676 = tpu.memref_squeeze %dma_start3A_675 : memref<1x128x32xf32, #tpu.memory_space<vmem>> -> memref<128x32xf32, #tpu.memory_space<vmem>>
    %dma_start3A_677 = arith.constant 0 : i32
    %dma_start3A_678 = tpu.memref_slice %arg5[%dma_start3A_671, %dma_start3A_677] : memref<50x128xi32, #tpu.memory_space<vmem>> -> memref<1x128xi32, #tpu.memory_space<vmem>>
    %dma_start3A_679 = tpu.memref_squeeze %dma_start3A_678 : memref<1x128xi32, #tpu.memory_space<vmem>> -> memref<128xi32, #tpu.memory_space<vmem>>
    %dma_start3A_680 = arith.constant 0 : i32
    %dma_start3A_681 = arith.constant 0 : i32
    %dma_start3A_682 = tpu.memref_slice %arg3[%dma_start3A_680, %dma_start3A_681] : memref<1000000x32xf32, #tpu.memory_space<hbm>> -> memref<1000000x32xf32, #tpu.memory_space<hbm>>
    tpu.enqueue_indirect_dma source(%dma_start3A_682 : memref<1000000x32xf32, #tpu.memory_space<hbm>>) target(%dma_start3A_676 : memref<128x32xf32, #tpu.memory_space<vmem>>) offsets(%dma_start3A_679 : memref<128xi32, #tpu.memory_space<vmem>>) semaphore(%arg8 : memref<!tpu.dma_semaphore, #tpu.memory_space<semaphore_mem>>)
    %dma_start3A_683 = arith.constant 32 : i32
    %dma_start3A_684 = arith.constant 1 : i32
    %dma_start3A_685 = arith.constant 256 : i32
    %dma_start3A_686 = arith.constant 0 : i32
    %dma_start3A_687 = tpu.memref_slice %arg6[%dma_start3A_684, %dma_start3A_685, %dma_start3A_686] : memref<2x1280x32xf32, #tpu.memory_space<vmem>> -> memref<1x128x32xf32, #tpu.memory_space<vmem>>
    %dma_start3A_688 = tpu.memref_squeeze %dma_start3A_687 : memref<1x128x32xf32, #tpu.memory_space<vmem>> -> memref<128x32xf32, #tpu.memory_space<vmem>>
    %dma_start3A_689 = arith.constant 0 : i32
    %dma_start3A_690 = tpu.memref_slice %arg5[%dma_start3A_683, %dma_start3A_689] : memref<50x128xi32, #tpu.memory_space<vmem>> -> memref<1x128xi32, #tpu.memory_space<vmem>>
    %dma_start3A_691 = tpu.memref_squeeze %dma_start3A_690 : memref<1x128xi32, #tpu.memory_space<vmem>> -> memref<128xi32, #tpu.memory_space<vmem>>
    %dma_start3A_692 = arith.constant 0 : i32
    %dma_start3A_693 = arith.constant 0 : i32
    %dma_start3A_694 = tpu.memref_slice %arg3[%dma_start3A_692, %dma_start3A_693] : memref<1000000x32xf32, #tpu.memory_space<hbm>> -> memref<1000000x32xf32, #tpu.memory_space<hbm>>
    tpu.enqueue_indirect_dma source(%dma_start3A_694 : memref<1000000x32xf32, #tpu.memory_space<hbm>>) target(%dma_start3A_688 : memref<128x32xf32, #tpu.memory_space<vmem>>) offsets(%dma_start3A_691 : memref<128xi32, #tpu.memory_space<vmem>>) semaphore(%arg8 : memref<!tpu.dma_semaphore, #tpu.memory_space<semaphore_mem>>)
    %dma_start3A_695 = arith.constant 33 : i32
    %dma_start3A_696 = arith.constant 1 : i32
    %dma_start3A_697 = arith.constant 384 : i32
    %dma_start3A_698 = arith.constant 0 : i32
    %dma_start3A_699 = tpu.memref_slice %arg6[%dma_start3A_696, %dma_start3A_697, %dma_start3A_698] : memref<2x1280x32xf32, #tpu.memory_space<vmem>> -> memref<1x128x32xf32, #tpu.memory_space<vmem>>
    %dma_start3A_700 = tpu.memref_squeeze %dma_start3A_699 : memref<1x128x32xf32, #tpu.memory_space<vmem>> -> memref<128x32xf32, #tpu.memory_space<vmem>>
    %dma_start3A_701 = arith.constant 0 : i32
    %dma_start3A_702 = tpu.memref_slice %arg5[%dma_start3A_695, %dma_start3A_701] : memref<50x128xi32, #tpu.memory_space<vmem>> -> memref<1x128xi32, #tpu.memory_space<vmem>>
    %dma_start3A_703 = tpu.memref_squeeze %dma_start3A_702 : memref<1x128xi32, #tpu.memory_space<vmem>> -> memref<128xi32, #tpu.memory_space<vmem>>
    %dma_start3A_704 = arith.constant 0 : i32
    %dma_start3A_705 = arith.constant 0 : i32
    %dma_start3A_706 = tpu.memref_slice %arg3[%dma_start3A_704, %dma_start3A_705] : memref<1000000x32xf32, #tpu.memory_space<hbm>> -> memref<1000000x32xf32, #tpu.memory_space<hbm>>
    tpu.enqueue_indirect_dma source(%dma_start3A_706 : memref<1000000x32xf32, #tpu.memory_space<hbm>>) target(%dma_start3A_700 : memref<128x32xf32, #tpu.memory_space<vmem>>) offsets(%dma_start3A_703 : memref<128xi32, #tpu.memory_space<vmem>>) semaphore(%arg8 : memref<!tpu.dma_semaphore, #tpu.memory_space<semaphore_mem>>)
    %dma_start3A_707 = arith.constant 34 : i32
    %dma_start3A_708 = arith.constant 1 : i32
    %dma_start3A_709 = arith.constant 512 : i32
    %dma_start3A_710 = arith.constant 0 : i32
    %dma_start3A_711 = tpu.memref_slice %arg6[%dma_start3A_708, %dma_start3A_709, %dma_start3A_710] : memref<2x1280x32xf32, #tpu.memory_space<vmem>> -> memref<1x128x32xf32, #tpu.memory_space<vmem>>
    %dma_start3A_712 = tpu.memref_squeeze %dma_start3A_711 : memref<1x128x32xf32, #tpu.memory_space<vmem>> -> memref<128x32xf32, #tpu.memory_space<vmem>>
    %dma_start3A_713 = arith.constant 0 : i32
    %dma_start3A_714 = tpu.memref_slice %arg5[%dma_start3A_707, %dma_start3A_713] : memref<50x128xi32, #tpu.memory_space<vmem>> -> memref<1x128xi32, #tpu.memory_space<vmem>>
    %dma_start3A_715 = tpu.memref_squeeze %dma_start3A_714 : memref<1x128xi32, #tpu.memory_space<vmem>> -> memref<128xi32, #tpu.memory_space<vmem>>
    %dma_start3A_716 = arith.constant 0 : i32
    %dma_start3A_717 = arith.constant 0 : i32
    %dma_start3A_718 = tpu.memref_slice %arg3[%dma_start3A_716, %dma_start3A_717] : memref<1000000x32xf32, #tpu.memory_space<hbm>> -> memref<1000000x32xf32, #tpu.memory_space<hbm>>
    tpu.enqueue_indirect_dma source(%dma_start3A_718 : memref<1000000x32xf32, #tpu.memory_space<hbm>>) target(%dma_start3A_712 : memref<128x32xf32, #tpu.memory_space<vmem>>) offsets(%dma_start3A_715 : memref<128xi32, #tpu.memory_space<vmem>>) semaphore(%arg8 : memref<!tpu.dma_semaphore, #tpu.memory_space<semaphore_mem>>)
    %dma_start3A_719 = arith.constant 35 : i32
    %dma_start3A_720 = arith.constant 1 : i32
    %dma_start3A_721 = arith.constant 640 : i32
    %dma_start3A_722 = arith.constant 0 : i32
    %dma_start3A_723 = tpu.memref_slice %arg6[%dma_start3A_720, %dma_start3A_721, %dma_start3A_722] : memref<2x1280x32xf32, #tpu.memory_space<vmem>> -> memref<1x128x32xf32, #tpu.memory_space<vmem>>
    %dma_start3A_724 = tpu.memref_squeeze %dma_start3A_723 : memref<1x128x32xf32, #tpu.memory_space<vmem>> -> memref<128x32xf32, #tpu.memory_space<vmem>>
    %dma_start3A_725 = arith.constant 0 : i32
    %dma_start3A_726 = tpu.memref_slice %arg5[%dma_start3A_719, %dma_start3A_725] : memref<50x128xi32, #tpu.memory_space<vmem>> -> memref<1x128xi32, #tpu.memory_space<vmem>>
    %dma_start3A_727 = tpu.memref_squeeze %dma_start3A_726 : memref<1x128xi32, #tpu.memory_space<vmem>> -> memref<128xi32, #tpu.memory_space<vmem>>
    %dma_start3A_728 = arith.constant 0 : i32
    %dma_start3A_729 = arith.constant 0 : i32
    %dma_start3A_730 = tpu.memref_slice %arg3[%dma_start3A_728, %dma_start3A_729] : memref<1000000x32xf32, #tpu.memory_space<hbm>> -> memref<1000000x32xf32, #tpu.memory_space<hbm>>
    tpu.enqueue_indirect_dma source(%dma_start3A_730 : memref<1000000x32xf32, #tpu.memory_space<hbm>>) target(%dma_start3A_724 : memref<128x32xf32, #tpu.memory_space<vmem>>) offsets(%dma_start3A_727 : memref<128xi32, #tpu.memory_space<vmem>>) semaphore(%arg8 : memref<!tpu.dma_semaphore, #tpu.memory_space<semaphore_mem>>)
    %dma_start3A_731 = arith.constant 36 : i32
    %dma_start3A_732 = arith.constant 1 : i32
    %dma_start3A_733 = arith.constant 768 : i32
    %dma_start3A_734 = arith.constant 0 : i32
    %dma_start3A_735 = tpu.memref_slice %arg6[%dma_start3A_732, %dma_start3A_733, %dma_start3A_734] : memref<2x1280x32xf32, #tpu.memory_space<vmem>> -> memref<1x128x32xf32, #tpu.memory_space<vmem>>
    %dma_start3A_736 = tpu.memref_squeeze %dma_start3A_735 : memref<1x128x32xf32, #tpu.memory_space<vmem>> -> memref<128x32xf32, #tpu.memory_space<vmem>>
    %dma_start3A_737 = arith.constant 0 : i32
    %dma_start3A_738 = tpu.memref_slice %arg5[%dma_start3A_731, %dma_start3A_737] : memref<50x128xi32, #tpu.memory_space<vmem>> -> memref<1x128xi32, #tpu.memory_space<vmem>>
    %dma_start3A_739 = tpu.memref_squeeze %dma_start3A_738 : memref<1x128xi32, #tpu.memory_space<vmem>> -> memref<128xi32, #tpu.memory_space<vmem>>
    %dma_start3A_740 = arith.constant 0 : i32
    %dma_start3A_741 = arith.constant 0 : i32
    %dma_start3A_742 = tpu.memref_slice %arg3[%dma_start3A_740, %dma_start3A_741] : memref<1000000x32xf32, #tpu.memory_space<hbm>> -> memref<1000000x32xf32, #tpu.memory_space<hbm>>
    tpu.enqueue_indirect_dma source(%dma_start3A_742 : memref<1000000x32xf32, #tpu.memory_space<hbm>>) target(%dma_start3A_736 : memref<128x32xf32, #tpu.memory_space<vmem>>) offsets(%dma_start3A_739 : memref<128xi32, #tpu.memory_space<vmem>>) semaphore(%arg8 : memref<!tpu.dma_semaphore, #tpu.memory_space<semaphore_mem>>)
    %dma_start3A_743 = arith.constant 37 : i32
    %dma_start3A_744 = arith.constant 1 : i32
    %dma_start3A_745 = arith.constant 896 : i32
    %dma_start3A_746 = arith.constant 0 : i32
    %dma_start3A_747 = tpu.memref_slice %arg6[%dma_start3A_744, %dma_start3A_745, %dma_start3A_746] : memref<2x1280x32xf32, #tpu.memory_space<vmem>> -> memref<1x128x32xf32, #tpu.memory_space<vmem>>
    %dma_start3A_748 = tpu.memref_squeeze %dma_start3A_747 : memref<1x128x32xf32, #tpu.memory_space<vmem>> -> memref<128x32xf32, #tpu.memory_space<vmem>>
    %dma_start3A_749 = arith.constant 0 : i32
    %dma_start3A_750 = tpu.memref_slice %arg5[%dma_start3A_743, %dma_start3A_749] : memref<50x128xi32, #tpu.memory_space<vmem>> -> memref<1x128xi32, #tpu.memory_space<vmem>>
    %dma_start3A_751 = tpu.memref_squeeze %dma_start3A_750 : memref<1x128xi32, #tpu.memory_space<vmem>> -> memref<128xi32, #tpu.memory_space<vmem>>
    %dma_start3A_752 = arith.constant 0 : i32
    %dma_start3A_753 = arith.constant 0 : i32
    %dma_start3A_754 = tpu.memref_slice %arg3[%dma_start3A_752, %dma_start3A_753] : memref<1000000x32xf32, #tpu.memory_space<hbm>> -> memref<1000000x32xf32, #tpu.memory_space<hbm>>
    tpu.enqueue_indirect_dma source(%dma_start3A_754 : memref<1000000x32xf32, #tpu.memory_space<hbm>>) target(%dma_start3A_748 : memref<128x32xf32, #tpu.memory_space<vmem>>) offsets(%dma_start3A_751 : memref<128xi32, #tpu.memory_space<vmem>>) semaphore(%arg8 : memref<!tpu.dma_semaphore, #tpu.memory_space<semaphore_mem>>)
    %dma_start3A_755 = arith.constant 38 : i32
    %dma_start3A_756 = arith.constant 1 : i32
    %dma_start3A_757 = arith.constant 1024 : i32
    %dma_start3A_758 = arith.constant 0 : i32
    %dma_start3A_759 = tpu.memref_slice %arg6[%dma_start3A_756, %dma_start3A_757, %dma_start3A_758] : memref<2x1280x32xf32, #tpu.memory_space<vmem>> -> memref<1x128x32xf32, #tpu.memory_space<vmem>>
    %dma_start3A_760 = tpu.memref_squeeze %dma_start3A_759 : memref<1x128x32xf32, #tpu.memory_space<vmem>> -> memref<128x32xf32, #tpu.memory_space<vmem>>
    %dma_start3A_761 = arith.constant 0 : i32
    %dma_start3A_762 = tpu.memref_slice %arg5[%dma_start3A_755, %dma_start3A_761] : memref<50x128xi32, #tpu.memory_space<vmem>> -> memref<1x128xi32, #tpu.memory_space<vmem>>
    %dma_start3A_763 = tpu.memref_squeeze %dma_start3A_762 : memref<1x128xi32, #tpu.memory_space<vmem>> -> memref<128xi32, #tpu.memory_space<vmem>>
    %dma_start3A_764 = arith.constant 0 : i32
    %dma_start3A_765 = arith.constant 0 : i32
    %dma_start3A_766 = tpu.memref_slice %arg3[%dma_start3A_764, %dma_start3A_765] : memref<1000000x32xf32, #tpu.memory_space<hbm>> -> memref<1000000x32xf32, #tpu.memory_space<hbm>>
    tpu.enqueue_indirect_dma source(%dma_start3A_766 : memref<1000000x32xf32, #tpu.memory_space<hbm>>) target(%dma_start3A_760 : memref<128x32xf32, #tpu.memory_space<vmem>>) offsets(%dma_start3A_763 : memref<128xi32, #tpu.memory_space<vmem>>) semaphore(%arg8 : memref<!tpu.dma_semaphore, #tpu.memory_space<semaphore_mem>>)
    %dma_start3A_767 = arith.constant 39 : i32
    %dma_start3A_768 = arith.constant 1 : i32
    %dma_start3A_769 = arith.constant 1152 : i32
    %dma_start3A_770 = arith.constant 0 : i32
    %dma_start3A_771 = tpu.memref_slice %arg6[%dma_start3A_768, %dma_start3A_769, %dma_start3A_770] : memref<2x1280x32xf32, #tpu.memory_space<vmem>> -> memref<1x128x32xf32, #tpu.memory_space<vmem>>
    %dma_start3A_772 = tpu.memref_squeeze %dma_start3A_771 : memref<1x128x32xf32, #tpu.memory_space<vmem>> -> memref<128x32xf32, #tpu.memory_space<vmem>>
    %dma_start3A_773 = arith.constant 0 : i32
    %dma_start3A_774 = tpu.memref_slice %arg5[%dma_start3A_767, %dma_start3A_773] : memref<50x128xi32, #tpu.memory_space<vmem>> -> memref<1x128xi32, #tpu.memory_space<vmem>>
    %dma_start3A_775 = tpu.memref_squeeze %dma_start3A_774 : memref<1x128xi32, #tpu.memory_space<vmem>> -> memref<128xi32, #tpu.memory_space<vmem>>
    %dma_start3A_776 = arith.constant 0 : i32
    %dma_start3A_777 = arith.constant 0 : i32
    %dma_start3A_778 = tpu.memref_slice %arg3[%dma_start3A_776, %dma_start3A_777] : memref<1000000x32xf32, #tpu.memory_space<hbm>> -> memref<1000000x32xf32, #tpu.memory_space<hbm>>
    tpu.enqueue_indirect_dma source(%dma_start3A_778 : memref<1000000x32xf32, #tpu.memory_space<hbm>>) target(%dma_start3A_772 : memref<128x32xf32, #tpu.memory_space<vmem>>) offsets(%dma_start3A_775 : memref<128xi32, #tpu.memory_space<vmem>>) semaphore(%arg8 : memref<!tpu.dma_semaphore, #tpu.memory_space<semaphore_mem>>)
    %dma_wait3A_779 = arith.constant 20 : i32
    %dma_wait3A_780 = arith.constant 0 : i32
    %dma_wait3A_781 = arith.constant 0 : i32
    %dma_wait3A_782 = arith.constant 0 : i32
    %dma_wait3A_783 = tpu.memref_slice %arg6[%dma_wait3A_780, %dma_wait3A_781, %dma_wait3A_782] : memref<2x1280x32xf32, #tpu.memory_space<vmem>> -> memref<1x128x32xf32, #tpu.memory_space<vmem>>
    %dma_wait3A_784 = tpu.memref_squeeze %dma_wait3A_783 : memref<1x128x32xf32, #tpu.memory_space<vmem>> -> memref<128x32xf32, #tpu.memory_space<vmem>>
    %dma_wait3A_785 = arith.constant 0 : i32
    %dma_wait3A_786 = tpu.memref_slice %arg5[%dma_wait3A_779, %dma_wait3A_785] : memref<50x128xi32, #tpu.memory_space<vmem>> -> memref<1x128xi32, #tpu.memory_space<vmem>>
    %dma_wait3A_787 = tpu.memref_squeeze %dma_wait3A_786 : memref<1x128xi32, #tpu.memory_space<vmem>> -> memref<128xi32, #tpu.memory_space<vmem>>
    %dma_wait3A_788 = arith.constant 0 : i32
    %dma_wait3A_789 = arith.constant 0 : i32
    %dma_wait3A_790 = tpu.memref_slice %arg3[%dma_wait3A_788, %dma_wait3A_789] : memref<1000000x32xf32, #tpu.memory_space<hbm>> -> memref<1000000x32xf32, #tpu.memory_space<hbm>>
    tpu.wait_indirect_dma semaphore(%arg7 : memref<!tpu.dma_semaphore, #tpu.memory_space<semaphore_mem>>) src(%dma_wait3A_790 : memref<1000000x32xf32, #tpu.memory_space<hbm>>) dst(%dma_wait3A_784 : memref<128x32xf32, #tpu.memory_space<vmem>>)
    %dma_wait3A_791 = arith.constant 21 : i32
    %dma_wait3A_792 = arith.constant 0 : i32
    %dma_wait3A_793 = arith.constant 128 : i32
    %dma_wait3A_794 = arith.constant 0 : i32
    %dma_wait3A_795 = tpu.memref_slice %arg6[%dma_wait3A_792, %dma_wait3A_793, %dma_wait3A_794] : memref<2x1280x32xf32, #tpu.memory_space<vmem>> -> memref<1x128x32xf32, #tpu.memory_space<vmem>>
    %dma_wait3A_796 = tpu.memref_squeeze %dma_wait3A_795 : memref<1x128x32xf32, #tpu.memory_space<vmem>> -> memref<128x32xf32, #tpu.memory_space<vmem>>
    %dma_wait3A_797 = arith.constant 0 : i32
    %dma_wait3A_798 = tpu.memref_slice %arg5[%dma_wait3A_791, %dma_wait3A_797] : memref<50x128xi32, #tpu.memory_space<vmem>> -> memref<1x128xi32, #tpu.memory_space<vmem>>
    %dma_wait3A_799 = tpu.memref_squeeze %dma_wait3A_798 : memref<1x128xi32, #tpu.memory_space<vmem>> -> memref<128xi32, #tpu.memory_space<vmem>>
    %dma_wait3A_800 = arith.constant 0 : i32
    %dma_wait3A_801 = arith.constant 0 : i32
    %dma_wait3A_802 = tpu.memref_slice %arg3[%dma_wait3A_800, %dma_wait3A_801] : memref<1000000x32xf32, #tpu.memory_space<hbm>> -> memref<1000000x32xf32, #tpu.memory_space<hbm>>
    tpu.wait_indirect_dma semaphore(%arg7 : memref<!tpu.dma_semaphore, #tpu.memory_space<semaphore_mem>>) src(%dma_wait3A_802 : memref<1000000x32xf32, #tpu.memory_space<hbm>>) dst(%dma_wait3A_796 : memref<128x32xf32, #tpu.memory_space<vmem>>)
    %dma_wait3A_803 = arith.constant 22 : i32
    %dma_wait3A_804 = arith.constant 0 : i32
    %dma_wait3A_805 = arith.constant 256 : i32
    %dma_wait3A_806 = arith.constant 0 : i32
    %dma_wait3A_807 = tpu.memref_slice %arg6[%dma_wait3A_804, %dma_wait3A_805, %dma_wait3A_806] : memref<2x1280x32xf32, #tpu.memory_space<vmem>> -> memref<1x128x32xf32, #tpu.memory_space<vmem>>
    %dma_wait3A_808 = tpu.memref_squeeze %dma_wait3A_807 : memref<1x128x32xf32, #tpu.memory_space<vmem>> -> memref<128x32xf32, #tpu.memory_space<vmem>>
    %dma_wait3A_809 = arith.constant 0 : i32
    %dma_wait3A_810 = tpu.memref_slice %arg5[%dma_wait3A_803, %dma_wait3A_809] : memref<50x128xi32, #tpu.memory_space<vmem>> -> memref<1x128xi32, #tpu.memory_space<vmem>>
    %dma_wait3A_811 = tpu.memref_squeeze %dma_wait3A_810 : memref<1x128xi32, #tpu.memory_space<vmem>> -> memref<128xi32, #tpu.memory_space<vmem>>
    %dma_wait3A_812 = arith.constant 0 : i32
    %dma_wait3A_813 = arith.constant 0 : i32
    %dma_wait3A_814 = tpu.memref_slice %arg3[%dma_wait3A_812, %dma_wait3A_813] : memref<1000000x32xf32, #tpu.memory_space<hbm>> -> memref<1000000x32xf32, #tpu.memory_space<hbm>>
    tpu.wait_indirect_dma semaphore(%arg7 : memref<!tpu.dma_semaphore, #tpu.memory_space<semaphore_mem>>) src(%dma_wait3A_814 : memref<1000000x32xf32, #tpu.memory_space<hbm>>) dst(%dma_wait3A_808 : memref<128x32xf32, #tpu.memory_space<vmem>>)
    %dma_wait3A_815 = arith.constant 23 : i32
    %dma_wait3A_816 = arith.constant 0 : i32
    %dma_wait3A_817 = arith.constant 384 : i32
    %dma_wait3A_818 = arith.constant 0 : i32
    %dma_wait3A_819 = tpu.memref_slice %arg6[%dma_wait3A_816, %dma_wait3A_817, %dma_wait3A_818] : memref<2x1280x32xf32, #tpu.memory_space<vmem>> -> memref<1x128x32xf32, #tpu.memory_space<vmem>>
    %dma_wait3A_820 = tpu.memref_squeeze %dma_wait3A_819 : memref<1x128x32xf32, #tpu.memory_space<vmem>> -> memref<128x32xf32, #tpu.memory_space<vmem>>
    %dma_wait3A_821 = arith.constant 0 : i32
    %dma_wait3A_822 = tpu.memref_slice %arg5[%dma_wait3A_815, %dma_wait3A_821] : memref<50x128xi32, #tpu.memory_space<vmem>> -> memref<1x128xi32, #tpu.memory_space<vmem>>
    %dma_wait3A_823 = tpu.memref_squeeze %dma_wait3A_822 : memref<1x128xi32, #tpu.memory_space<vmem>> -> memref<128xi32, #tpu.memory_space<vmem>>
    %dma_wait3A_824 = arith.constant 0 : i32
    %dma_wait3A_825 = arith.constant 0 : i32
    %dma_wait3A_826 = tpu.memref_slice %arg3[%dma_wait3A_824, %dma_wait3A_825] : memref<1000000x32xf32, #tpu.memory_space<hbm>> -> memref<1000000x32xf32, #tpu.memory_space<hbm>>
    tpu.wait_indirect_dma semaphore(%arg7 : memref<!tpu.dma_semaphore, #tpu.memory_space<semaphore_mem>>) src(%dma_wait3A_826 : memref<1000000x32xf32, #tpu.memory_space<hbm>>) dst(%dma_wait3A_820 : memref<128x32xf32, #tpu.memory_space<vmem>>)
    %dma_wait3A_827 = arith.constant 24 : i32
    %dma_wait3A_828 = arith.constant 0 : i32
    %dma_wait3A_829 = arith.constant 512 : i32
    %dma_wait3A_830 = arith.constant 0 : i32
    %dma_wait3A_831 = tpu.memref_slice %arg6[%dma_wait3A_828, %dma_wait3A_829, %dma_wait3A_830] : memref<2x1280x32xf32, #tpu.memory_space<vmem>> -> memref<1x128x32xf32, #tpu.memory_space<vmem>>
    %dma_wait3A_832 = tpu.memref_squeeze %dma_wait3A_831 : memref<1x128x32xf32, #tpu.memory_space<vmem>> -> memref<128x32xf32, #tpu.memory_space<vmem>>
    %dma_wait3A_833 = arith.constant 0 : i32
    %dma_wait3A_834 = tpu.memref_slice %arg5[%dma_wait3A_827, %dma_wait3A_833] : memref<50x128xi32, #tpu.memory_space<vmem>> -> memref<1x128xi32, #tpu.memory_space<vmem>>
    %dma_wait3A_835 = tpu.memref_squeeze %dma_wait3A_834 : memref<1x128xi32, #tpu.memory_space<vmem>> -> memref<128xi32, #tpu.memory_space<vmem>>
    %dma_wait3A_836 = arith.constant 0 : i32
    %dma_wait3A_837 = arith.constant 0 : i32
    %dma_wait3A_838 = tpu.memref_slice %arg3[%dma_wait3A_836, %dma_wait3A_837] : memref<1000000x32xf32, #tpu.memory_space<hbm>> -> memref<1000000x32xf32, #tpu.memory_space<hbm>>
    tpu.wait_indirect_dma semaphore(%arg7 : memref<!tpu.dma_semaphore, #tpu.memory_space<semaphore_mem>>) src(%dma_wait3A_838 : memref<1000000x32xf32, #tpu.memory_space<hbm>>) dst(%dma_wait3A_832 : memref<128x32xf32, #tpu.memory_space<vmem>>)
    %dma_wait3A_839 = arith.constant 25 : i32
    %dma_wait3A_840 = arith.constant 0 : i32
    %dma_wait3A_841 = arith.constant 640 : i32
    %dma_wait3A_842 = arith.constant 0 : i32
    %dma_wait3A_843 = tpu.memref_slice %arg6[%dma_wait3A_840, %dma_wait3A_841, %dma_wait3A_842] : memref<2x1280x32xf32, #tpu.memory_space<vmem>> -> memref<1x128x32xf32, #tpu.memory_space<vmem>>
    %dma_wait3A_844 = tpu.memref_squeeze %dma_wait3A_843 : memref<1x128x32xf32, #tpu.memory_space<vmem>> -> memref<128x32xf32, #tpu.memory_space<vmem>>
    %dma_wait3A_845 = arith.constant 0 : i32
    %dma_wait3A_846 = tpu.memref_slice %arg5[%dma_wait3A_839, %dma_wait3A_845] : memref<50x128xi32, #tpu.memory_space<vmem>> -> memref<1x128xi32, #tpu.memory_space<vmem>>
    %dma_wait3A_847 = tpu.memref_squeeze %dma_wait3A_846 : memref<1x128xi32, #tpu.memory_space<vmem>> -> memref<128xi32, #tpu.memory_space<vmem>>
    %dma_wait3A_848 = arith.constant 0 : i32
    %dma_wait3A_849 = arith.constant 0 : i32
    %dma_wait3A_850 = tpu.memref_slice %arg3[%dma_wait3A_848, %dma_wait3A_849] : memref<1000000x32xf32, #tpu.memory_space<hbm>> -> memref<1000000x32xf32, #tpu.memory_space<hbm>>
    tpu.wait_indirect_dma semaphore(%arg7 : memref<!tpu.dma_semaphore, #tpu.memory_space<semaphore_mem>>) src(%dma_wait3A_850 : memref<1000000x32xf32, #tpu.memory_space<hbm>>) dst(%dma_wait3A_844 : memref<128x32xf32, #tpu.memory_space<vmem>>)
    %dma_wait3A_851 = arith.constant 26 : i32
    %dma_wait3A_852 = arith.constant 0 : i32
    %dma_wait3A_853 = arith.constant 768 : i32
    %dma_wait3A_854 = arith.constant 0 : i32
    %dma_wait3A_855 = tpu.memref_slice %arg6[%dma_wait3A_852, %dma_wait3A_853, %dma_wait3A_854] : memref<2x1280x32xf32, #tpu.memory_space<vmem>> -> memref<1x128x32xf32, #tpu.memory_space<vmem>>
    %dma_wait3A_856 = tpu.memref_squeeze %dma_wait3A_855 : memref<1x128x32xf32, #tpu.memory_space<vmem>> -> memref<128x32xf32, #tpu.memory_space<vmem>>
    %dma_wait3A_857 = arith.constant 0 : i32
    %dma_wait3A_858 = tpu.memref_slice %arg5[%dma_wait3A_851, %dma_wait3A_857] : memref<50x128xi32, #tpu.memory_space<vmem>> -> memref<1x128xi32, #tpu.memory_space<vmem>>
    %dma_wait3A_859 = tpu.memref_squeeze %dma_wait3A_858 : memref<1x128xi32, #tpu.memory_space<vmem>> -> memref<128xi32, #tpu.memory_space<vmem>>
    %dma_wait3A_860 = arith.constant 0 : i32
    %dma_wait3A_861 = arith.constant 0 : i32
    %dma_wait3A_862 = tpu.memref_slice %arg3[%dma_wait3A_860, %dma_wait3A_861] : memref<1000000x32xf32, #tpu.memory_space<hbm>> -> memref<1000000x32xf32, #tpu.memory_space<hbm>>
    tpu.wait_indirect_dma semaphore(%arg7 : memref<!tpu.dma_semaphore, #tpu.memory_space<semaphore_mem>>) src(%dma_wait3A_862 : memref<1000000x32xf32, #tpu.memory_space<hbm>>) dst(%dma_wait3A_856 : memref<128x32xf32, #tpu.memory_space<vmem>>)
    %dma_wait3A_863 = arith.constant 27 : i32
    %dma_wait3A_864 = arith.constant 0 : i32
    %dma_wait3A_865 = arith.constant 896 : i32
    %dma_wait3A_866 = arith.constant 0 : i32
    %dma_wait3A_867 = tpu.memref_slice %arg6[%dma_wait3A_864, %dma_wait3A_865, %dma_wait3A_866] : memref<2x1280x32xf32, #tpu.memory_space<vmem>> -> memref<1x128x32xf32, #tpu.memory_space<vmem>>
    %dma_wait3A_868 = tpu.memref_squeeze %dma_wait3A_867 : memref<1x128x32xf32, #tpu.memory_space<vmem>> -> memref<128x32xf32, #tpu.memory_space<vmem>>
    %dma_wait3A_869 = arith.constant 0 : i32
    %dma_wait3A_870 = tpu.memref_slice %arg5[%dma_wait3A_863, %dma_wait3A_869] : memref<50x128xi32, #tpu.memory_space<vmem>> -> memref<1x128xi32, #tpu.memory_space<vmem>>
    %dma_wait3A_871 = tpu.memref_squeeze %dma_wait3A_870 : memref<1x128xi32, #tpu.memory_space<vmem>> -> memref<128xi32, #tpu.memory_space<vmem>>
    %dma_wait3A_872 = arith.constant 0 : i32
    %dma_wait3A_873 = arith.constant 0 : i32
    %dma_wait3A_874 = tpu.memref_slice %arg3[%dma_wait3A_872, %dma_wait3A_873] : memref<1000000x32xf32, #tpu.memory_space<hbm>> -> memref<1000000x32xf32, #tpu.memory_space<hbm>>
    tpu.wait_indirect_dma semaphore(%arg7 : memref<!tpu.dma_semaphore, #tpu.memory_space<semaphore_mem>>) src(%dma_wait3A_874 : memref<1000000x32xf32, #tpu.memory_space<hbm>>) dst(%dma_wait3A_868 : memref<128x32xf32, #tpu.memory_space<vmem>>)
    %dma_wait3A_875 = arith.constant 28 : i32
    %dma_wait3A_876 = arith.constant 0 : i32
    %dma_wait3A_877 = arith.constant 1024 : i32
    %dma_wait3A_878 = arith.constant 0 : i32
    %dma_wait3A_879 = tpu.memref_slice %arg6[%dma_wait3A_876, %dma_wait3A_877, %dma_wait3A_878] : memref<2x1280x32xf32, #tpu.memory_space<vmem>> -> memref<1x128x32xf32, #tpu.memory_space<vmem>>
    %dma_wait3A_880 = tpu.memref_squeeze %dma_wait3A_879 : memref<1x128x32xf32, #tpu.memory_space<vmem>> -> memref<128x32xf32, #tpu.memory_space<vmem>>
    %dma_wait3A_881 = arith.constant 0 : i32
    %dma_wait3A_882 = tpu.memref_slice %arg5[%dma_wait3A_875, %dma_wait3A_881] : memref<50x128xi32, #tpu.memory_space<vmem>> -> memref<1x128xi32, #tpu.memory_space<vmem>>
    %dma_wait3A_883 = tpu.memref_squeeze %dma_wait3A_882 : memref<1x128xi32, #tpu.memory_space<vmem>> -> memref<128xi32, #tpu.memory_space<vmem>>
    %dma_wait3A_884 = arith.constant 0 : i32
    %dma_wait3A_885 = arith.constant 0 : i32
    %dma_wait3A_886 = tpu.memref_slice %arg3[%dma_wait3A_884, %dma_wait3A_885] : memref<1000000x32xf32, #tpu.memory_space<hbm>> -> memref<1000000x32xf32, #tpu.memory_space<hbm>>
    tpu.wait_indirect_dma semaphore(%arg7 : memref<!tpu.dma_semaphore, #tpu.memory_space<semaphore_mem>>) src(%dma_wait3A_886 : memref<1000000x32xf32, #tpu.memory_space<hbm>>) dst(%dma_wait3A_880 : memref<128x32xf32, #tpu.memory_space<vmem>>)
    %dma_wait3A_887 = arith.constant 29 : i32
    %dma_wait3A_888 = arith.constant 0 : i32
    %dma_wait3A_889 = arith.constant 1152 : i32
    %dma_wait3A_890 = arith.constant 0 : i32
    %dma_wait3A_891 = tpu.memref_slice %arg6[%dma_wait3A_888, %dma_wait3A_889, %dma_wait3A_890] : memref<2x1280x32xf32, #tpu.memory_space<vmem>> -> memref<1x128x32xf32, #tpu.memory_space<vmem>>
    %dma_wait3A_892 = tpu.memref_squeeze %dma_wait3A_891 : memref<1x128x32xf32, #tpu.memory_space<vmem>> -> memref<128x32xf32, #tpu.memory_space<vmem>>
    %dma_wait3A_893 = arith.constant 0 : i32
    %dma_wait3A_894 = tpu.memref_slice %arg5[%dma_wait3A_887, %dma_wait3A_893] : memref<50x128xi32, #tpu.memory_space<vmem>> -> memref<1x128xi32, #tpu.memory_space<vmem>>
    %dma_wait3A_895 = tpu.memref_squeeze %dma_wait3A_894 : memref<1x128xi32, #tpu.memory_space<vmem>> -> memref<128xi32, #tpu.memory_space<vmem>>
    %dma_wait3A_896 = arith.constant 0 : i32
    %dma_wait3A_897 = arith.constant 0 : i32
    %dma_wait3A_898 = tpu.memref_slice %arg3[%dma_wait3A_896, %dma_wait3A_897] : memref<1000000x32xf32, #tpu.memory_space<hbm>> -> memref<1000000x32xf32, #tpu.memory_space<hbm>>
    tpu.wait_indirect_dma semaphore(%arg7 : memref<!tpu.dma_semaphore, #tpu.memory_space<semaphore_mem>>) src(%dma_wait3A_898 : memref<1000000x32xf32, #tpu.memory_space<hbm>>) dst(%dma_wait3A_892 : memref<128x32xf32, #tpu.memory_space<vmem>>)
    %add3A_899 = arith.constant 2560 : i32
    %add3A_900 = arith.addi %mul3A_4, %add3A_899 : i32
    %dma_start3A_901 = arith.constant 0 : i32
    %dma_start3A_902 = arith.constant 0 : i32
    %dma_start3A_903 = arith.constant 0 : i32
    %dma_start3A_904 = tpu.memref_slice %arg6[%dma_start3A_901, %dma_start3A_902, %dma_start3A_903] : memref<2x1280x32xf32, #tpu.memory_space<vmem>> -> memref<1x1280x32xf32, #tpu.memory_space<vmem>>
    %dma_start3A_905 = tpu.memref_squeeze %dma_start3A_904 : memref<1x1280x32xf32, #tpu.memory_space<vmem>> -> memref<1280x32xf32, #tpu.memory_space<vmem>>
    %dma_start3A_906 = arith.constant 0 : i32
    %dma_start3A_907 = tpu.memref_slice %arg4[%add3A_900, %dma_start3A_906] : memref<204800x32xf32, #tpu.memory_space<hbm>> -> memref<1280x32xf32, #tpu.memory_space<hbm>>
    %dma_start3A_908 = arith.constant 0 : i32
    %dma_start3A_909 = tpu.memref_slice %arg4[%add3A_900, %dma_start3A_908] : memref<204800x32xf32, #tpu.memory_space<hbm>> -> memref<1280x32xf32, #tpu.memory_space<hbm>>
    %dma_start3A_910 = arith.constant 0 : i32
    %dma_start3A_911 = arith.constant 0 : i32
    %dma_start3A_912 = tpu.memref_slice %arg6[%dma_start3A_901, %dma_start3A_910, %dma_start3A_911] : memref<2x1280x32xf32, #tpu.memory_space<vmem>> -> memref<1x1280x32xf32, #tpu.memory_space<vmem>>
    %dma_start3A_913 = tpu.memref_squeeze %dma_start3A_912 : memref<1x1280x32xf32, #tpu.memory_space<vmem>> -> memref<1280x32xf32, #tpu.memory_space<vmem>>
    tpu.enqueue_dma source(%dma_start3A_913 : memref<1280x32xf32, #tpu.memory_space<vmem>>) target(%dma_start3A_909 : memref<1280x32xf32, #tpu.memory_space<hbm>>) target_semaphore(%arg9 : memref<!tpu.dma_semaphore, #tpu.memory_space<semaphore_mem>>)
    %dma_wait3A_914 = arith.constant 0 : i32
    %dma_wait3A_915 = arith.constant 0 : i32
    %dma_wait3A_916 = arith.constant 0 : i32
    %dma_wait3A_917 = tpu.memref_slice %arg6[%dma_wait3A_914, %dma_wait3A_915, %dma_wait3A_916] : memref<2x1280x32xf32, #tpu.memory_space<vmem>> -> memref<1x1280x32xf32, #tpu.memory_space<vmem>>
    %dma_wait3A_918 = tpu.memref_squeeze %dma_wait3A_917 : memref<1x1280x32xf32, #tpu.memory_space<vmem>> -> memref<1280x32xf32, #tpu.memory_space<vmem>>
    %dma_wait3A_919 = arith.constant 0 : i32
    %dma_wait3A_920 = tpu.memref_slice %arg4[%add3A_900, %dma_wait3A_919] : memref<204800x32xf32, #tpu.memory_space<hbm>> -> memref<1280x32xf32, #tpu.memory_space<hbm>>
    %dma_wait3A_921 = arith.constant 0 : i32
    %dma_wait3A_922 = tpu.memref_slice %arg4[%add3A_900, %dma_wait3A_921] : memref<204800x32xf32, #tpu.memory_space<hbm>> -> memref<1280x32xf32, #tpu.memory_space<hbm>>
    %dma_wait3A_923 = arith.constant 0 : i32
    %dma_wait3A_924 = arith.constant 0 : i32
    %dma_wait3A_925 = tpu.memref_slice %arg6[%dma_wait3A_914, %dma_wait3A_923, %dma_wait3A_924] : memref<2x1280x32xf32, #tpu.memory_space<vmem>> -> memref<1x1280x32xf32, #tpu.memory_space<vmem>>
    %dma_wait3A_926 = tpu.memref_squeeze %dma_wait3A_925 : memref<1x1280x32xf32, #tpu.memory_space<vmem>> -> memref<1280x32xf32, #tpu.memory_space<vmem>>
    tpu.wait_dma2 semaphore(%arg9 : memref<!tpu.dma_semaphore, #tpu.memory_space<semaphore_mem>>) src(%dma_wait3A_926 : memref<1280x32xf32, #tpu.memory_space<vmem>>) dst(%dma_wait3A_922 : memref<1280x32xf32, #tpu.memory_space<hbm>>)
    %dma_start3A_927 = arith.constant 40 : i32
    %dma_start3A_928 = arith.constant 0 : i32
    %dma_start3A_929 = arith.constant 0 : i32
    %dma_start3A_930 = arith.constant 0 : i32
    %dma_start3A_931 = tpu.memref_slice %arg6[%dma_start3A_928, %dma_start3A_929, %dma_start3A_930] : memref<2x1280x32xf32, #tpu.memory_space<vmem>> -> memref<1x128x32xf32, #tpu.memory_space<vmem>>
    %dma_start3A_932 = tpu.memref_squeeze %dma_start3A_931 : memref<1x128x32xf32, #tpu.memory_space<vmem>> -> memref<128x32xf32, #tpu.memory_space<vmem>>
    %dma_start3A_933 = arith.constant 0 : i32
    %dma_start3A_934 = tpu.memref_slice %arg5[%dma_start3A_927, %dma_start3A_933] : memref<50x128xi32, #tpu.memory_space<vmem>> -> memref<1x128xi32, #tpu.memory_space<vmem>>
    %dma_start3A_935 = tpu.memref_squeeze %dma_start3A_934 : memref<1x128xi32, #tpu.memory_space<vmem>> -> memref<128xi32, #tpu.memory_space<vmem>>
    %dma_start3A_936 = arith.constant 0 : i32
    %dma_start3A_937 = arith.constant 0 : i32
    %dma_start3A_938 = tpu.memref_slice %arg3[%dma_start3A_936, %dma_start3A_937] : memref<1000000x32xf32, #tpu.memory_space<hbm>> -> memref<1000000x32xf32, #tpu.memory_space<hbm>>
    tpu.enqueue_indirect_dma source(%dma_start3A_938 : memref<1000000x32xf32, #tpu.memory_space<hbm>>) target(%dma_start3A_932 : memref<128x32xf32, #tpu.memory_space<vmem>>) offsets(%dma_start3A_935 : memref<128xi32, #tpu.memory_space<vmem>>) semaphore(%arg7 : memref<!tpu.dma_semaphore, #tpu.memory_space<semaphore_mem>>)
    %dma_start3A_939 = arith.constant 41 : i32
    %dma_start3A_940 = arith.constant 0 : i32
    %dma_start3A_941 = arith.constant 128 : i32
    %dma_start3A_942 = arith.constant 0 : i32
    %dma_start3A_943 = tpu.memref_slice %arg6[%dma_start3A_940, %dma_start3A_941, %dma_start3A_942] : memref<2x1280x32xf32, #tpu.memory_space<vmem>> -> memref<1x128x32xf32, #tpu.memory_space<vmem>>
    %dma_start3A_944 = tpu.memref_squeeze %dma_start3A_943 : memref<1x128x32xf32, #tpu.memory_space<vmem>> -> memref<128x32xf32, #tpu.memory_space<vmem>>
    %dma_start3A_945 = arith.constant 0 : i32
    %dma_start3A_946 = tpu.memref_slice %arg5[%dma_start3A_939, %dma_start3A_945] : memref<50x128xi32, #tpu.memory_space<vmem>> -> memref<1x128xi32, #tpu.memory_space<vmem>>
    %dma_start3A_947 = tpu.memref_squeeze %dma_start3A_946 : memref<1x128xi32, #tpu.memory_space<vmem>> -> memref<128xi32, #tpu.memory_space<vmem>>
    %dma_start3A_948 = arith.constant 0 : i32
    %dma_start3A_949 = arith.constant 0 : i32
    %dma_start3A_950 = tpu.memref_slice %arg3[%dma_start3A_948, %dma_start3A_949] : memref<1000000x32xf32, #tpu.memory_space<hbm>> -> memref<1000000x32xf32, #tpu.memory_space<hbm>>
    tpu.enqueue_indirect_dma source(%dma_start3A_950 : memref<1000000x32xf32, #tpu.memory_space<hbm>>) target(%dma_start3A_944 : memref<128x32xf32, #tpu.memory_space<vmem>>) offsets(%dma_start3A_947 : memref<128xi32, #tpu.memory_space<vmem>>) semaphore(%arg7 : memref<!tpu.dma_semaphore, #tpu.memory_space<semaphore_mem>>)
    %dma_start3A_951 = arith.constant 42 : i32
    %dma_start3A_952 = arith.constant 0 : i32
    %dma_start3A_953 = arith.constant 256 : i32
    %dma_start3A_954 = arith.constant 0 : i32
    %dma_start3A_955 = tpu.memref_slice %arg6[%dma_start3A_952, %dma_start3A_953, %dma_start3A_954] : memref<2x1280x32xf32, #tpu.memory_space<vmem>> -> memref<1x128x32xf32, #tpu.memory_space<vmem>>
    %dma_start3A_956 = tpu.memref_squeeze %dma_start3A_955 : memref<1x128x32xf32, #tpu.memory_space<vmem>> -> memref<128x32xf32, #tpu.memory_space<vmem>>
    %dma_start3A_957 = arith.constant 0 : i32
    %dma_start3A_958 = tpu.memref_slice %arg5[%dma_start3A_951, %dma_start3A_957] : memref<50x128xi32, #tpu.memory_space<vmem>> -> memref<1x128xi32, #tpu.memory_space<vmem>>
    %dma_start3A_959 = tpu.memref_squeeze %dma_start3A_958 : memref<1x128xi32, #tpu.memory_space<vmem>> -> memref<128xi32, #tpu.memory_space<vmem>>
    %dma_start3A_960 = arith.constant 0 : i32
    %dma_start3A_961 = arith.constant 0 : i32
    %dma_start3A_962 = tpu.memref_slice %arg3[%dma_start3A_960, %dma_start3A_961] : memref<1000000x32xf32, #tpu.memory_space<hbm>> -> memref<1000000x32xf32, #tpu.memory_space<hbm>>
    tpu.enqueue_indirect_dma source(%dma_start3A_962 : memref<1000000x32xf32, #tpu.memory_space<hbm>>) target(%dma_start3A_956 : memref<128x32xf32, #tpu.memory_space<vmem>>) offsets(%dma_start3A_959 : memref<128xi32, #tpu.memory_space<vmem>>) semaphore(%arg7 : memref<!tpu.dma_semaphore, #tpu.memory_space<semaphore_mem>>)
    %dma_start3A_963 = arith.constant 43 : i32
    %dma_start3A_964 = arith.constant 0 : i32
    %dma_start3A_965 = arith.constant 384 : i32
    %dma_start3A_966 = arith.constant 0 : i32
    %dma_start3A_967 = tpu.memref_slice %arg6[%dma_start3A_964, %dma_start3A_965, %dma_start3A_966] : memref<2x1280x32xf32, #tpu.memory_space<vmem>> -> memref<1x128x32xf32, #tpu.memory_space<vmem>>
    %dma_start3A_968 = tpu.memref_squeeze %dma_start3A_967 : memref<1x128x32xf32, #tpu.memory_space<vmem>> -> memref<128x32xf32, #tpu.memory_space<vmem>>
    %dma_start3A_969 = arith.constant 0 : i32
    %dma_start3A_970 = tpu.memref_slice %arg5[%dma_start3A_963, %dma_start3A_969] : memref<50x128xi32, #tpu.memory_space<vmem>> -> memref<1x128xi32, #tpu.memory_space<vmem>>
    %dma_start3A_971 = tpu.memref_squeeze %dma_start3A_970 : memref<1x128xi32, #tpu.memory_space<vmem>> -> memref<128xi32, #tpu.memory_space<vmem>>
    %dma_start3A_972 = arith.constant 0 : i32
    %dma_start3A_973 = arith.constant 0 : i32
    %dma_start3A_974 = tpu.memref_slice %arg3[%dma_start3A_972, %dma_start3A_973] : memref<1000000x32xf32, #tpu.memory_space<hbm>> -> memref<1000000x32xf32, #tpu.memory_space<hbm>>
    tpu.enqueue_indirect_dma source(%dma_start3A_974 : memref<1000000x32xf32, #tpu.memory_space<hbm>>) target(%dma_start3A_968 : memref<128x32xf32, #tpu.memory_space<vmem>>) offsets(%dma_start3A_971 : memref<128xi32, #tpu.memory_space<vmem>>) semaphore(%arg7 : memref<!tpu.dma_semaphore, #tpu.memory_space<semaphore_mem>>)
    %dma_start3A_975 = arith.constant 44 : i32
    %dma_start3A_976 = arith.constant 0 : i32
    %dma_start3A_977 = arith.constant 512 : i32
    %dma_start3A_978 = arith.constant 0 : i32
    %dma_start3A_979 = tpu.memref_slice %arg6[%dma_start3A_976, %dma_start3A_977, %dma_start3A_978] : memref<2x1280x32xf32, #tpu.memory_space<vmem>> -> memref<1x128x32xf32, #tpu.memory_space<vmem>>
    %dma_start3A_980 = tpu.memref_squeeze %dma_start3A_979 : memref<1x128x32xf32, #tpu.memory_space<vmem>> -> memref<128x32xf32, #tpu.memory_space<vmem>>
    %dma_start3A_981 = arith.constant 0 : i32
    %dma_start3A_982 = tpu.memref_slice %arg5[%dma_start3A_975, %dma_start3A_981] : memref<50x128xi32, #tpu.memory_space<vmem>> -> memref<1x128xi32, #tpu.memory_space<vmem>>
    %dma_start3A_983 = tpu.memref_squeeze %dma_start3A_982 : memref<1x128xi32, #tpu.memory_space<vmem>> -> memref<128xi32, #tpu.memory_space<vmem>>
    %dma_start3A_984 = arith.constant 0 : i32
    %dma_start3A_985 = arith.constant 0 : i32
    %dma_start3A_986 = tpu.memref_slice %arg3[%dma_start3A_984, %dma_start3A_985] : memref<1000000x32xf32, #tpu.memory_space<hbm>> -> memref<1000000x32xf32, #tpu.memory_space<hbm>>
    tpu.enqueue_indirect_dma source(%dma_start3A_986 : memref<1000000x32xf32, #tpu.memory_space<hbm>>) target(%dma_start3A_980 : memref<128x32xf32, #tpu.memory_space<vmem>>) offsets(%dma_start3A_983 : memref<128xi32, #tpu.memory_space<vmem>>) semaphore(%arg7 : memref<!tpu.dma_semaphore, #tpu.memory_space<semaphore_mem>>)
    %dma_start3A_987 = arith.constant 45 : i32
    %dma_start3A_988 = arith.constant 0 : i32
    %dma_start3A_989 = arith.constant 640 : i32
    %dma_start3A_990 = arith.constant 0 : i32
    %dma_start3A_991 = tpu.memref_slice %arg6[%dma_start3A_988, %dma_start3A_989, %dma_start3A_990] : memref<2x1280x32xf32, #tpu.memory_space<vmem>> -> memref<1x128x32xf32, #tpu.memory_space<vmem>>
    %dma_start3A_992 = tpu.memref_squeeze %dma_start3A_991 : memref<1x128x32xf32, #tpu.memory_space<vmem>> -> memref<128x32xf32, #tpu.memory_space<vmem>>
    %dma_start3A_993 = arith.constant 0 : i32
    %dma_start3A_994 = tpu.memref_slice %arg5[%dma_start3A_987, %dma_start3A_993] : memref<50x128xi32, #tpu.memory_space<vmem>> -> memref<1x128xi32, #tpu.memory_space<vmem>>
    %dma_start3A_995 = tpu.memref_squeeze %dma_start3A_994 : memref<1x128xi32, #tpu.memory_space<vmem>> -> memref<128xi32, #tpu.memory_space<vmem>>
    %dma_start3A_996 = arith.constant 0 : i32
    %dma_start3A_997 = arith.constant 0 : i32
    %dma_start3A_998 = tpu.memref_slice %arg3[%dma_start3A_996, %dma_start3A_997] : memref<1000000x32xf32, #tpu.memory_space<hbm>> -> memref<1000000x32xf32, #tpu.memory_space<hbm>>
    tpu.enqueue_indirect_dma source(%dma_start3A_998 : memref<1000000x32xf32, #tpu.memory_space<hbm>>) target(%dma_start3A_992 : memref<128x32xf32, #tpu.memory_space<vmem>>) offsets(%dma_start3A_995 : memref<128xi32, #tpu.memory_space<vmem>>) semaphore(%arg7 : memref<!tpu.dma_semaphore, #tpu.memory_space<semaphore_mem>>)
    %dma_start3A_999 = arith.constant 46 : i32
    %dma_start3A_1000 = arith.constant 0 : i32
    %dma_start3A_1001 = arith.constant 768 : i32
    %dma_start3A_1002 = arith.constant 0 : i32
    %dma_start3A_1003 = tpu.memref_slice %arg6[%dma_start3A_1000, %dma_start3A_1001, %dma_start3A_1002] : memref<2x1280x32xf32, #tpu.memory_space<vmem>> -> memref<1x128x32xf32, #tpu.memory_space<vmem>>
    %dma_start3A_1004 = tpu.memref_squeeze %dma_start3A_1003 : memref<1x128x32xf32, #tpu.memory_space<vmem>> -> memref<128x32xf32, #tpu.memory_space<vmem>>
    %dma_start3A_1005 = arith.constant 0 : i32
    %dma_start3A_1006 = tpu.memref_slice %arg5[%dma_start3A_999, %dma_start3A_1005] : memref<50x128xi32, #tpu.memory_space<vmem>> -> memref<1x128xi32, #tpu.memory_space<vmem>>
    %dma_start3A_1007 = tpu.memref_squeeze %dma_start3A_1006 : memref<1x128xi32, #tpu.memory_space<vmem>> -> memref<128xi32, #tpu.memory_space<vmem>>
    %dma_start3A_1008 = arith.constant 0 : i32
    %dma_start3A_1009 = arith.constant 0 : i32
    %dma_start3A_1010 = tpu.memref_slice %arg3[%dma_start3A_1008, %dma_start3A_1009] : memref<1000000x32xf32, #tpu.memory_space<hbm>> -> memref<1000000x32xf32, #tpu.memory_space<hbm>>
    tpu.enqueue_indirect_dma source(%dma_start3A_1010 : memref<1000000x32xf32, #tpu.memory_space<hbm>>) target(%dma_start3A_1004 : memref<128x32xf32, #tpu.memory_space<vmem>>) offsets(%dma_start3A_1007 : memref<128xi32, #tpu.memory_space<vmem>>) semaphore(%arg7 : memref<!tpu.dma_semaphore, #tpu.memory_space<semaphore_mem>>)
    %dma_start3A_1011 = arith.constant 47 : i32
    %dma_start3A_1012 = arith.constant 0 : i32
    %dma_start3A_1013 = arith.constant 896 : i32
    %dma_start3A_1014 = arith.constant 0 : i32
    %dma_start3A_1015 = tpu.memref_slice %arg6[%dma_start3A_1012, %dma_start3A_1013, %dma_start3A_1014] : memref<2x1280x32xf32, #tpu.memory_space<vmem>> -> memref<1x128x32xf32, #tpu.memory_space<vmem>>
    %dma_start3A_1016 = tpu.memref_squeeze %dma_start3A_1015 : memref<1x128x32xf32, #tpu.memory_space<vmem>> -> memref<128x32xf32, #tpu.memory_space<vmem>>
    %dma_start3A_1017 = arith.constant 0 : i32
    %dma_start3A_1018 = tpu.memref_slice %arg5[%dma_start3A_1011, %dma_start3A_1017] : memref<50x128xi32, #tpu.memory_space<vmem>> -> memref<1x128xi32, #tpu.memory_space<vmem>>
    %dma_start3A_1019 = tpu.memref_squeeze %dma_start3A_1018 : memref<1x128xi32, #tpu.memory_space<vmem>> -> memref<128xi32, #tpu.memory_space<vmem>>
    %dma_start3A_1020 = arith.constant 0 : i32
    %dma_start3A_1021 = arith.constant 0 : i32
    %dma_start3A_1022 = tpu.memref_slice %arg3[%dma_start3A_1020, %dma_start3A_1021] : memref<1000000x32xf32, #tpu.memory_space<hbm>> -> memref<1000000x32xf32, #tpu.memory_space<hbm>>
    tpu.enqueue_indirect_dma source(%dma_start3A_1022 : memref<1000000x32xf32, #tpu.memory_space<hbm>>) target(%dma_start3A_1016 : memref<128x32xf32, #tpu.memory_space<vmem>>) offsets(%dma_start3A_1019 : memref<128xi32, #tpu.memory_space<vmem>>) semaphore(%arg7 : memref<!tpu.dma_semaphore, #tpu.memory_space<semaphore_mem>>)
    %dma_start3A_1023 = arith.constant 48 : i32
    %dma_start3A_1024 = arith.constant 0 : i32
    %dma_start3A_1025 = arith.constant 1024 : i32
    %dma_start3A_1026 = arith.constant 0 : i32
    %dma_start3A_1027 = tpu.memref_slice %arg6[%dma_start3A_1024, %dma_start3A_1025, %dma_start3A_1026] : memref<2x1280x32xf32, #tpu.memory_space<vmem>> -> memref<1x128x32xf32, #tpu.memory_space<vmem>>
    %dma_start3A_1028 = tpu.memref_squeeze %dma_start3A_1027 : memref<1x128x32xf32, #tpu.memory_space<vmem>> -> memref<128x32xf32, #tpu.memory_space<vmem>>
    %dma_start3A_1029 = arith.constant 0 : i32
    %dma_start3A_1030 = tpu.memref_slice %arg5[%dma_start3A_1023, %dma_start3A_1029] : memref<50x128xi32, #tpu.memory_space<vmem>> -> memref<1x128xi32, #tpu.memory_space<vmem>>
    %dma_start3A_1031 = tpu.memref_squeeze %dma_start3A_1030 : memref<1x128xi32, #tpu.memory_space<vmem>> -> memref<128xi32, #tpu.memory_space<vmem>>
    %dma_start3A_1032 = arith.constant 0 : i32
    %dma_start3A_1033 = arith.constant 0 : i32
    %dma_start3A_1034 = tpu.memref_slice %arg3[%dma_start3A_1032, %dma_start3A_1033] : memref<1000000x32xf32, #tpu.memory_space<hbm>> -> memref<1000000x32xf32, #tpu.memory_space<hbm>>
    tpu.enqueue_indirect_dma source(%dma_start3A_1034 : memref<1000000x32xf32, #tpu.memory_space<hbm>>) target(%dma_start3A_1028 : memref<128x32xf32, #tpu.memory_space<vmem>>) offsets(%dma_start3A_1031 : memref<128xi32, #tpu.memory_space<vmem>>) semaphore(%arg7 : memref<!tpu.dma_semaphore, #tpu.memory_space<semaphore_mem>>)
    %dma_start3A_1035 = arith.constant 49 : i32
    %dma_start3A_1036 = arith.constant 0 : i32
    %dma_start3A_1037 = arith.constant 1152 : i32
    %dma_start3A_1038 = arith.constant 0 : i32
    %dma_start3A_1039 = tpu.memref_slice %arg6[%dma_start3A_1036, %dma_start3A_1037, %dma_start3A_1038] : memref<2x1280x32xf32, #tpu.memory_space<vmem>> -> memref<1x128x32xf32, #tpu.memory_space<vmem>>
    %dma_start3A_1040 = tpu.memref_squeeze %dma_start3A_1039 : memref<1x128x32xf32, #tpu.memory_space<vmem>> -> memref<128x32xf32, #tpu.memory_space<vmem>>
    %dma_start3A_1041 = arith.constant 0 : i32
    %dma_start3A_1042 = tpu.memref_slice %arg5[%dma_start3A_1035, %dma_start3A_1041] : memref<50x128xi32, #tpu.memory_space<vmem>> -> memref<1x128xi32, #tpu.memory_space<vmem>>
    %dma_start3A_1043 = tpu.memref_squeeze %dma_start3A_1042 : memref<1x128xi32, #tpu.memory_space<vmem>> -> memref<128xi32, #tpu.memory_space<vmem>>
    %dma_start3A_1044 = arith.constant 0 : i32
    %dma_start3A_1045 = arith.constant 0 : i32
    %dma_start3A_1046 = tpu.memref_slice %arg3[%dma_start3A_1044, %dma_start3A_1045] : memref<1000000x32xf32, #tpu.memory_space<hbm>> -> memref<1000000x32xf32, #tpu.memory_space<hbm>>
    tpu.enqueue_indirect_dma source(%dma_start3A_1046 : memref<1000000x32xf32, #tpu.memory_space<hbm>>) target(%dma_start3A_1040 : memref<128x32xf32, #tpu.memory_space<vmem>>) offsets(%dma_start3A_1043 : memref<128xi32, #tpu.memory_space<vmem>>) semaphore(%arg7 : memref<!tpu.dma_semaphore, #tpu.memory_space<semaphore_mem>>)
    %dma_wait3A_1047 = arith.constant 30 : i32
    %dma_wait3A_1048 = arith.constant 1 : i32
    %dma_wait3A_1049 = arith.constant 0 : i32
    %dma_wait3A_1050 = arith.constant 0 : i32
    %dma_wait3A_1051 = tpu.memref_slice %arg6[%dma_wait3A_1048, %dma_wait3A_1049, %dma_wait3A_1050] : memref<2x1280x32xf32, #tpu.memory_space<vmem>> -> memref<1x128x32xf32, #tpu.memory_space<vmem>>
    %dma_wait3A_1052 = tpu.memref_squeeze %dma_wait3A_1051 : memref<1x128x32xf32, #tpu.memory_space<vmem>> -> memref<128x32xf32, #tpu.memory_space<vmem>>
    %dma_wait3A_1053 = arith.constant 0 : i32
    %dma_wait3A_1054 = tpu.memref_slice %arg5[%dma_wait3A_1047, %dma_wait3A_1053] : memref<50x128xi32, #tpu.memory_space<vmem>> -> memref<1x128xi32, #tpu.memory_space<vmem>>
    %dma_wait3A_1055 = tpu.memref_squeeze %dma_wait3A_1054 : memref<1x128xi32, #tpu.memory_space<vmem>> -> memref<128xi32, #tpu.memory_space<vmem>>
    %dma_wait3A_1056 = arith.constant 0 : i32
    %dma_wait3A_1057 = arith.constant 0 : i32
    %dma_wait3A_1058 = tpu.memref_slice %arg3[%dma_wait3A_1056, %dma_wait3A_1057] : memref<1000000x32xf32, #tpu.memory_space<hbm>> -> memref<1000000x32xf32, #tpu.memory_space<hbm>>
    tpu.wait_indirect_dma semaphore(%arg8 : memref<!tpu.dma_semaphore, #tpu.memory_space<semaphore_mem>>) src(%dma_wait3A_1058 : memref<1000000x32xf32, #tpu.memory_space<hbm>>) dst(%dma_wait3A_1052 : memref<128x32xf32, #tpu.memory_space<vmem>>)
    %dma_wait3A_1059 = arith.constant 31 : i32
    %dma_wait3A_1060 = arith.constant 1 : i32
    %dma_wait3A_1061 = arith.constant 128 : i32
    %dma_wait3A_1062 = arith.constant 0 : i32
    %dma_wait3A_1063 = tpu.memref_slice %arg6[%dma_wait3A_1060, %dma_wait3A_1061, %dma_wait3A_1062] : memref<2x1280x32xf32, #tpu.memory_space<vmem>> -> memref<1x128x32xf32, #tpu.memory_space<vmem>>
    %dma_wait3A_1064 = tpu.memref_squeeze %dma_wait3A_1063 : memref<1x128x32xf32, #tpu.memory_space<vmem>> -> memref<128x32xf32, #tpu.memory_space<vmem>>
    %dma_wait3A_1065 = arith.constant 0 : i32
    %dma_wait3A_1066 = tpu.memref_slice %arg5[%dma_wait3A_1059, %dma_wait3A_1065] : memref<50x128xi32, #tpu.memory_space<vmem>> -> memref<1x128xi32, #tpu.memory_space<vmem>>
    %dma_wait3A_1067 = tpu.memref_squeeze %dma_wait3A_1066 : memref<1x128xi32, #tpu.memory_space<vmem>> -> memref<128xi32, #tpu.memory_space<vmem>>
    %dma_wait3A_1068 = arith.constant 0 : i32
    %dma_wait3A_1069 = arith.constant 0 : i32
    %dma_wait3A_1070 = tpu.memref_slice %arg3[%dma_wait3A_1068, %dma_wait3A_1069] : memref<1000000x32xf32, #tpu.memory_space<hbm>> -> memref<1000000x32xf32, #tpu.memory_space<hbm>>
    tpu.wait_indirect_dma semaphore(%arg8 : memref<!tpu.dma_semaphore, #tpu.memory_space<semaphore_mem>>) src(%dma_wait3A_1070 : memref<1000000x32xf32, #tpu.memory_space<hbm>>) dst(%dma_wait3A_1064 : memref<128x32xf32, #tpu.memory_space<vmem>>)
    %dma_wait3A_1071 = arith.constant 32 : i32
    %dma_wait3A_1072 = arith.constant 1 : i32
    %dma_wait3A_1073 = arith.constant 256 : i32
    %dma_wait3A_1074 = arith.constant 0 : i32
    %dma_wait3A_1075 = tpu.memref_slice %arg6[%dma_wait3A_1072, %dma_wait3A_1073, %dma_wait3A_1074] : memref<2x1280x32xf32, #tpu.memory_space<vmem>> -> memref<1x128x32xf32, #tpu.memory_space<vmem>>
    %dma_wait3A_1076 = tpu.memref_squeeze %dma_wait3A_1075 : memref<1x128x32xf32, #tpu.memory_space<vmem>> -> memref<128x32xf32, #tpu.memory_space<vmem>>
    %dma_wait3A_1077 = arith.constant 0 : i32
    %dma_wait3A_1078 = tpu.memref_slice %arg5[%dma_wait3A_1071, %dma_wait3A_1077] : memref<50x128xi32, #tpu.memory_space<vmem>> -> memref<1x128xi32, #tpu.memory_space<vmem>>
    %dma_wait3A_1079 = tpu.memref_squeeze %dma_wait3A_1078 : memref<1x128xi32, #tpu.memory_space<vmem>> -> memref<128xi32, #tpu.memory_space<vmem>>
    %dma_wait3A_1080 = arith.constant 0 : i32
    %dma_wait3A_1081 = arith.constant 0 : i32
    %dma_wait3A_1082 = tpu.memref_slice %arg3[%dma_wait3A_1080, %dma_wait3A_1081] : memref<1000000x32xf32, #tpu.memory_space<hbm>> -> memref<1000000x32xf32, #tpu.memory_space<hbm>>
    tpu.wait_indirect_dma semaphore(%arg8 : memref<!tpu.dma_semaphore, #tpu.memory_space<semaphore_mem>>) src(%dma_wait3A_1082 : memref<1000000x32xf32, #tpu.memory_space<hbm>>) dst(%dma_wait3A_1076 : memref<128x32xf32, #tpu.memory_space<vmem>>)
    %dma_wait3A_1083 = arith.constant 33 : i32
    %dma_wait3A_1084 = arith.constant 1 : i32
    %dma_wait3A_1085 = arith.constant 384 : i32
    %dma_wait3A_1086 = arith.constant 0 : i32
    %dma_wait3A_1087 = tpu.memref_slice %arg6[%dma_wait3A_1084, %dma_wait3A_1085, %dma_wait3A_1086] : memref<2x1280x32xf32, #tpu.memory_space<vmem>> -> memref<1x128x32xf32, #tpu.memory_space<vmem>>
    %dma_wait3A_1088 = tpu.memref_squeeze %dma_wait3A_1087 : memref<1x128x32xf32, #tpu.memory_space<vmem>> -> memref<128x32xf32, #tpu.memory_space<vmem>>
    %dma_wait3A_1089 = arith.constant 0 : i32
    %dma_wait3A_1090 = tpu.memref_slice %arg5[%dma_wait3A_1083, %dma_wait3A_1089] : memref<50x128xi32, #tpu.memory_space<vmem>> -> memref<1x128xi32, #tpu.memory_space<vmem>>
    %dma_wait3A_1091 = tpu.memref_squeeze %dma_wait3A_1090 : memref<1x128xi32, #tpu.memory_space<vmem>> -> memref<128xi32, #tpu.memory_space<vmem>>
    %dma_wait3A_1092 = arith.constant 0 : i32
    %dma_wait3A_1093 = arith.constant 0 : i32
    %dma_wait3A_1094 = tpu.memref_slice %arg3[%dma_wait3A_1092, %dma_wait3A_1093] : memref<1000000x32xf32, #tpu.memory_space<hbm>> -> memref<1000000x32xf32, #tpu.memory_space<hbm>>
    tpu.wait_indirect_dma semaphore(%arg8 : memref<!tpu.dma_semaphore, #tpu.memory_space<semaphore_mem>>) src(%dma_wait3A_1094 : memref<1000000x32xf32, #tpu.memory_space<hbm>>) dst(%dma_wait3A_1088 : memref<128x32xf32, #tpu.memory_space<vmem>>)
    %dma_wait3A_1095 = arith.constant 34 : i32
    %dma_wait3A_1096 = arith.constant 1 : i32
    %dma_wait3A_1097 = arith.constant 512 : i32
    %dma_wait3A_1098 = arith.constant 0 : i32
    %dma_wait3A_1099 = tpu.memref_slice %arg6[%dma_wait3A_1096, %dma_wait3A_1097, %dma_wait3A_1098] : memref<2x1280x32xf32, #tpu.memory_space<vmem>> -> memref<1x128x32xf32, #tpu.memory_space<vmem>>
    %dma_wait3A_1100 = tpu.memref_squeeze %dma_wait3A_1099 : memref<1x128x32xf32, #tpu.memory_space<vmem>> -> memref<128x32xf32, #tpu.memory_space<vmem>>
    %dma_wait3A_1101 = arith.constant 0 : i32
    %dma_wait3A_1102 = tpu.memref_slice %arg5[%dma_wait3A_1095, %dma_wait3A_1101] : memref<50x128xi32, #tpu.memory_space<vmem>> -> memref<1x128xi32, #tpu.memory_space<vmem>>
    %dma_wait3A_1103 = tpu.memref_squeeze %dma_wait3A_1102 : memref<1x128xi32, #tpu.memory_space<vmem>> -> memref<128xi32, #tpu.memory_space<vmem>>
    %dma_wait3A_1104 = arith.constant 0 : i32
    %dma_wait3A_1105 = arith.constant 0 : i32
    %dma_wait3A_1106 = tpu.memref_slice %arg3[%dma_wait3A_1104, %dma_wait3A_1105] : memref<1000000x32xf32, #tpu.memory_space<hbm>> -> memref<1000000x32xf32, #tpu.memory_space<hbm>>
    tpu.wait_indirect_dma semaphore(%arg8 : memref<!tpu.dma_semaphore, #tpu.memory_space<semaphore_mem>>) src(%dma_wait3A_1106 : memref<1000000x32xf32, #tpu.memory_space<hbm>>) dst(%dma_wait3A_1100 : memref<128x32xf32, #tpu.memory_space<vmem>>)
    %dma_wait3A_1107 = arith.constant 35 : i32
    %dma_wait3A_1108 = arith.constant 1 : i32
    %dma_wait3A_1109 = arith.constant 640 : i32
    %dma_wait3A_1110 = arith.constant 0 : i32
    %dma_wait3A_1111 = tpu.memref_slice %arg6[%dma_wait3A_1108, %dma_wait3A_1109, %dma_wait3A_1110] : memref<2x1280x32xf32, #tpu.memory_space<vmem>> -> memref<1x128x32xf32, #tpu.memory_space<vmem>>
    %dma_wait3A_1112 = tpu.memref_squeeze %dma_wait3A_1111 : memref<1x128x32xf32, #tpu.memory_space<vmem>> -> memref<128x32xf32, #tpu.memory_space<vmem>>
    %dma_wait3A_1113 = arith.constant 0 : i32
    %dma_wait3A_1114 = tpu.memref_slice %arg5[%dma_wait3A_1107, %dma_wait3A_1113] : memref<50x128xi32, #tpu.memory_space<vmem>> -> memref<1x128xi32, #tpu.memory_space<vmem>>
    %dma_wait3A_1115 = tpu.memref_squeeze %dma_wait3A_1114 : memref<1x128xi32, #tpu.memory_space<vmem>> -> memref<128xi32, #tpu.memory_space<vmem>>
    %dma_wait3A_1116 = arith.constant 0 : i32
    %dma_wait3A_1117 = arith.constant 0 : i32
    %dma_wait3A_1118 = tpu.memref_slice %arg3[%dma_wait3A_1116, %dma_wait3A_1117] : memref<1000000x32xf32, #tpu.memory_space<hbm>> -> memref<1000000x32xf32, #tpu.memory_space<hbm>>
    tpu.wait_indirect_dma semaphore(%arg8 : memref<!tpu.dma_semaphore, #tpu.memory_space<semaphore_mem>>) src(%dma_wait3A_1118 : memref<1000000x32xf32, #tpu.memory_space<hbm>>) dst(%dma_wait3A_1112 : memref<128x32xf32, #tpu.memory_space<vmem>>)
    %dma_wait3A_1119 = arith.constant 36 : i32
    %dma_wait3A_1120 = arith.constant 1 : i32
    %dma_wait3A_1121 = arith.constant 768 : i32
    %dma_wait3A_1122 = arith.constant 0 : i32
    %dma_wait3A_1123 = tpu.memref_slice %arg6[%dma_wait3A_1120, %dma_wait3A_1121, %dma_wait3A_1122] : memref<2x1280x32xf32, #tpu.memory_space<vmem>> -> memref<1x128x32xf32, #tpu.memory_space<vmem>>
    %dma_wait3A_1124 = tpu.memref_squeeze %dma_wait3A_1123 : memref<1x128x32xf32, #tpu.memory_space<vmem>> -> memref<128x32xf32, #tpu.memory_space<vmem>>
    %dma_wait3A_1125 = arith.constant 0 : i32
    %dma_wait3A_1126 = tpu.memref_slice %arg5[%dma_wait3A_1119, %dma_wait3A_1125] : memref<50x128xi32, #tpu.memory_space<vmem>> -> memref<1x128xi32, #tpu.memory_space<vmem>>
    %dma_wait3A_1127 = tpu.memref_squeeze %dma_wait3A_1126 : memref<1x128xi32, #tpu.memory_space<vmem>> -> memref<128xi32, #tpu.memory_space<vmem>>
    %dma_wait3A_1128 = arith.constant 0 : i32
    %dma_wait3A_1129 = arith.constant 0 : i32
    %dma_wait3A_1130 = tpu.memref_slice %arg3[%dma_wait3A_1128, %dma_wait3A_1129] : memref<1000000x32xf32, #tpu.memory_space<hbm>> -> memref<1000000x32xf32, #tpu.memory_space<hbm>>
    tpu.wait_indirect_dma semaphore(%arg8 : memref<!tpu.dma_semaphore, #tpu.memory_space<semaphore_mem>>) src(%dma_wait3A_1130 : memref<1000000x32xf32, #tpu.memory_space<hbm>>) dst(%dma_wait3A_1124 : memref<128x32xf32, #tpu.memory_space<vmem>>)
    %dma_wait3A_1131 = arith.constant 37 : i32
    %dma_wait3A_1132 = arith.constant 1 : i32
    %dma_wait3A_1133 = arith.constant 896 : i32
    %dma_wait3A_1134 = arith.constant 0 : i32
    %dma_wait3A_1135 = tpu.memref_slice %arg6[%dma_wait3A_1132, %dma_wait3A_1133, %dma_wait3A_1134] : memref<2x1280x32xf32, #tpu.memory_space<vmem>> -> memref<1x128x32xf32, #tpu.memory_space<vmem>>
    %dma_wait3A_1136 = tpu.memref_squeeze %dma_wait3A_1135 : memref<1x128x32xf32, #tpu.memory_space<vmem>> -> memref<128x32xf32, #tpu.memory_space<vmem>>
    %dma_wait3A_1137 = arith.constant 0 : i32
    %dma_wait3A_1138 = tpu.memref_slice %arg5[%dma_wait3A_1131, %dma_wait3A_1137] : memref<50x128xi32, #tpu.memory_space<vmem>> -> memref<1x128xi32, #tpu.memory_space<vmem>>
    %dma_wait3A_1139 = tpu.memref_squeeze %dma_wait3A_1138 : memref<1x128xi32, #tpu.memory_space<vmem>> -> memref<128xi32, #tpu.memory_space<vmem>>
    %dma_wait3A_1140 = arith.constant 0 : i32
    %dma_wait3A_1141 = arith.constant 0 : i32
    %dma_wait3A_1142 = tpu.memref_slice %arg3[%dma_wait3A_1140, %dma_wait3A_1141] : memref<1000000x32xf32, #tpu.memory_space<hbm>> -> memref<1000000x32xf32, #tpu.memory_space<hbm>>
    tpu.wait_indirect_dma semaphore(%arg8 : memref<!tpu.dma_semaphore, #tpu.memory_space<semaphore_mem>>) src(%dma_wait3A_1142 : memref<1000000x32xf32, #tpu.memory_space<hbm>>) dst(%dma_wait3A_1136 : memref<128x32xf32, #tpu.memory_space<vmem>>)
    %dma_wait3A_1143 = arith.constant 38 : i32
    %dma_wait3A_1144 = arith.constant 1 : i32
    %dma_wait3A_1145 = arith.constant 1024 : i32
    %dma_wait3A_1146 = arith.constant 0 : i32
    %dma_wait3A_1147 = tpu.memref_slice %arg6[%dma_wait3A_1144, %dma_wait3A_1145, %dma_wait3A_1146] : memref<2x1280x32xf32, #tpu.memory_space<vmem>> -> memref<1x128x32xf32, #tpu.memory_space<vmem>>
    %dma_wait3A_1148 = tpu.memref_squeeze %dma_wait3A_1147 : memref<1x128x32xf32, #tpu.memory_space<vmem>> -> memref<128x32xf32, #tpu.memory_space<vmem>>
    %dma_wait3A_1149 = arith.constant 0 : i32
    %dma_wait3A_1150 = tpu.memref_slice %arg5[%dma_wait3A_1143, %dma_wait3A_1149] : memref<50x128xi32, #tpu.memory_space<vmem>> -> memref<1x128xi32, #tpu.memory_space<vmem>>
    %dma_wait3A_1151 = tpu.memref_squeeze %dma_wait3A_1150 : memref<1x128xi32, #tpu.memory_space<vmem>> -> memref<128xi32, #tpu.memory_space<vmem>>
    %dma_wait3A_1152 = arith.constant 0 : i32
    %dma_wait3A_1153 = arith.constant 0 : i32
    %dma_wait3A_1154 = tpu.memref_slice %arg3[%dma_wait3A_1152, %dma_wait3A_1153] : memref<1000000x32xf32, #tpu.memory_space<hbm>> -> memref<1000000x32xf32, #tpu.memory_space<hbm>>
    tpu.wait_indirect_dma semaphore(%arg8 : memref<!tpu.dma_semaphore, #tpu.memory_space<semaphore_mem>>) src(%dma_wait3A_1154 : memref<1000000x32xf32, #tpu.memory_space<hbm>>) dst(%dma_wait3A_1148 : memref<128x32xf32, #tpu.memory_space<vmem>>)
    %dma_wait3A_1155 = arith.constant 39 : i32
    %dma_wait3A_1156 = arith.constant 1 : i32
    %dma_wait3A_1157 = arith.constant 1152 : i32
    %dma_wait3A_1158 = arith.constant 0 : i32
    %dma_wait3A_1159 = tpu.memref_slice %arg6[%dma_wait3A_1156, %dma_wait3A_1157, %dma_wait3A_1158] : memref<2x1280x32xf32, #tpu.memory_space<vmem>> -> memref<1x128x32xf32, #tpu.memory_space<vmem>>
    %dma_wait3A_1160 = tpu.memref_squeeze %dma_wait3A_1159 : memref<1x128x32xf32, #tpu.memory_space<vmem>> -> memref<128x32xf32, #tpu.memory_space<vmem>>
    %dma_wait3A_1161 = arith.constant 0 : i32
    %dma_wait3A_1162 = tpu.memref_slice %arg5[%dma_wait3A_1155, %dma_wait3A_1161] : memref<50x128xi32, #tpu.memory_space<vmem>> -> memref<1x128xi32, #tpu.memory_space<vmem>>
    %dma_wait3A_1163 = tpu.memref_squeeze %dma_wait3A_1162 : memref<1x128xi32, #tpu.memory_space<vmem>> -> memref<128xi32, #tpu.memory_space<vmem>>
    %dma_wait3A_1164 = arith.constant 0 : i32
    %dma_wait3A_1165 = arith.constant 0 : i32
    %dma_wait3A_1166 = tpu.memref_slice %arg3[%dma_wait3A_1164, %dma_wait3A_1165] : memref<1000000x32xf32, #tpu.memory_space<hbm>> -> memref<1000000x32xf32, #tpu.memory_space<hbm>>
    tpu.wait_indirect_dma semaphore(%arg8 : memref<!tpu.dma_semaphore, #tpu.memory_space<semaphore_mem>>) src(%dma_wait3A_1166 : memref<1000000x32xf32, #tpu.memory_space<hbm>>) dst(%dma_wait3A_1160 : memref<128x32xf32, #tpu.memory_space<vmem>>)
    %add3A_1167 = arith.constant 3840 : i32
    %add3A_1168 = arith.addi %mul3A_4, %add3A_1167 : i32
    %dma_start3A_1169 = arith.constant 1 : i32
    %dma_start3A_1170 = arith.constant 0 : i32
    %dma_start3A_1171 = arith.constant 0 : i32
    %dma_start3A_1172 = tpu.memref_slice %arg6[%dma_start3A_1169, %dma_start3A_1170, %dma_start3A_1171] : memref<2x1280x32xf32, #tpu.memory_space<vmem>> -> memref<1x1280x32xf32, #tpu.memory_space<vmem>>
    %dma_start3A_1173 = tpu.memref_squeeze %dma_start3A_1172 : memref<1x1280x32xf32, #tpu.memory_space<vmem>> -> memref<1280x32xf32, #tpu.memory_space<vmem>>
    %dma_start3A_1174 = arith.constant 0 : i32
    %dma_start3A_1175 = tpu.memref_slice %arg4[%add3A_1168, %dma_start3A_1174] : memref<204800x32xf32, #tpu.memory_space<hbm>> -> memref<1280x32xf32, #tpu.memory_space<hbm>>
    %dma_start3A_1176 = arith.constant 0 : i32
    %dma_start3A_1177 = tpu.memref_slice %arg4[%add3A_1168, %dma_start3A_1176] : memref<204800x32xf32, #tpu.memory_space<hbm>> -> memref<1280x32xf32, #tpu.memory_space<hbm>>
    %dma_start3A_1178 = arith.constant 0 : i32
    %dma_start3A_1179 = arith.constant 0 : i32
    %dma_start3A_1180 = tpu.memref_slice %arg6[%dma_start3A_1169, %dma_start3A_1178, %dma_start3A_1179] : memref<2x1280x32xf32, #tpu.memory_space<vmem>> -> memref<1x1280x32xf32, #tpu.memory_space<vmem>>
    %dma_start3A_1181 = tpu.memref_squeeze %dma_start3A_1180 : memref<1x1280x32xf32, #tpu.memory_space<vmem>> -> memref<1280x32xf32, #tpu.memory_space<vmem>>
    tpu.enqueue_dma source(%dma_start3A_1181 : memref<1280x32xf32, #tpu.memory_space<vmem>>) target(%dma_start3A_1177 : memref<1280x32xf32, #tpu.memory_space<hbm>>) target_semaphore(%arg10 : memref<!tpu.dma_semaphore, #tpu.memory_space<semaphore_mem>>)
    %dma_wait3A_1182 = arith.constant 40 : i32
    %dma_wait3A_1183 = arith.constant 0 : i32
    %dma_wait3A_1184 = arith.constant 0 : i32
    %dma_wait3A_1185 = arith.constant 0 : i32
    %dma_wait3A_1186 = tpu.memref_slice %arg6[%dma_wait3A_1183, %dma_wait3A_1184, %dma_wait3A_1185] : memref<2x1280x32xf32, #tpu.memory_space<vmem>> -> memref<1x128x32xf32, #tpu.memory_space<vmem>>
    %dma_wait3A_1187 = tpu.memref_squeeze %dma_wait3A_1186 : memref<1x128x32xf32, #tpu.memory_space<vmem>> -> memref<128x32xf32, #tpu.memory_space<vmem>>
    %dma_wait3A_1188 = arith.constant 0 : i32
    %dma_wait3A_1189 = tpu.memref_slice %arg5[%dma_wait3A_1182, %dma_wait3A_1188] : memref<50x128xi32, #tpu.memory_space<vmem>> -> memref<1x128xi32, #tpu.memory_space<vmem>>
    %dma_wait3A_1190 = tpu.memref_squeeze %dma_wait3A_1189 : memref<1x128xi32, #tpu.memory_space<vmem>> -> memref<128xi32, #tpu.memory_space<vmem>>
    %dma_wait3A_1191 = arith.constant 0 : i32
    %dma_wait3A_1192 = arith.constant 0 : i32
    %dma_wait3A_1193 = tpu.memref_slice %arg3[%dma_wait3A_1191, %dma_wait3A_1192] : memref<1000000x32xf32, #tpu.memory_space<hbm>> -> memref<1000000x32xf32, #tpu.memory_space<hbm>>
    tpu.wait_indirect_dma semaphore(%arg7 : memref<!tpu.dma_semaphore, #tpu.memory_space<semaphore_mem>>) src(%dma_wait3A_1193 : memref<1000000x32xf32, #tpu.memory_space<hbm>>) dst(%dma_wait3A_1187 : memref<128x32xf32, #tpu.memory_space<vmem>>)
    %dma_wait3A_1194 = arith.constant 41 : i32
    %dma_wait3A_1195 = arith.constant 0 : i32
    %dma_wait3A_1196 = arith.constant 128 : i32
    %dma_wait3A_1197 = arith.constant 0 : i32
    %dma_wait3A_1198 = tpu.memref_slice %arg6[%dma_wait3A_1195, %dma_wait3A_1196, %dma_wait3A_1197] : memref<2x1280x32xf32, #tpu.memory_space<vmem>> -> memref<1x128x32xf32, #tpu.memory_space<vmem>>
    %dma_wait3A_1199 = tpu.memref_squeeze %dma_wait3A_1198 : memref<1x128x32xf32, #tpu.memory_space<vmem>> -> memref<128x32xf32, #tpu.memory_space<vmem>>
    %dma_wait3A_1200 = arith.constant 0 : i32
    %dma_wait3A_1201 = tpu.memref_slice %arg5[%dma_wait3A_1194, %dma_wait3A_1200] : memref<50x128xi32, #tpu.memory_space<vmem>> -> memref<1x128xi32, #tpu.memory_space<vmem>>
    %dma_wait3A_1202 = tpu.memref_squeeze %dma_wait3A_1201 : memref<1x128xi32, #tpu.memory_space<vmem>> -> memref<128xi32, #tpu.memory_space<vmem>>
    %dma_wait3A_1203 = arith.constant 0 : i32
    %dma_wait3A_1204 = arith.constant 0 : i32
    %dma_wait3A_1205 = tpu.memref_slice %arg3[%dma_wait3A_1203, %dma_wait3A_1204] : memref<1000000x32xf32, #tpu.memory_space<hbm>> -> memref<1000000x32xf32, #tpu.memory_space<hbm>>
    tpu.wait_indirect_dma semaphore(%arg7 : memref<!tpu.dma_semaphore, #tpu.memory_space<semaphore_mem>>) src(%dma_wait3A_1205 : memref<1000000x32xf32, #tpu.memory_space<hbm>>) dst(%dma_wait3A_1199 : memref<128x32xf32, #tpu.memory_space<vmem>>)
    %dma_wait3A_1206 = arith.constant 42 : i32
    %dma_wait3A_1207 = arith.constant 0 : i32
    %dma_wait3A_1208 = arith.constant 256 : i32
    %dma_wait3A_1209 = arith.constant 0 : i32
    %dma_wait3A_1210 = tpu.memref_slice %arg6[%dma_wait3A_1207, %dma_wait3A_1208, %dma_wait3A_1209] : memref<2x1280x32xf32, #tpu.memory_space<vmem>> -> memref<1x128x32xf32, #tpu.memory_space<vmem>>
    %dma_wait3A_1211 = tpu.memref_squeeze %dma_wait3A_1210 : memref<1x128x32xf32, #tpu.memory_space<vmem>> -> memref<128x32xf32, #tpu.memory_space<vmem>>
    %dma_wait3A_1212 = arith.constant 0 : i32
    %dma_wait3A_1213 = tpu.memref_slice %arg5[%dma_wait3A_1206, %dma_wait3A_1212] : memref<50x128xi32, #tpu.memory_space<vmem>> -> memref<1x128xi32, #tpu.memory_space<vmem>>
    %dma_wait3A_1214 = tpu.memref_squeeze %dma_wait3A_1213 : memref<1x128xi32, #tpu.memory_space<vmem>> -> memref<128xi32, #tpu.memory_space<vmem>>
    %dma_wait3A_1215 = arith.constant 0 : i32
    %dma_wait3A_1216 = arith.constant 0 : i32
    %dma_wait3A_1217 = tpu.memref_slice %arg3[%dma_wait3A_1215, %dma_wait3A_1216] : memref<1000000x32xf32, #tpu.memory_space<hbm>> -> memref<1000000x32xf32, #tpu.memory_space<hbm>>
    tpu.wait_indirect_dma semaphore(%arg7 : memref<!tpu.dma_semaphore, #tpu.memory_space<semaphore_mem>>) src(%dma_wait3A_1217 : memref<1000000x32xf32, #tpu.memory_space<hbm>>) dst(%dma_wait3A_1211 : memref<128x32xf32, #tpu.memory_space<vmem>>)
    %dma_wait3A_1218 = arith.constant 43 : i32
    %dma_wait3A_1219 = arith.constant 0 : i32
    %dma_wait3A_1220 = arith.constant 384 : i32
    %dma_wait3A_1221 = arith.constant 0 : i32
    %dma_wait3A_1222 = tpu.memref_slice %arg6[%dma_wait3A_1219, %dma_wait3A_1220, %dma_wait3A_1221] : memref<2x1280x32xf32, #tpu.memory_space<vmem>> -> memref<1x128x32xf32, #tpu.memory_space<vmem>>
    %dma_wait3A_1223 = tpu.memref_squeeze %dma_wait3A_1222 : memref<1x128x32xf32, #tpu.memory_space<vmem>> -> memref<128x32xf32, #tpu.memory_space<vmem>>
    %dma_wait3A_1224 = arith.constant 0 : i32
    %dma_wait3A_1225 = tpu.memref_slice %arg5[%dma_wait3A_1218, %dma_wait3A_1224] : memref<50x128xi32, #tpu.memory_space<vmem>> -> memref<1x128xi32, #tpu.memory_space<vmem>>
    %dma_wait3A_1226 = tpu.memref_squeeze %dma_wait3A_1225 : memref<1x128xi32, #tpu.memory_space<vmem>> -> memref<128xi32, #tpu.memory_space<vmem>>
    %dma_wait3A_1227 = arith.constant 0 : i32
    %dma_wait3A_1228 = arith.constant 0 : i32
    %dma_wait3A_1229 = tpu.memref_slice %arg3[%dma_wait3A_1227, %dma_wait3A_1228] : memref<1000000x32xf32, #tpu.memory_space<hbm>> -> memref<1000000x32xf32, #tpu.memory_space<hbm>>
    tpu.wait_indirect_dma semaphore(%arg7 : memref<!tpu.dma_semaphore, #tpu.memory_space<semaphore_mem>>) src(%dma_wait3A_1229 : memref<1000000x32xf32, #tpu.memory_space<hbm>>) dst(%dma_wait3A_1223 : memref<128x32xf32, #tpu.memory_space<vmem>>)
    %dma_wait3A_1230 = arith.constant 44 : i32
    %dma_wait3A_1231 = arith.constant 0 : i32
    %dma_wait3A_1232 = arith.constant 512 : i32
    %dma_wait3A_1233 = arith.constant 0 : i32
    %dma_wait3A_1234 = tpu.memref_slice %arg6[%dma_wait3A_1231, %dma_wait3A_1232, %dma_wait3A_1233] : memref<2x1280x32xf32, #tpu.memory_space<vmem>> -> memref<1x128x32xf32, #tpu.memory_space<vmem>>
    %dma_wait3A_1235 = tpu.memref_squeeze %dma_wait3A_1234 : memref<1x128x32xf32, #tpu.memory_space<vmem>> -> memref<128x32xf32, #tpu.memory_space<vmem>>
    %dma_wait3A_1236 = arith.constant 0 : i32
    %dma_wait3A_1237 = tpu.memref_slice %arg5[%dma_wait3A_1230, %dma_wait3A_1236] : memref<50x128xi32, #tpu.memory_space<vmem>> -> memref<1x128xi32, #tpu.memory_space<vmem>>
    %dma_wait3A_1238 = tpu.memref_squeeze %dma_wait3A_1237 : memref<1x128xi32, #tpu.memory_space<vmem>> -> memref<128xi32, #tpu.memory_space<vmem>>
    %dma_wait3A_1239 = arith.constant 0 : i32
    %dma_wait3A_1240 = arith.constant 0 : i32
    %dma_wait3A_1241 = tpu.memref_slice %arg3[%dma_wait3A_1239, %dma_wait3A_1240] : memref<1000000x32xf32, #tpu.memory_space<hbm>> -> memref<1000000x32xf32, #tpu.memory_space<hbm>>
    tpu.wait_indirect_dma semaphore(%arg7 : memref<!tpu.dma_semaphore, #tpu.memory_space<semaphore_mem>>) src(%dma_wait3A_1241 : memref<1000000x32xf32, #tpu.memory_space<hbm>>) dst(%dma_wait3A_1235 : memref<128x32xf32, #tpu.memory_space<vmem>>)
    %dma_wait3A_1242 = arith.constant 45 : i32
    %dma_wait3A_1243 = arith.constant 0 : i32
    %dma_wait3A_1244 = arith.constant 640 : i32
    %dma_wait3A_1245 = arith.constant 0 : i32
    %dma_wait3A_1246 = tpu.memref_slice %arg6[%dma_wait3A_1243, %dma_wait3A_1244, %dma_wait3A_1245] : memref<2x1280x32xf32, #tpu.memory_space<vmem>> -> memref<1x128x32xf32, #tpu.memory_space<vmem>>
    %dma_wait3A_1247 = tpu.memref_squeeze %dma_wait3A_1246 : memref<1x128x32xf32, #tpu.memory_space<vmem>> -> memref<128x32xf32, #tpu.memory_space<vmem>>
    %dma_wait3A_1248 = arith.constant 0 : i32
    %dma_wait3A_1249 = tpu.memref_slice %arg5[%dma_wait3A_1242, %dma_wait3A_1248] : memref<50x128xi32, #tpu.memory_space<vmem>> -> memref<1x128xi32, #tpu.memory_space<vmem>>
    %dma_wait3A_1250 = tpu.memref_squeeze %dma_wait3A_1249 : memref<1x128xi32, #tpu.memory_space<vmem>> -> memref<128xi32, #tpu.memory_space<vmem>>
    %dma_wait3A_1251 = arith.constant 0 : i32
    %dma_wait3A_1252 = arith.constant 0 : i32
    %dma_wait3A_1253 = tpu.memref_slice %arg3[%dma_wait3A_1251, %dma_wait3A_1252] : memref<1000000x32xf32, #tpu.memory_space<hbm>> -> memref<1000000x32xf32, #tpu.memory_space<hbm>>
    tpu.wait_indirect_dma semaphore(%arg7 : memref<!tpu.dma_semaphore, #tpu.memory_space<semaphore_mem>>) src(%dma_wait3A_1253 : memref<1000000x32xf32, #tpu.memory_space<hbm>>) dst(%dma_wait3A_1247 : memref<128x32xf32, #tpu.memory_space<vmem>>)
    %dma_wait3A_1254 = arith.constant 46 : i32
    %dma_wait3A_1255 = arith.constant 0 : i32
    %dma_wait3A_1256 = arith.constant 768 : i32
    %dma_wait3A_1257 = arith.constant 0 : i32
    %dma_wait3A_1258 = tpu.memref_slice %arg6[%dma_wait3A_1255, %dma_wait3A_1256, %dma_wait3A_1257] : memref<2x1280x32xf32, #tpu.memory_space<vmem>> -> memref<1x128x32xf32, #tpu.memory_space<vmem>>
    %dma_wait3A_1259 = tpu.memref_squeeze %dma_wait3A_1258 : memref<1x128x32xf32, #tpu.memory_space<vmem>> -> memref<128x32xf32, #tpu.memory_space<vmem>>
    %dma_wait3A_1260 = arith.constant 0 : i32
    %dma_wait3A_1261 = tpu.memref_slice %arg5[%dma_wait3A_1254, %dma_wait3A_1260] : memref<50x128xi32, #tpu.memory_space<vmem>> -> memref<1x128xi32, #tpu.memory_space<vmem>>
    %dma_wait3A_1262 = tpu.memref_squeeze %dma_wait3A_1261 : memref<1x128xi32, #tpu.memory_space<vmem>> -> memref<128xi32, #tpu.memory_space<vmem>>
    %dma_wait3A_1263 = arith.constant 0 : i32
    %dma_wait3A_1264 = arith.constant 0 : i32
    %dma_wait3A_1265 = tpu.memref_slice %arg3[%dma_wait3A_1263, %dma_wait3A_1264] : memref<1000000x32xf32, #tpu.memory_space<hbm>> -> memref<1000000x32xf32, #tpu.memory_space<hbm>>
    tpu.wait_indirect_dma semaphore(%arg7 : memref<!tpu.dma_semaphore, #tpu.memory_space<semaphore_mem>>) src(%dma_wait3A_1265 : memref<1000000x32xf32, #tpu.memory_space<hbm>>) dst(%dma_wait3A_1259 : memref<128x32xf32, #tpu.memory_space<vmem>>)
    %dma_wait3A_1266 = arith.constant 47 : i32
    %dma_wait3A_1267 = arith.constant 0 : i32
    %dma_wait3A_1268 = arith.constant 896 : i32
    %dma_wait3A_1269 = arith.constant 0 : i32
    %dma_wait3A_1270 = tpu.memref_slice %arg6[%dma_wait3A_1267, %dma_wait3A_1268, %dma_wait3A_1269] : memref<2x1280x32xf32, #tpu.memory_space<vmem>> -> memref<1x128x32xf32, #tpu.memory_space<vmem>>
    %dma_wait3A_1271 = tpu.memref_squeeze %dma_wait3A_1270 : memref<1x128x32xf32, #tpu.memory_space<vmem>> -> memref<128x32xf32, #tpu.memory_space<vmem>>
    %dma_wait3A_1272 = arith.constant 0 : i32
    %dma_wait3A_1273 = tpu.memref_slice %arg5[%dma_wait3A_1266, %dma_wait3A_1272] : memref<50x128xi32, #tpu.memory_space<vmem>> -> memref<1x128xi32, #tpu.memory_space<vmem>>
    %dma_wait3A_1274 = tpu.memref_squeeze %dma_wait3A_1273 : memref<1x128xi32, #tpu.memory_space<vmem>> -> memref<128xi32, #tpu.memory_space<vmem>>
    %dma_wait3A_1275 = arith.constant 0 : i32
    %dma_wait3A_1276 = arith.constant 0 : i32
    %dma_wait3A_1277 = tpu.memref_slice %arg3[%dma_wait3A_1275, %dma_wait3A_1276] : memref<1000000x32xf32, #tpu.memory_space<hbm>> -> memref<1000000x32xf32, #tpu.memory_space<hbm>>
    tpu.wait_indirect_dma semaphore(%arg7 : memref<!tpu.dma_semaphore, #tpu.memory_space<semaphore_mem>>) src(%dma_wait3A_1277 : memref<1000000x32xf32, #tpu.memory_space<hbm>>) dst(%dma_wait3A_1271 : memref<128x32xf32, #tpu.memory_space<vmem>>)
    %dma_wait3A_1278 = arith.constant 48 : i32
    %dma_wait3A_1279 = arith.constant 0 : i32
    %dma_wait3A_1280 = arith.constant 1024 : i32
    %dma_wait3A_1281 = arith.constant 0 : i32
    %dma_wait3A_1282 = tpu.memref_slice %arg6[%dma_wait3A_1279, %dma_wait3A_1280, %dma_wait3A_1281] : memref<2x1280x32xf32, #tpu.memory_space<vmem>> -> memref<1x128x32xf32, #tpu.memory_space<vmem>>
    %dma_wait3A_1283 = tpu.memref_squeeze %dma_wait3A_1282 : memref<1x128x32xf32, #tpu.memory_space<vmem>> -> memref<128x32xf32, #tpu.memory_space<vmem>>
    %dma_wait3A_1284 = arith.constant 0 : i32
    %dma_wait3A_1285 = tpu.memref_slice %arg5[%dma_wait3A_1278, %dma_wait3A_1284] : memref<50x128xi32, #tpu.memory_space<vmem>> -> memref<1x128xi32, #tpu.memory_space<vmem>>
    %dma_wait3A_1286 = tpu.memref_squeeze %dma_wait3A_1285 : memref<1x128xi32, #tpu.memory_space<vmem>> -> memref<128xi32, #tpu.memory_space<vmem>>
    %dma_wait3A_1287 = arith.constant 0 : i32
    %dma_wait3A_1288 = arith.constant 0 : i32
    %dma_wait3A_1289 = tpu.memref_slice %arg3[%dma_wait3A_1287, %dma_wait3A_1288] : memref<1000000x32xf32, #tpu.memory_space<hbm>> -> memref<1000000x32xf32, #tpu.memory_space<hbm>>
    tpu.wait_indirect_dma semaphore(%arg7 : memref<!tpu.dma_semaphore, #tpu.memory_space<semaphore_mem>>) src(%dma_wait3A_1289 : memref<1000000x32xf32, #tpu.memory_space<hbm>>) dst(%dma_wait3A_1283 : memref<128x32xf32, #tpu.memory_space<vmem>>)
    %dma_wait3A_1290 = arith.constant 49 : i32
    %dma_wait3A_1291 = arith.constant 0 : i32
    %dma_wait3A_1292 = arith.constant 1152 : i32
    %dma_wait3A_1293 = arith.constant 0 : i32
    %dma_wait3A_1294 = tpu.memref_slice %arg6[%dma_wait3A_1291, %dma_wait3A_1292, %dma_wait3A_1293] : memref<2x1280x32xf32, #tpu.memory_space<vmem>> -> memref<1x128x32xf32, #tpu.memory_space<vmem>>
    %dma_wait3A_1295 = tpu.memref_squeeze %dma_wait3A_1294 : memref<1x128x32xf32, #tpu.memory_space<vmem>> -> memref<128x32xf32, #tpu.memory_space<vmem>>
    %dma_wait3A_1296 = arith.constant 0 : i32
    %dma_wait3A_1297 = tpu.memref_slice %arg5[%dma_wait3A_1290, %dma_wait3A_1296] : memref<50x128xi32, #tpu.memory_space<vmem>> -> memref<1x128xi32, #tpu.memory_space<vmem>>
    %dma_wait3A_1298 = tpu.memref_squeeze %dma_wait3A_1297 : memref<1x128xi32, #tpu.memory_space<vmem>> -> memref<128xi32, #tpu.memory_space<vmem>>
    %dma_wait3A_1299 = arith.constant 0 : i32
    %dma_wait3A_1300 = arith.constant 0 : i32
    %dma_wait3A_1301 = tpu.memref_slice %arg3[%dma_wait3A_1299, %dma_wait3A_1300] : memref<1000000x32xf32, #tpu.memory_space<hbm>> -> memref<1000000x32xf32, #tpu.memory_space<hbm>>
    tpu.wait_indirect_dma semaphore(%arg7 : memref<!tpu.dma_semaphore, #tpu.memory_space<semaphore_mem>>) src(%dma_wait3A_1301 : memref<1000000x32xf32, #tpu.memory_space<hbm>>) dst(%dma_wait3A_1295 : memref<128x32xf32, #tpu.memory_space<vmem>>)
    %add3A_1302 = arith.constant 5120 : i32
    %add3A_1303 = arith.addi %mul3A_4, %add3A_1302 : i32
    %dma_start3A_1304 = arith.constant 0 : i32
    %dma_start3A_1305 = arith.constant 0 : i32
    %dma_start3A_1306 = arith.constant 0 : i32
    %dma_start3A_1307 = tpu.memref_slice %arg6[%dma_start3A_1304, %dma_start3A_1305, %dma_start3A_1306] : memref<2x1280x32xf32, #tpu.memory_space<vmem>> -> memref<1x1280x32xf32, #tpu.memory_space<vmem>>
    %dma_start3A_1308 = tpu.memref_squeeze %dma_start3A_1307 : memref<1x1280x32xf32, #tpu.memory_space<vmem>> -> memref<1280x32xf32, #tpu.memory_space<vmem>>
    %dma_start3A_1309 = arith.constant 0 : i32
    %dma_start3A_1310 = tpu.memref_slice %arg4[%add3A_1303, %dma_start3A_1309] : memref<204800x32xf32, #tpu.memory_space<hbm>> -> memref<1280x32xf32, #tpu.memory_space<hbm>>
    %dma_start3A_1311 = arith.constant 0 : i32
    %dma_start3A_1312 = tpu.memref_slice %arg4[%add3A_1303, %dma_start3A_1311] : memref<204800x32xf32, #tpu.memory_space<hbm>> -> memref<1280x32xf32, #tpu.memory_space<hbm>>
    %dma_start3A_1313 = arith.constant 0 : i32
    %dma_start3A_1314 = arith.constant 0 : i32
    %dma_start3A_1315 = tpu.memref_slice %arg6[%dma_start3A_1304, %dma_start3A_1313, %dma_start3A_1314] : memref<2x1280x32xf32, #tpu.memory_space<vmem>> -> memref<1x1280x32xf32, #tpu.memory_space<vmem>>
    %dma_start3A_1316 = tpu.memref_squeeze %dma_start3A_1315 : memref<1x1280x32xf32, #tpu.memory_space<vmem>> -> memref<1280x32xf32, #tpu.memory_space<vmem>>
    tpu.enqueue_dma source(%dma_start3A_1316 : memref<1280x32xf32, #tpu.memory_space<vmem>>) target(%dma_start3A_1312 : memref<1280x32xf32, #tpu.memory_space<hbm>>) target_semaphore(%arg9 : memref<!tpu.dma_semaphore, #tpu.memory_space<semaphore_mem>>)
    %dma_wait3A_1317 = arith.constant 1 : i32
    %dma_wait3A_1318 = arith.constant 0 : i32
    %dma_wait3A_1319 = arith.constant 0 : i32
    %dma_wait3A_1320 = tpu.memref_slice %arg6[%dma_wait3A_1317, %dma_wait3A_1318, %dma_wait3A_1319] : memref<2x1280x32xf32, #tpu.memory_space<vmem>> -> memref<1x1280x32xf32, #tpu.memory_space<vmem>>
    %dma_wait3A_1321 = tpu.memref_squeeze %dma_wait3A_1320 : memref<1x1280x32xf32, #tpu.memory_space<vmem>> -> memref<1280x32xf32, #tpu.memory_space<vmem>>
    %dma_wait3A_1322 = arith.constant 0 : i32
    %dma_wait3A_1323 = tpu.memref_slice %arg4[%add3A_1168, %dma_wait3A_1322] : memref<204800x32xf32, #tpu.memory_space<hbm>> -> memref<1280x32xf32, #tpu.memory_space<hbm>>
    %dma_wait3A_1324 = arith.constant 0 : i32
    %dma_wait3A_1325 = tpu.memref_slice %arg4[%add3A_1168, %dma_wait3A_1324] : memref<204800x32xf32, #tpu.memory_space<hbm>> -> memref<1280x32xf32, #tpu.memory_space<hbm>>
    %dma_wait3A_1326 = arith.constant 0 : i32
    %dma_wait3A_1327 = arith.constant 0 : i32
    %dma_wait3A_1328 = tpu.memref_slice %arg6[%dma_wait3A_1317, %dma_wait3A_1326, %dma_wait3A_1327] : memref<2x1280x32xf32, #tpu.memory_space<vmem>> -> memref<1x1280x32xf32, #tpu.memory_space<vmem>>
    %dma_wait3A_1329 = tpu.memref_squeeze %dma_wait3A_1328 : memref<1x1280x32xf32, #tpu.memory_space<vmem>> -> memref<1280x32xf32, #tpu.memory_space<vmem>>
    tpu.wait_dma2 semaphore(%arg10 : memref<!tpu.dma_semaphore, #tpu.memory_space<semaphore_mem>>) src(%dma_wait3A_1329 : memref<1280x32xf32, #tpu.memory_space<vmem>>) dst(%dma_wait3A_1325 : memref<1280x32xf32, #tpu.memory_space<hbm>>)
    %dma_wait3A_1330 = arith.constant 0 : i32
    %dma_wait3A_1331 = arith.constant 0 : i32
    %dma_wait3A_1332 = arith.constant 0 : i32
    %dma_wait3A_1333 = tpu.memref_slice %arg6[%dma_wait3A_1330, %dma_wait3A_1331, %dma_wait3A_1332] : memref<2x1280x32xf32, #tpu.memory_space<vmem>> -> memref<1x1280x32xf32, #tpu.memory_space<vmem>>
    %dma_wait3A_1334 = tpu.memref_squeeze %dma_wait3A_1333 : memref<1x1280x32xf32, #tpu.memory_space<vmem>> -> memref<1280x32xf32, #tpu.memory_space<vmem>>
    %dma_wait3A_1335 = arith.constant 0 : i32
    %dma_wait3A_1336 = tpu.memref_slice %arg4[%add3A_1303, %dma_wait3A_1335] : memref<204800x32xf32, #tpu.memory_space<hbm>> -> memref<1280x32xf32, #tpu.memory_space<hbm>>
    %dma_wait3A_1337 = arith.constant 0 : i32
    %dma_wait3A_1338 = tpu.memref_slice %arg4[%add3A_1303, %dma_wait3A_1337] : memref<204800x32xf32, #tpu.memory_space<hbm>> -> memref<1280x32xf32, #tpu.memory_space<hbm>>
    %dma_wait3A_1339 = arith.constant 0 : i32
    %dma_wait3A_1340 = arith.constant 0 : i32
    %dma_wait3A_1341 = tpu.memref_slice %arg6[%dma_wait3A_1330, %dma_wait3A_1339, %dma_wait3A_1340] : memref<2x1280x32xf32, #tpu.memory_space<vmem>> -> memref<1x1280x32xf32, #tpu.memory_space<vmem>>
    %dma_wait3A_1342 = tpu.memref_squeeze %dma_wait3A_1341 : memref<1x1280x32xf32, #tpu.memory_space<vmem>> -> memref<1280x32xf32, #tpu.memory_space<vmem>>
    tpu.wait_dma2 semaphore(%arg9 : memref<!tpu.dma_semaphore, #tpu.memory_space<semaphore_mem>>) src(%dma_wait3A_1342 : memref<1280x32xf32, #tpu.memory_space<vmem>>) dst(%dma_wait3A_1338 : memref<1280x32xf32, #tpu.memory_space<hbm>>)
    return
  }
}

</mosaic_0001>

<sc_bundles>
// kernel: kernel.3.cloned.1.call-start
scs
__scs_entry_jumppad:
0x0: {  	(pc) =	sbr.rel $0x88, $3  }
0x1: {  	(tag) =	ssettag $0x0;
	lr =	simm.s32 $0x1  }
0x2: {  	[smem:$0x3F9F] =	sst lr;
	_ =	strace $0xD0000000  }
0x3: {  	_ = 	snop  }
0x4: {  	_ = 	snop  }
0x5: {  	_ = 	snop  }
0x6: {  	_ = 	snop  }
0x7: {  	_ = 	snop  }
__scs_overlays_trampoline_lowered:
0x8: {  	[smem:$0x3FAE] =	sst s0  }
0x9: {  	[smem:$0x3FAF] =	sst s1  }
0xa: {  	[smem:$0x3FB0] =	sst s2  }
0xb: {  	[smem:$0x3FB1] =	sst s3  }
0xc: {  	[smem:$0x3FB2] =	sst s4  }
0xd: {  	[smem:$0x3FB3] =	sst s5  }
0xe: {  	[smem:$0x3FB4] =	sst s6  }
0xf: {  	[smem:$0x3FB5] =	sst s7  }
0x10: {  	[smem:$0x3FB6] =	sst s8  }
0x11: {  	[smem:$0x3FB7] =	sst s9;
	s0 =	simm.s32 @!p0 $0x0  }
0x12: {  	s1 =	sld [smem:$0x3F9D];
	s0 =	simm.s32 @p0 $0x1  }
0x13: {  	[smem:$0x3FB8] =	sst s0;
	s0 =	simm.s32 @!p1 $0x0  }
0x14: {  	s2 =	sld [smem:$0x3F9C];
	s0 =	simm.s32 @p1 $0x1  }
0x15: {  	[smem:$0x3FB9] =	sst s0;
	s0 =	simm.s32 @!p2 $0x0  }
0x16: {  	s3 =	sld [smem:$0x3FDB];
	s0 =	simm.s32 @p2 $0x1  }
0x17: {  	s4 =	simm.s32 $0x1BF5;
	[smem:$0x3FBB] =	sst s0  }
0x18: {  	s0 =	sld [smem:$0x3F9E];
	_ =	swait.ge [sflag:s4], $0x0  }
0x19: {  	s7 =	sld [smem:$0x3F9F]  }
0x1a: {  	s8 =	sadd.s32 $0xFFFFE003, lr  }
0x1b: {  	s9 =	sadd.s32 $0xFFFFFEF7, lr;
	s5 =	simm.s32 $0xFFFFFFFF;
	p2 =	slt.u32 s8, $0xFFFFF086  }
0x1c: {  	p1 =	slt.u32 s9, $0xF7A;
	s5 =	simm.s32 @!p2 $0x0  }
0x1d: {  	s5 =	simm.s32 @p1 $0x1;
	p0 =	seq.s32 s7, s2  }
0x1e: {  	s7 =	smul.u32 @!p0 $0xF7A, s2;
	p2 =	seq.s32 @!p0 s5, $0x0  }
0x1f: {  	s9 =	smul.u32 $0xF7A, s1;
	s8 =	simm.s32 @!p0 $0x1BF5;
	p2 =	por !p2, p0  }
0x20: {  	[sflag:s8] =	ssyncset.s32 @!p0 $0xFFFFF086;
	s6 =	sadd.s32 @!p0 s3, s7;
	s7 =	simm.s32 @!p0 $0x108  }
0x21: {  	s3 =	sadd.s32 s3, s9;
	s6 =	sadd.s32 @!p0 $0x88, s6;
	s7 =	simm.s32 @p2 $0x1082  }
0x22: {  	[simem:s7], [sflag:s8] =	dma.local @!p0 [hbm:s6], $0xF7A  }
0x23: {  	s9 =	sor.u32 $0xD0000000, s2;
	s6 =	simm.s32 $0x108;
	_ =	swait.ge @!p0 [sflag:s8], $0x0  }
0x24: {  	s3 =	sadd.s32 $0x88, s3;
	s6 =	simm.s32 @!p1 $0x1082;
	[sflag:s4] =	ssyncset.s32 $0xFFFFF086  }
0x25: {  	[simem:s6], [sflag:s4] =	dma.local [hbm:s3], $0xF7A  }
0x26: {  	[smem:$0x3F9F] =	sst s1;
	(tag) =	ssettag s2;
	_ =	strace s9  }
0x27: {  	s1 =	sld [smem:$0x3FAF]  }
0x28: {  	s2 =	sld [smem:$0x3FB0]  }
0x29: {  	s4 =	sld [smem:$0x3FB2]  }
0x2a: {  	p0 =	seq.s32 s5, $0x0;
	s5 =	sld [smem:$0x3FB3]  }
0x2b: {  	s6 =	sld [smem:$0x3FB4]  }
0x2c: {  	s7 =	sld [smem:$0x3FB5]  }
0x2d: {  	s3 =	simm.s32 $0x108;
	s8 =	sld [smem:$0x3FB6]  }
0x2e: {  	s3 =	simm.s32 @!p0 $0x1082;
	s9 =	sld [smem:$0x3FB7]  }
0x2f: {  	lr =	sadd.s32 s0, s3;
	s0 =	sld [smem:$0x3FAE]  }
0x30: {  	s3 =	sld [smem:$0x3FB1]  }
0x31: {  	[smem:$0x3FBA] =	sst s10  }
0x32: {  	s10 =	sld [smem:$0x3FB8];
	_ =	sdelay $0x3  }
0x33: {  	p0 =	seq.s32 s10, $0x1;
	s10 =	sld [smem:$0x3FBA];
	_ =	sdelay $0x3  }
0x34: {  	[smem:$0x3FBA] =	sst s10  }
0x35: {  	s10 =	sld [smem:$0x3FB9];
	_ =	sdelay $0x3  }
0x36: {  	p1 =	seq.s32 s10, $0x1;
	s10 =	sld [smem:$0x3FBA];
	_ =	sdelay $0x3  }
0x37: {  	[smem:$0x3FBA] =	sst s10  }
0x38: {  	s10 =	sld [smem:$0x3FBB]  }
0x39: {  	_ = 	snop;
	(pc) =	sbr.ind lr, $3  }
0x3a: {  	_ = 	snop  }
0x3b: {  	_ = 	snop  }
0x3c: {  	p2 =	seq.s32 s10, $0x1;
	s10 =	sld [smem:$0x3FBA]  }
0x3d: {  	_ =	shalt  }
0x3e: {  	_ =	shalt  }
0x3f: {  	_ =	shalt  }
0x40: {  	_ =	shalt  }
0x41: {  	_ =	shalt  }
0x42: {  	_ =	shalt  }
0x43: {  	_ =	shalt  }
0x44: {  	_ =	shalt  }
0x45: {  	_ =	shalt  }
0x46: {  	_ =	shalt  }
0x47: {  	_ =	shalt  }
0x48: {  	_ =	shalt  }
0x49: {  	_ =	shalt  }
0x4a: {  	_ =	shalt  }
0x4b: {  	_ =	shalt  }
0x4c: {  	_ =	shalt  }
0x4d: {  	_ =	shalt  }
0x4e: {  	_ =	shalt  }
0x4f: {  	_ =	shalt  }
0x50: {  	_ =	shalt  }
0x51: {  	_ =	shalt  }
0x52: {  	_ =	shalt  }
0x53: {  	_ =	shalt  }
0x54: {  	_ =	shalt  }
0x55: {  	_ =	shalt  }
0x56: {  	_ =	shalt  }
0x57: {  	_ =	shalt  }
0x58: {  	_ =	shalt  }
0x59: {  	_ =	shalt  }
0x5a: {  	_ =	shalt  }
0x5b: {  	_ =	shalt  }
0x5c: {  	_ =	shalt  }
0x5d: {  	_ =	shalt  }
0x5e: {  	_ =	shalt  }
0x5f: {  	_ =	shalt  }
0x60: {  	_ =	shalt  }
0x61: {  	_ =	shalt  }
0x62: {  	_ =	shalt  }
0x63: {  	_ =	shalt  }
0x64: {  	_ =	shalt  }
0x65: {  	_ =	shalt  }
0x66: {  	_ =	shalt  }
0x67: {  	_ =	shalt  }
0x68: {  	_ =	shalt  }
0x69: {  	_ =	shalt  }
0x6a: {  	_ =	shalt  }
0x6b: {  	_ =	shalt  }
0x6c: {  	_ =	shalt  }
0x6d: {  	_ =	shalt  }
0x6e: {  	_ =	shalt  }
0x6f: {  	_ =	shalt  }
0x70: {  	_ =	shalt  }
0x71: {  	_ =	shalt  }
0x72: {  	_ =	shalt  }
0x73: {  	_ =	shalt  }
0x74: {  	_ =	shalt  }
0x75: {  	_ =	shalt  }
0x76: {  	_ =	shalt  }
0x77: {  	_ =	shalt  }
0x78: {  	_ =	shalt  }
0x79: {  	_ =	shalt  }
0x7a: {  	_ =	shalt  }
0x7b: {  	_ =	shalt  }
0x7c: {  	_ =	shalt  }
0x7d: {  	_ =	shalt  }
0x7e: {  	_ =	shalt  }
0x7f: {  	_ =	shalt  }
0x80: {  	_ =	shalt  }
0x81: {  	_ =	shalt  }
0x82: {  	_ =	shalt  }
0x83: {  	_ =	shalt  }
0x84: {  	_ =	shalt  }
0x85: {  	_ =	shalt  }
0x86: {  	_ =	shalt  }
0x87: {  	_ =	shalt  }
.Lfunc_end0:
.L_simem_size_0:
called_computation_lowered:
.L_overlay_start_0:
0x88: {  	s2 =	sld [smem:$0x3FD9]  }
0x89: {  	s3 =	sld [smem:$0x3FFE];
	_ =	sdelay $0x1  }
0x8a: {  	s1 =	srdreg.scid  }
0x8b: {  	s0 =	sand.u32 $0x1, s1  }
0x8c: {  	s17 =	sshll.u32 s0, $0xA;
	s2 =	sadd.s32 s3, s2  }
0x8d: {  	s2 =	sadd.s32 s2, s17  }
0x8e: {  	[smem:$0x3FC6] =	sst s2  }
0x8f: {  	_ = 	snop  }
0x90: {  	s2 =	sld [smem:$0x3FD0];
	(tm) =	ssettm $0x1  }
0x91: {  	s18 =	sld [smem:$0x3FFB];
	_ =	sdelay $0x3  }
0x92: {  	_ =	strace s18  }
0x93: {  	s3 =	sld [smem:$0x3FFC];
	_ =	sdelay $0x3  }
0x94: {  	_ =	strace s3  }
0x95: {  	s3 =	sld [smem:$0x3FFD];
	_ =	sdelay $0x3  }
0x96: {  	_ =	strace s3  }
0x97: {  	_ =	strace $0x8FFFFFFF  }
0x98: {  	s19 =	sld [smem:$0x3FDB];
	_ =	sdelay $0x1  }
0x99: {  	s4 =	simm.s32 $_scs_section_size  }
0x9a: {  	s5 =	simm.s32 $_size__tile_overlayer_lowered;
	s6 =	simm.s32 $_tile_overlayer_lowered  }
0x9b: {  	s22 =	simm.s32 $0x1BFF;
	s21 =	sshll.u32 s6, $0x1;
	s3 =	sadd.s32 s4, s19  }
0x9c: {  	s7 =	simm.s32 $0x0;
	s20 =	sshll.u32 s5, $0x1;
	s5 =	sadd.s32 s21, s3  }
0x9d: {  	[timem:s7], [sflag:s22] =	dma.local [hbm:s5], s20  }
0x9e: {  	_ =	swait.ge [sflag:s22], s20  }
0x9f: {  	s4 =	ssub.s32 $0x0, s20;
	[sflag:s22] =	ssyncset.done $0x0  }
0xa0: {  	[sflag:s22] =	ssyncadd.s32 s4;
	_ =	sdelay $0x1  }
0xa1: {  	s23 =	simm.s32 $0x1B8B  }
0xa2: {  	_ =	swait.ge [sflag:s23], $0x1  }
0xa3: {  	[sflag:s23] =	ssyncset.done $0x0  }
0xa4: {  	s25 =	simm.s32 $0x1B8E;
	s24 =	sld [smem:$0x3FFE];
	[sflag:s23] =	ssyncadd.s32 $0xFFFFFFFF  }
0xa5: {  	s26 =	simm.s32 $execute0_lowered;
	[smem:$0x3FD2] =	sst s25  }
0xa6: {  	s5 =	sshll.u32 s26, $0x1;
	_ =	strace $0x80000046;
	[dreg:$0x1] =	wrdreg $0xFFFFFFFF  }
0xa7: {  	s28 =	simm.s32 $_size_execute0_lowered;
	s3 =	sadd.s32 s3, s5;
	[dreg:$0x0] =	wrdreg $0x0  }
0xa8: {  	s5 =	sshll.u32 s28, $0x1;
	[dreg:$0x2] =	wrdreg s3  }
0xa9: {  	[dreg:$0x3] =	wrdreg s5  }
0xaa: {  	[dreg:$0x4] =	wrdreg $0xC0  }
0xab: {  	_ =	task [dreg:s7], $0x5FFFF  }
0xac: {  	[dreg:$0x1] =	wrdreg $0xFFFFFFFF  }
0xad: {  	[dreg:$0x0] =	wrdreg $0x60  }
0xae: {  	[dreg:$0x2] =	wrdreg s24  }
0xaf: {  	[dreg:$0x3] =	wrdreg s2  }
0xb0: {  	[dreg:$0x4] =	wrdreg $0x9  }
0xb1: {  	_ =	task.clear_ibuf [dreg:s7], $0x5FFFF;
	_ =	strace $0x90000046  }
0xb2: {  	s29 =	simm.s32 $0x9;
	_ =	strace $0x80000048  }
0xb3: {  	_ =	swait.ge [sflag:s29], $0x1  }
0xb4: {  	[sflag:s29] =	ssyncadd.s32 $0xFFFFFFFF  }
0xb5: {  	_ =	strace $0x90000048  }
0xb6: {  	_ =	sfence  }
0xb7: {  	s30 =	sld [smem:$0x0];
	_ =	sdelay $0x2  }
0xb8: {  	s31 =	sshll.u32 s1, $0xD;
	s1 =	sshrl.u32 s1, $0x2  }
0xb9: {  	s3 =	sand.u32 $0x4000, s31;
	s1 =	sadd.s32 s1, s30  }
0xba: {  	s0 =	sor.u32 s3, s0;
	s1 =	sshll.u32 s1, $0x11  }
0xbb: {  	s0 =	sor.u32 s1, s0  }
0xbc: {  	s0 =	sadd.s32 $0x8F2B, s0  }
0xbd: {  	[sflag:s0] =	ssyncadd.remote.s32 $0x1  }
0xbe: {  	_ =	sfence.sel $0xFFFF  }
0xbf: {  	[dreg:$0x0] =	wrdreg $0xFFFFFFFF;
	(pc) =	sbr.abs _section_cstart, $3  }
0xc0: {  	[dreg:$0x1] =	wrdreg $0xFFFFFFFF  }
0xc1: {  	_ =	task.clear_ibuf [dreg:s7], $0x2FFFF;
	_ =	strace $0x9FFFFFFF  }
0xc2: {  	(tm) =	ssettm $0x7FFFFFFF  }
0xc3: {  	_ =	shalt  }
tec
execute0_lowered:
.L_overlay_start_1:
0x0: {  	(tag) =	ssettag $0x1  }
0x1: {  	s3 =	rddreg [dreg:$0x0]  }
0x2: {  	s4 =	rddreg [dreg:$0x1];
	s2 =	simm.s32 $0x0  }
0x3: {  	s7 =	simm.s32 $0x280;
	[smem:$0x7FF] =	sst s2  }
0x4: {  	s8 =	simm.s32 $0x300;
	_ =	strace $0x80000047;
	[dreg:$0xc] =	wrdreg s7  }
0x5: {  	s9 =	simm.s32 $0x380;
	[dreg:$0xd] =	wrdreg s8  }
0x6: {  	s10 =	simm.s32 $0x400;
	[dreg:$0xe] =	wrdreg s9  }
0x7: {  	s11 =	simm.s32 $0x480;
	[dreg:$0xf] =	wrdreg s10  }
0x8: {  	s12 =	simm.s32 $0x500;
	[dreg:$0x10] =	wrdreg s11  }
0x9: {  	s13 =	simm.s32 $0x580;
	[dreg:$0x11] =	wrdreg s12  }
0xa: {  	s14 =	simm.s32 $0x600;
	[dreg:$0x12] =	wrdreg s13  }
0xb: {  	s15 =	simm.s32 $0x680;
	[dreg:$0x13] =	wrdreg s14  }
0xc: {  	s16 =	simm.s32 $0x700;
	[dreg:$0x14] =	wrdreg s15  }
0xd: {  	s0 =	srdreg.scid;
	s17 =	simm.s32 $0x780;
	[dreg:$0x15] =	wrdreg s16  }
0xe: {  	s20 =	stileid.u32;
	s18 =	simm.s32 $0x800;
	[dreg:$0x16] =	wrdreg s17  }
0xf: {  	s19 =	simm.s32 $0x880;
	s21 =	simm.s32 $0x900;
	[dreg:$0x17] =	wrdreg s18  }
0x10: {  	s1 =	sand.u32 $0x1, s0;
	s22 =	sshll.u32 s20, $0x1;
	[dreg:$0x18] =	wrdreg s19  }
0x11: {  	s0 =	sor.u32 s1, s22;
	[dreg:$0x19] =	wrdreg s21;
	s22 =	simm.s32 $0x980  }
0x12: {  	s7 =	simm.s32 $0xD00;
	[dreg:$0x1a] =	wrdreg s22  }
0x13: {  	s8 =	simm.s32 $0xD80;
	[smem:$0x7E7] =	sst s7  }
0x14: {  	s9 =	simm.s32 $0xE00;
	[smem:$0x7E8] =	sst s8  }
0x15: {  	s10 =	simm.s32 $0xE80;
	[smem:$0x7E9] =	sst s9  }
0x16: {  	s31 =	simm.s32 $0x5;
	s11 =	simm.s32 $0xF00;
	[smem:$0x7EA] =	sst s10  }
0x17: {  	s28 =	simm.s32 $0x12900;
	s12 =	simm.s32 $0xF80;
	[smem:$0x7EB] =	sst s11  }
0x18: {  	s29 =	simm.s32 $0x13900;
	s13 =	simm.s32 $0x1000;
	[smem:$0x7EC] =	sst s12  }
0x19: {  	p0 =	por $0x0, $0x0;
	s14 =	simm.s32 $0x1080;
	[smem:$0x7ED] =	sst s13  }
0x1a: {  	s30 =	simm.s32 $0x14900;
	s15 =	simm.s32 $0x1100;
	[smem:$0x7EE] =	sst s14  }
0x1b: {  	s1 =	ssub.s32 $0x2, s1;
	s16 =	simm.s32 $0x1180;
	[smem:$0x7EF] =	sst s15  }
0x1c: {  	s17 =	simm.s32 $0x1200;
	s18 =	simm.s32 $0x1280;
	[smem:$0x7F0] =	sst s16  }
0x1d: {  	s19 =	simm.s32 $0x1300;
	s5 =	smul.u32 $0x320, s0;
	[smem:$0x7F1] =	sst s17  }
0x1e: {  	s21 =	simm.s32 $0x1380;
	s6 =	smul.u32 $0x32000, s0;
	[smem:$0x7F2] =	sst s18  }
0x1f: {  	s0 =	smul.u32 $0x6400, s0;
	s7 =	simm.s32 $0x80;
	[smem:$0x7F3] =	sst s19  }
0x20: {  	s10 =	simm.s32 $0x2900;
	[smem:$0x7F4] =	sst s21;
	s22 =	simm.s32 $0x1400  }
0x21: {  	s11 =	simm.s32 $0x3900;
	s8 =	simm.s32 $0x1780;
	[smem:$0x7F5] =	sst s22  }
0x22: {  	s12 =	simm.s32 $0x4900;
	s19 =	simm.s32 $0x1800;
	[smem:$0x7FC] =	sst s8  }
0x23: {  	[smem:$0x7FD] =	sst s19;
	s5 =	sadd.s32 s5, s3;
	s0 =	sadd.s32 s4, s0  }
0x24: {  	s6 =	sshrl.u32 s6, $0x3;
	s5 =	sadd.s32 $0x600, s5;
	[dreg:$0x4] =	wrdreg s0  }
0x25: {  	s4 =	sadd.s32 s4, s6;
	s6 =	simm.s32 $0x200;
	[dreg:$0x3] =	wrdreg s5  }
0x26: {  	s13 =	simm.s32 $0x5900;
	s23 =	sadd.s32 $0x1400, s4;
	[dreg:$0xb] =	wrdreg s6  }
0x27: {  	s14 =	simm.s32 $0x6900;
	s24 =	sadd.s32 $0x2800, s4;
	[dreg:$0x5] =	wrdreg s23  }
0x28: {  	s15 =	simm.s32 $0x7900;
	s25 =	sadd.s32 $0x3C00, s4;
	[dreg:$0x6] =	wrdreg s24  }
0x29: {  	s16 =	simm.s32 $0x8900;
	s26 =	sadd.s32 $0x5000, s4;
	[dreg:$0x7] =	wrdreg s25  }
0x2a: {  	s17 =	simm.s32 $0x9900;
	s4 =	simm.s32 $0x100;
	[dreg:$0x8] =	wrdreg s26  }
0x2b: {  	s18 =	simm.s32 $0xA900;
	s5 =	simm.s32 $0x180;
	[dreg:$0x9] =	wrdreg s4  }
0x2c: {  	s9 =	simm.s32 $0xB900;
	s21 =	simm.s32 $0xC900;
	[dreg:$0xa] =	wrdreg s5  }
0x2d: {  	s22 =	simm.s32 $0xD900;
	s23 =	simm.s32 $0xA00;
	s0 =	rddreg [dreg:$0x3]  }
0x2e: {  	s8 =	simm.s32 $0x1;
	s24 =	simm.s32 $0xA80;
	[dreg:$0x1b] =	wrdreg s23  }
0x2f: {  	s19 =	simm.s32 $0x2;
	s25 =	simm.s32 $0xB00;
	[dreg:$0x1c] =	wrdreg s24  }
0x30: {  	s6 =	sshrl.u32 s1, $0x1;
	s26 =	simm.s32 $0xB80;
	[dreg:$0x1d] =	wrdreg s25  }
0x31: {  	s4 =	sadd.s32 $0xF42A00, s3;
	s3 =	simm.s32 $0xC00;
	[dreg:$0x1e] =	wrdreg s26  }
0x32: {  	s5 =	simm.s32 $0xC80;
	s1 =	ssub.s32 s1, s6;
	[dreg:$0x1f] =	wrdreg s3  }
0x33: {  	s6 =	simm.s32 $0x1700;
	[smem:$0x7E6] =	sst s5;
	s1 =	smax.u32 s1, $0x1  }
0x34: {  	s3 =	simm.s32 $0x1900;
	s23 =	simm.s32 $0x1480;
	[smem:$0x7FB] =	sst s6  }
0x35: {  	s24 =	simm.s32 $0x1500;
	[smem:$0x7F6] =	sst s23;
	p1 =	sne.s32 s1, $0x1  }
.Ltmp0:
0x36: {  	s25 =	simm.s32 $0x1580;
	[smem:$0x7F7] =	sst s24;
	(pc) =	sbr.rel @!p1 .LBB2_5-.Ltmp0, $4  }
0x37: {  	s26 =	simm.s32 $0x1600;
	s5 =	simm.s32 $0x1680;
	[smem:$0x7F8] =	sst s25  }
0x38: {  	s6 =	simm.s32 $0x4;
	s23 =	simm.s32 $0xE900;
	[smem:$0x7F9] =	sst s26  }
0x39: {  	s24 =	simm.s32 $0xF900;
	s25 =	simm.s32 $0x10900;
	[smem:$0x7FA] =	sst s5  }
0x3a: {  	s26 =	simm.s32 $0x11900;
	s1 =	sadd.s32 $0xFFFFFFFF, s1;
	s5 =	simm.s32 $0x3  }
0x3b: {  	[tilespmem:s2], [sflag:$0x5] =	stream.linear.gather [hbm4b:s0+s2], $0x1900, $0x38;
	[tilespmem:$0x15900] =	vst v63  }
0x3c: {  	_ =	swait.ge [sflag:s31], $0x1900  }
0x3d: {  	[sflag:s31] =	ssyncset.done $0x0  }
0x3e: {  	[sflag:s31] =	ssyncadd.s32 $0xFFFFE700  }
0x3f: {  	[tilespmem:s3], [sflag:$0x1] =	stream.indirect.gather [hbm4b:s4+s7], $0x20, s2, s7, $0xb8;
	[tilespmem:$0x15900] =	vst v63  }
0x40: {  	_ = 	snop  }
0x41: {  	[tilespmem:s10], [sflag:$0x1] =	stream.indirect.gather [hbm4b:s4+s7], $0x20, s7, s7, $0xb8;
	[tilespmem:$0x15900] =	vst v63  }
0x42: {  	s0 =	rddreg [dreg:$0x9]  }
0x43: {  	[tilespmem:s11], [sflag:$0x1] =	stream.indirect.gather [hbm4b:s4+s7], $0x20, s0, s7, $0xb8;
	[tilespmem:$0x15900] =	vst v63  }
0x44: {  	s20 =	smov.u32 s1;
	s1 =	rddreg [dreg:$0xa]  }
0x45: {  	[tilespmem:s12], [sflag:$0x1] =	stream.indirect.gather [hbm4b:s4+s7], $0x20, s1, s7, $0xb8;
	[tilespmem:$0x15900] =	vst v63  }
0x46: {  	s0 =	rddreg [dreg:$0xb]  }
0x47: {  	[tilespmem:s13], [sflag:$0x1] =	stream.indirect.gather [hbm4b:s4+s7], $0x20, s0, s7, $0xb8;
	[tilespmem:$0x15900] =	vst v63  }
0x48: {  	s1 =	rddreg [dreg:$0xc]  }
0x49: {  	[tilespmem:s14], [sflag:$0x1] =	stream.indirect.gather [hbm4b:s4+s7], $0x20, s1, s7, $0xb8;
	[tilespmem:$0x15900] =	vst v63  }
0x4a: {  	s0 =	rddreg [dreg:$0xd]  }
0x4b: {  	[tilespmem:s15], [sflag:$0x1] =	stream.indirect.gather [hbm4b:s4+s7], $0x20, s0, s7, $0xb8;
	[tilespmem:$0x15900] =	vst v63  }
0x4c: {  	s1 =	rddreg [dreg:$0xe]  }
0x4d: {  	[tilespmem:s16], [sflag:$0x1] =	stream.indirect.gather [hbm4b:s4+s7], $0x20, s1, s7, $0xb8;
	[tilespmem:$0x15900] =	vst v63  }
0x4e: {  	s0 =	rddreg [dreg:$0xf]  }
0x4f: {  	[tilespmem:s17], [sflag:$0x1] =	stream.indirect.gather [hbm4b:s4+s7], $0x20, s0, s7, $0xb8;
	[tilespmem:$0x15900] =	vst v63  }
0x50: {  	s1 =	rddreg [dreg:$0x10]  }
0x51: {  	[tilespmem:s18], [sflag:$0x1] =	stream.indirect.gather [hbm4b:s4+s7], $0x20, s1, s7, $0xb8;
	[tilespmem:$0x15900] =	vst v63  }
0x52: {  	s0 =	rddreg [dreg:$0x11]  }
0x53: {  	[tilespmem:s9], [sflag:$0x2] =	stream.indirect.gather [hbm4b:s4+s7], $0x20, s0, s7, $0xb8;
	[tilespmem:$0x15900] =	vst v63  }
0x54: {  	s1 =	rddreg [dreg:$0x12]  }
0x55: {  	[tilespmem:s21], [sflag:$0x2] =	stream.indirect.gather [hbm4b:s4+s7], $0x20, s1, s7, $0xb8;
	[tilespmem:$0x15900] =	vst v63  }
0x56: {  	s0 =	rddreg [dreg:$0x13]  }
0x57: {  	[tilespmem:s22], [sflag:$0x2] =	stream.indirect.gather [hbm4b:s4+s7], $0x20, s0, s7, $0xb8;
	[tilespmem:$0x15900] =	vst v63  }
0x58: {  	s1 =	rddreg [dreg:$0x14]  }
0x59: {  	[tilespmem:s23], [sflag:$0x2] =	stream.indirect.gather [hbm4b:s4+s7], $0x20, s1, s7, $0xb8;
	[tilespmem:$0x15900] =	vst v63  }
0x5a: {  	s0 =	rddreg [dreg:$0x15]  }
0x5b: {  	[tilespmem:s24], [sflag:$0x2] =	stream.indirect.gather [hbm4b:s4+s7], $0x20, s0, s7, $0xb8;
	[tilespmem:$0x15900] =	vst v63  }
0x5c: {  	s1 =	rddreg [dreg:$0x16]  }
0x5d: {  	[tilespmem:s25], [sflag:$0x2] =	stream.indirect.gather [hbm4b:s4+s7], $0x20, s1, s7, $0xb8;
	[tilespmem:$0x15900] =	vst v63  }
0x5e: {  	s0 =	rddreg [dreg:$0x17]  }
0x5f: {  	[tilespmem:s26], [sflag:$0x2] =	stream.indirect.gather [hbm4b:s4+s7], $0x20, s0, s7, $0xb8;
	[tilespmem:$0x15900] =	vst v63  }
0x60: {  	s1 =	rddreg [dreg:$0x18]  }
0x61: {  	[tilespmem:s28], [sflag:$0x2] =	stream.indirect.gather [hbm4b:s4+s7], $0x20, s1, s7, $0xb8;
	[tilespmem:$0x15900] =	vst v63  }
0x62: {  	s0 =	rddreg [dreg:$0x19]  }
0x63: {  	[tilespmem:s29], [sflag:$0x2] =	stream.indirect.gather [hbm4b:s4+s7], $0x20, s0, s7, $0xb8;
	[tilespmem:$0x15900] =	vst v63  }
0x64: {  	s1 =	rddreg [dreg:$0x1a]  }
0x65: {  	[tilespmem:s30], [sflag:$0x2] =	stream.indirect.gather [hbm4b:s4+s7], $0x20, s1, s7, $0xb8;
	[tilespmem:$0x15900] =	vst v63  }
0x66: {  	_ =	swait.ge [sflag:s8], $0x1000  }
0x67: {  	[sflag:s8] =	ssyncset.done $0x0  }
0x68: {  	[sflag:s8] =	ssyncadd.s32 $0xFFFFF000  }
0x69: {  	_ =	swait.ge [sflag:s8], $0x1000  }
0x6a: {  	[sflag:s8] =	ssyncset.done $0x0  }
0x6b: {  	[sflag:s8] =	ssyncadd.s32 $0xFFFFF000  }
0x6c: {  	_ =	swait.ge [sflag:s8], $0x1000  }
0x6d: {  	[sflag:s8] =	ssyncset.done $0x0  }
0x6e: {  	[sflag:s8] =	ssyncadd.s32 $0xFFFFF000  }
0x6f: {  	_ =	swait.ge [sflag:s8], $0x1000  }
0x70: {  	[sflag:s8] =	ssyncset.done $0x0  }
0x71: {  	[sflag:s8] =	ssyncadd.s32 $0xFFFFF000  }
0x72: {  	_ =	swait.ge [sflag:s8], $0x1000  }
0x73: {  	[sflag:s8] =	ssyncset.done $0x0  }
0x74: {  	[sflag:s8] =	ssyncadd.s32 $0xFFFFF000  }
0x75: {  	_ =	swait.ge [sflag:s8], $0x1000  }
0x76: {  	[sflag:s8] =	ssyncset.done $0x0  }
0x77: {  	[sflag:s8] =	ssyncadd.s32 $0xFFFFF000  }
0x78: {  	_ =	swait.ge [sflag:s8], $0x1000  }
0x79: {  	[sflag:s8] =	ssyncset.done $0x0  }
0x7a: {  	[sflag:s8] =	ssyncadd.s32 $0xFFFFF000  }
0x7b: {  	_ =	swait.ge [sflag:s8], $0x1000  }
0x7c: {  	[sflag:s8] =	ssyncset.done $0x0  }
0x7d: {  	[sflag:s8] =	ssyncadd.s32 $0xFFFFF000  }
0x7e: {  	_ =	swait.ge [sflag:s8], $0x1000  }
0x7f: {  	[sflag:s8] =	ssyncset.done $0x0  }
0x80: {  	[sflag:s8] =	ssyncadd.s32 $0xFFFFF000  }
0x81: {  	_ =	swait.ge [sflag:s8], $0x1000  }
0x82: {  	[sflag:s8] =	ssyncset.done $0x0  }
0x83: {  	s1 =	rddreg [dreg:$0x4];
	[sflag:s8] =	ssyncadd.s32 $0xFFFFF000  }
0x84: {  	[hbm4b:s1+s2] =	stream.linear.scatter [tilespmem:s3], [sflag:$0x3], $0xA000, $0x38;
	[tilespmem:$0x15900] =	vst v63  }
0x85: {  	_ =	swait.ge [sflag:s5], $0xA000  }
0x86: {  	s0 =	rddreg [dreg:$0x1b];
	[sflag:s5] =	ssyncset.done $0x0  }
0x87: {  	s1 =	rddreg [dreg:$0x1c];
	[sflag:s5] =	ssyncadd.s32 $0xFFFF6000  }
0x88: {  	[tilespmem:s3], [sflag:$0x1] =	stream.indirect.gather [hbm4b:s4+s7], $0x20, s0, s7, $0xb8;
	[tilespmem:$0x15900] =	vst v63  }
0x89: {  	s0 =	rddreg [dreg:$0x1d]  }
0x8a: {  	[tilespmem:s10], [sflag:$0x1] =	stream.indirect.gather [hbm4b:s4+s7], $0x20, s1, s7, $0xb8;
	[tilespmem:$0x15900] =	vst v63  }
0x8b: {  	s1 =	rddreg [dreg:$0x1e]  }
0x8c: {  	[tilespmem:s11], [sflag:$0x1] =	stream.indirect.gather [hbm4b:s4+s7], $0x20, s0, s7, $0xb8;
	[tilespmem:$0x15900] =	vst v63  }
0x8d: {  	s0 =	rddreg [dreg:$0x1f]  }
0x8e: {  	[tilespmem:s12], [sflag:$0x1] =	stream.indirect.gather [hbm4b:s4+s7], $0x20, s1, s7, $0xb8;
	[tilespmem:$0x15900] =	vst v63  }
0x8f: {  	s1 =	sld [smem:$0x7E6]  }
0x90: {  	[tilespmem:s13], [sflag:$0x1] =	stream.indirect.gather [hbm4b:s4+s7], $0x20, s0, s7, $0xb8;
	[tilespmem:$0x15900] =	vst v63  }
0x91: {  	s0 =	sld [smem:$0x7E7]  }
0x92: {  	[tilespmem:s14], [sflag:$0x1] =	stream.indirect.gather [hbm4b:s4+s7], $0x20, s1, s7, $0xb8;
	[tilespmem:$0x15900] =	vst v63  }
0x93: {  	s1 =	sld [smem:$0x7E8]  }
0x94: {  	[tilespmem:s15], [sflag:$0x1] =	stream.indirect.gather [hbm4b:s4+s7], $0x20, s0, s7, $0xb8;
	[tilespmem:$0x15900] =	vst v63  }
0x95: {  	s0 =	sld [smem:$0x7E9]  }
0x96: {  	[tilespmem:s16], [sflag:$0x1] =	stream.indirect.gather [hbm4b:s4+s7], $0x20, s1, s7, $0xb8;
	[tilespmem:$0x15900] =	vst v63  }
0x97: {  	s1 =	sld [smem:$0x7EA]  }
0x98: {  	[tilespmem:s17], [sflag:$0x1] =	stream.indirect.gather [hbm4b:s4+s7], $0x20, s0, s7, $0xb8;
	[tilespmem:$0x15900] =	vst v63  }
0x99: {  	_ = 	snop  }
0x9a: {  	[tilespmem:s18], [sflag:$0x1] =	stream.indirect.gather [hbm4b:s4+s7], $0x20, s1, s7, $0xb8;
	[tilespmem:$0x15900] =	vst v63  }
0x9b: {  	_ =	swait.ge [sflag:s19], $0x1000  }
0x9c: {  	[sflag:s19] =	ssyncset.done $0x0  }
0x9d: {  	[sflag:s19] =	ssyncadd.s32 $0xFFFFF000  }
0x9e: {  	_ =	swait.ge [sflag:s19], $0x1000  }
0x9f: {  	[sflag:s19] =	ssyncset.done $0x0  }
0xa0: {  	[sflag:s19] =	ssyncadd.s32 $0xFFFFF000  }
0xa1: {  	_ =	swait.ge [sflag:s19], $0x1000  }
0xa2: {  	[sflag:s19] =	ssyncset.done $0x0  }
0xa3: {  	[sflag:s19] =	ssyncadd.s32 $0xFFFFF000  }
0xa4: {  	_ =	swait.ge [sflag:s19], $0x1000  }
0xa5: {  	[sflag:s19] =	ssyncset.done $0x0  }
0xa6: {  	[sflag:s19] =	ssyncadd.s32 $0xFFFFF000  }
0xa7: {  	_ =	swait.ge [sflag:s19], $0x1000  }
0xa8: {  	[sflag:s19] =	ssyncset.done $0x0  }
0xa9: {  	[sflag:s19] =	ssyncadd.s32 $0xFFFFF000  }
0xaa: {  	_ =	swait.ge [sflag:s19], $0x1000  }
0xab: {  	[sflag:s19] =	ssyncset.done $0x0  }
0xac: {  	[sflag:s19] =	ssyncadd.s32 $0xFFFFF000  }
0xad: {  	_ =	swait.ge [sflag:s19], $0x1000  }
0xae: {  	[sflag:s19] =	ssyncset.done $0x0  }
0xaf: {  	[sflag:s19] =	ssyncadd.s32 $0xFFFFF000  }
0xb0: {  	_ =	swait.ge [sflag:s19], $0x1000  }
0xb1: {  	[sflag:s19] =	ssyncset.done $0x0  }
0xb2: {  	[sflag:s19] =	ssyncadd.s32 $0xFFFFF000  }
0xb3: {  	_ =	swait.ge [sflag:s19], $0x1000  }
0xb4: {  	[sflag:s19] =	ssyncset.done $0x0  }
0xb5: {  	[sflag:s19] =	ssyncadd.s32 $0xFFFFF000  }
0xb6: {  	_ =	swait.ge [sflag:s19], $0x1000  }
0xb7: {  	[sflag:s19] =	ssyncset.done $0x0  }
0xb8: {  	s1 =	rddreg [dreg:$0x5];
	[sflag:s19] =	ssyncadd.s32 $0xFFFFF000  }
0xb9: {  	[hbm4b:s1+s2] =	stream.linear.scatter [tilespmem:s9], [sflag:$0x4], $0xA000, $0x38;
	[tilespmem:$0x15900] =	vst v63  }
0xba: {  	_ =	swait.ge [sflag:s6], $0xA000  }
0xbb: {  	s0 =	sld [smem:$0x7EB]  }
0xbc: {  	[sflag:s6] =	ssyncset.done $0x0  }
0xbd: {  	s1 =	sld [smem:$0x7EC];
	[sflag:s6] =	ssyncadd.s32 $0xFFFF6000  }
0xbe: {  	[tilespmem:s9], [sflag:$0x2] =	stream.indirect.gather [hbm4b:s4+s7], $0x20, s0, s7, $0xb8;
	[tilespmem:$0x15900] =	vst v63  }
0xbf: {  	s0 =	sld [smem:$0x7ED]  }
0xc0: {  	[tilespmem:s21], [sflag:$0x2] =	stream.indirect.gather [hbm4b:s4+s7], $0x20, s1, s7, $0xb8;
	[tilespmem:$0x15900] =	vst v63  }
0xc1: {  	s1 =	sld [smem:$0x7EE]  }
0xc2: {  	[tilespmem:s22], [sflag:$0x2] =	stream.indirect.gather [hbm4b:s4+s7], $0x20, s0, s7, $0xb8;
	[tilespmem:$0x15900] =	vst v63  }
0xc3: {  	s0 =	sld [smem:$0x7EF]  }
0xc4: {  	[tilespmem:s23], [sflag:$0x2] =	stream.indirect.gather [hbm4b:s4+s7], $0x20, s1, s7, $0xb8;
	[tilespmem:$0x15900] =	vst v63  }
0xc5: {  	s1 =	sld [smem:$0x7F0]  }
0xc6: {  	[tilespmem:s24], [sflag:$0x2] =	stream.indirect.gather [hbm4b:s4+s7], $0x20, s0, s7, $0xb8;
	[tilespmem:$0x15900] =	vst v63  }
0xc7: {  	s0 =	sld [smem:$0x7F1]  }
0xc8: {  	[tilespmem:s25], [sflag:$0x2] =	stream.indirect.gather [hbm4b:s4+s7], $0x20, s1, s7, $0xb8;
	[tilespmem:$0x15900] =	vst v63  }
0xc9: {  	s1 =	sld [smem:$0x7F2]  }
0xca: {  	[tilespmem:s26], [sflag:$0x2] =	stream.indirect.gather [hbm4b:s4+s7], $0x20, s0, s7, $0xb8;
	[tilespmem:$0x15900] =	vst v63  }
0xcb: {  	s0 =	sld [smem:$0x7F3]  }
0xcc: {  	[tilespmem:s28], [sflag:$0x2] =	stream.indirect.gather [hbm4b:s4+s7], $0x20, s1, s7, $0xb8;
	[tilespmem:$0x15900] =	vst v63  }
0xcd: {  	s1 =	sld [smem:$0x7F4]  }
0xce: {  	[tilespmem:s29], [sflag:$0x2] =	stream.indirect.gather [hbm4b:s4+s7], $0x20, s0, s7, $0xb8;
	[tilespmem:$0x15900] =	vst v63  }
0xcf: {  	_ = 	snop  }
0xd0: {  	[tilespmem:s30], [sflag:$0x2] =	stream.indirect.gather [hbm4b:s4+s7], $0x20, s1, s7, $0xb8;
	[tilespmem:$0x15900] =	vst v63  }
0xd1: {  	_ =	swait.ge [sflag:s8], $0x1000  }
0xd2: {  	[sflag:s8] =	ssyncset.done $0x0  }
0xd3: {  	[sflag:s8] =	ssyncadd.s32 $0xFFFFF000  }
0xd4: {  	_ =	swait.ge [sflag:s8], $0x1000  }
0xd5: {  	[sflag:s8] =	ssyncset.done $0x0  }
0xd6: {  	[sflag:s8] =	ssyncadd.s32 $0xFFFFF000  }
0xd7: {  	_ =	swait.ge [sflag:s8], $0x1000  }
0xd8: {  	[sflag:s8] =	ssyncset.done $0x0  }
0xd9: {  	[sflag:s8] =	ssyncadd.s32 $0xFFFFF000  }
0xda: {  	_ =	swait.ge [sflag:s8], $0x1000  }
0xdb: {  	[sflag:s8] =	ssyncset.done $0x0  }
0xdc: {  	[sflag:s8] =	ssyncadd.s32 $0xFFFFF000  }
0xdd: {  	_ =	swait.ge [sflag:s8], $0x1000  }
0xde: {  	[sflag:s8] =	ssyncset.done $0x0  }
0xdf: {  	[sflag:s8] =	ssyncadd.s32 $0xFFFFF000  }
0xe0: {  	_ =	swait.ge [sflag:s8], $0x1000  }
0xe1: {  	[sflag:s8] =	ssyncset.done $0x0  }
0xe2: {  	[sflag:s8] =	ssyncadd.s32 $0xFFFFF000  }
0xe3: {  	_ =	swait.ge [sflag:s8], $0x1000  }
0xe4: {  	[sflag:s8] =	ssyncset.done $0x0  }
0xe5: {  	[sflag:s8] =	ssyncadd.s32 $0xFFFFF000  }
0xe6: {  	_ =	swait.ge [sflag:s8], $0x1000  }
0xe7: {  	[sflag:s8] =	ssyncset.done $0x0  }
0xe8: {  	[sflag:s8] =	ssyncadd.s32 $0xFFFFF000  }
0xe9: {  	_ =	swait.ge [sflag:s8], $0x1000  }
0xea: {  	[sflag:s8] =	ssyncset.done $0x0  }
0xeb: {  	[sflag:s8] =	ssyncadd.s32 $0xFFFFF000  }
0xec: {  	_ =	swait.ge [sflag:s8], $0x1000  }
0xed: {  	[sflag:s8] =	ssyncset.done $0x0  }
0xee: {  	s1 =	rddreg [dreg:$0x6];
	[sflag:s8] =	ssyncadd.s32 $0xFFFFF000  }
0xef: {  	[hbm4b:s1+s2] =	stream.linear.scatter [tilespmem:s3], [sflag:$0x3], $0xA000, $0x38;
	[tilespmem:$0x15900] =	vst v63  }
0xf0: {  	_ =	swait.ge [sflag:s5], $0xA000  }
0xf1: {  	s0 =	sld [smem:$0x7F5]  }
0xf2: {  	[sflag:s5] =	ssyncset.done $0x0  }
0xf3: {  	s1 =	sld [smem:$0x7F6];
	[sflag:s5] =	ssyncadd.s32 $0xFFFF6000  }
0xf4: {  	[tilespmem:s3], [sflag:$0x1] =	stream.indirect.gather [hbm4b:s4+s7], $0x20, s0, s7, $0xb8;
	[tilespmem:$0x15900] =	vst v63  }
0xf5: {  	s0 =	sld [smem:$0x7F7]  }
0xf6: {  	[tilespmem:s10], [sflag:$0x1] =	stream.indirect.gather [hbm4b:s4+s7], $0x20, s1, s7, $0xb8;
	[tilespmem:$0x15900] =	vst v63  }
0xf7: {  	s1 =	sld [smem:$0x7F8]  }
0xf8: {  	[tilespmem:s11], [sflag:$0x1] =	stream.indirect.gather [hbm4b:s4+s7], $0x20, s0, s7, $0xb8;
	[tilespmem:$0x15900] =	vst v63  }
0xf9: {  	s0 =	sld [smem:$0x7F9]  }
0xfa: {  	[tilespmem:s12], [sflag:$0x1] =	stream.indirect.gather [hbm4b:s4+s7], $0x20, s1, s7, $0xb8;
	[tilespmem:$0x15900] =	vst v63  }
0xfb: {  	s1 =	sld [smem:$0x7FA]  }
0xfc: {  	[tilespmem:s13], [sflag:$0x1] =	stream.indirect.gather [hbm4b:s4+s7], $0x20, s0, s7, $0xb8;
	[tilespmem:$0x15900] =	vst v63  }
0xfd: {  	s0 =	sld [smem:$0x7FB]  }
0xfe: {  	[tilespmem:s14], [sflag:$0x1] =	stream.indirect.gather [hbm4b:s4+s7], $0x20, s1, s7, $0xb8;
	[tilespmem:$0x15900] =	vst v63  }
0xff: {  	s1 =	sld [smem:$0x7FC]  }
0x100: {  	[tilespmem:s15], [sflag:$0x1] =	stream.indirect.gather [hbm4b:s4+s7], $0x20, s0, s7, $0xb8;
	[tilespmem:$0x15900] =	vst v63  }
0x101: {  	s0 =	sld [smem:$0x7FD]  }
0x102: {  	[tilespmem:s16], [sflag:$0x1] =	stream.indirect.gather [hbm4b:s4+s7], $0x20, s1, s7, $0xb8;
	[tilespmem:$0x15900] =	vst v63  }
0x103: {  	_ = 	snop  }
0x104: {  	[tilespmem:s17], [sflag:$0x1] =	stream.indirect.gather [hbm4b:s4+s7], $0x20, s0, s7, $0xb8;
	[tilespmem:$0x15900] =	vst v63  }
0x105: {  	s1 =	simm.s32 $0x1880  }
0x106: {  	[tilespmem:s18], [sflag:$0x1] =	stream.indirect.gather [hbm4b:s4+s7], $0x20, s1, s7, $0xb8;
	[tilespmem:$0x15900] =	vst v63  }
0x107: {  	_ =	swait.ge [sflag:s19], $0x1000  }
0x108: {  	[sflag:s19] =	ssyncset.done $0x0  }
0x109: {  	[sflag:s19] =	ssyncadd.s32 $0xFFFFF000  }
0x10a: {  	_ =	swait.ge [sflag:s19], $0x1000  }
0x10b: {  	[sflag:s19] =	ssyncset.done $0x0  }
0x10c: {  	[sflag:s19] =	ssyncadd.s32 $0xFFFFF000  }
0x10d: {  	_ =	swait.ge [sflag:s19], $0x1000  }
0x10e: {  	[sflag:s19] =	ssyncset.done $0x0  }
0x10f: {  	[sflag:s19] =	ssyncadd.s32 $0xFFFFF000  }
0x110: {  	_ =	swait.ge [sflag:s19], $0x1000  }
0x111: {  	[sflag:s19] =	ssyncset.done $0x0  }
0x112: {  	[sflag:s19] =	ssyncadd.s32 $0xFFFFF000  }
0x113: {  	_ =	swait.ge [sflag:s19], $0x1000  }
0x114: {  	[sflag:s19] =	ssyncset.done $0x0  }
0x115: {  	[sflag:s19] =	ssyncadd.s32 $0xFFFFF000  }
0x116: {  	_ =	swait.ge [sflag:s19], $0x1000  }
0x117: {  	[sflag:s19] =	ssyncset.done $0x0  }
0x118: {  	[sflag:s19] =	ssyncadd.s32 $0xFFFFF000  }
0x119: {  	_ =	swait.ge [sflag:s19], $0x1000  }
0x11a: {  	[sflag:s19] =	ssyncset.done $0x0  }
0x11b: {  	[sflag:s19] =	ssyncadd.s32 $0xFFFFF000  }
0x11c: {  	_ =	swait.ge [sflag:s19], $0x1000  }
0x11d: {  	[sflag:s19] =	ssyncset.done $0x0  }
0x11e: {  	[sflag:s19] =	ssyncadd.s32 $0xFFFFF000  }
0x11f: {  	_ =	swait.ge [sflag:s19], $0x1000  }
0x120: {  	[sflag:s19] =	ssyncset.done $0x0  }
0x121: {  	[sflag:s19] =	ssyncadd.s32 $0xFFFFF000  }
0x122: {  	_ =	swait.ge [sflag:s19], $0x1000  }
0x123: {  	[sflag:s19] =	ssyncset.done $0x0  }
0x124: {  	s1 =	rddreg [dreg:$0x7];
	[sflag:s19] =	ssyncadd.s32 $0xFFFFF000  }
0x125: {  	[hbm4b:s1+s2] =	stream.linear.scatter [tilespmem:s9], [sflag:$0x4], $0xA000, $0x38;
	[tilespmem:$0x15900] =	vst v63  }
0x126: {  	_ =	swait.ge [sflag:s8], $0x1000  }
0x127: {  	[sflag:s8] =	ssyncset.done $0x0  }
0x128: {  	[sflag:s8] =	ssyncadd.s32 $0xFFFFF000  }
0x129: {  	_ =	swait.ge [sflag:s8], $0x1000  }
0x12a: {  	[sflag:s8] =	ssyncset.done $0x0  }
0x12b: {  	[sflag:s8] =	ssyncadd.s32 $0xFFFFF000  }
0x12c: {  	_ =	swait.ge [sflag:s8], $0x1000  }
0x12d: {  	[sflag:s8] =	ssyncset.done $0x0  }
0x12e: {  	[sflag:s8] =	ssyncadd.s32 $0xFFFFF000  }
0x12f: {  	_ =	swait.ge [sflag:s8], $0x1000  }
0x130: {  	[sflag:s8] =	ssyncset.done $0x0  }
0x131: {  	[sflag:s8] =	ssyncadd.s32 $0xFFFFF000  }
0x132: {  	_ =	swait.ge [sflag:s8], $0x1000  }
0x133: {  	[sflag:s8] =	ssyncset.done $0x0  }
0x134: {  	[sflag:s8] =	ssyncadd.s32 $0xFFFFF000  }
0x135: {  	_ =	swait.ge [sflag:s8], $0x1000  }
0x136: {  	[sflag:s8] =	ssyncset.done $0x0  }
0x137: {  	[sflag:s8] =	ssyncadd.s32 $0xFFFFF000  }
0x138: {  	_ =	swait.ge [sflag:s8], $0x1000  }
0x139: {  	[sflag:s8] =	ssyncset.done $0x0  }
0x13a: {  	[sflag:s8] =	ssyncadd.s32 $0xFFFFF000  }
0x13b: {  	_ =	swait.ge [sflag:s8], $0x1000  }
0x13c: {  	[sflag:s8] =	ssyncset.done $0x0  }
0x13d: {  	[sflag:s8] =	ssyncadd.s32 $0xFFFFF000  }
0x13e: {  	_ =	swait.ge [sflag:s8], $0x1000  }
0x13f: {  	[sflag:s8] =	ssyncset.done $0x0  }
0x140: {  	[sflag:s8] =	ssyncadd.s32 $0xFFFFF000  }
0x141: {  	_ =	swait.ge [sflag:s8], $0x1000  }
0x142: {  	[sflag:s8] =	ssyncset.done $0x0  }
0x143: {  	p1 =	sne.s32 s20, $0x1;
	s1 =	rddreg [dreg:$0x8];
	[sflag:s8] =	ssyncadd.s32 $0xFFFFF000  }
0x144: {  	[hbm4b:s1+s2] =	stream.linear.scatter [tilespmem:s3], [sflag:$0x3], $0xA000, $0x38;
	[tilespmem:$0x15900] =	vst v63  }
.Ltmp1:
0x145: {  	_ =	swait.ge [sflag:s6], $0xA000;
	(pc) =	sbr.rel @!p1 .LBB2_2-.Ltmp1, $4  }
0x146: {  	[sflag:s6] =	ssyncset.done $0x0  }
0x147: {  	[sflag:s6] =	ssyncadd.s32 $0xFFFF6000  }
0x148: {  	p0 =	por $0x1, $0x1;
	_ =	swait.ge [sflag:s5], $0xA000  }
0x149: {  	s1 =	sadd.s32 $0xFFFFFFFF, s20;
	s0 =	rddreg [dreg:$0x3];
	[sflag:s5] =	ssyncset.done $0x0  }
.LBB2_3:
0x14a: {  	[sflag:s5] =	ssyncadd.s32 $0xFFFF6000  }
0x14b: {  	[tilespmem:s2], [sflag:$0x5] =	stream.linear.gather [hbm4b:s0+s2], $0x1900, $0x38;
	[tilespmem:$0x15900] =	vst v63  }
0x14c: {  	_ =	swait.ge [sflag:s31], $0x1900  }
0x14d: {  	[sflag:s31] =	ssyncset.done $0x0  }
0x14e: {  	[sflag:s31] =	ssyncadd.s32 $0xFFFFE700  }
0x14f: {  	[tilespmem:s3], [sflag:$0x1] =	stream.indirect.gather [hbm4b:s4+s7], $0x20, s2, s7, $0xb8;
	[tilespmem:$0x15900] =	vst v63  }
0x150: {  	_ = 	snop  }
0x151: {  	[tilespmem:s10], [sflag:$0x1] =	stream.indirect.gather [hbm4b:s4+s7], $0x20, s7, s7, $0xb8;
	[tilespmem:$0x15900] =	vst v63  }
0x152: {  	s0 =	rddreg [dreg:$0x9]  }
0x153: {  	[tilespmem:s11], [sflag:$0x1] =	stream.indirect.gather [hbm4b:s4+s7], $0x20, s0, s7, $0xb8;
	[tilespmem:$0x15900] =	vst v63  }
0x154: {  	s20 =	rddreg [dreg:$0xa]  }
0x155: {  	[tilespmem:s12], [sflag:$0x1] =	stream.indirect.gather [hbm4b:s4+s7], $0x20, s20, s7, $0xb8;
	[tilespmem:$0x15900] =	vst v63  }
0x156: {  	s0 =	rddreg [dreg:$0xb]  }
0x157: {  	[tilespmem:s13], [sflag:$0x1] =	stream.indirect.gather [hbm4b:s4+s7], $0x20, s0, s7, $0xb8;
	[tilespmem:$0x15900] =	vst v63  }
0x158: {  	s20 =	rddreg [dreg:$0xc]  }
0x159: {  	[tilespmem:s14], [sflag:$0x1] =	stream.indirect.gather [hbm4b:s4+s7], $0x20, s20, s7, $0xb8;
	[tilespmem:$0x15900] =	vst v63  }
0x15a: {  	s0 =	rddreg [dreg:$0xd]  }
0x15b: {  	[tilespmem:s15], [sflag:$0x1] =	stream.indirect.gather [hbm4b:s4+s7], $0x20, s0, s7, $0xb8;
	[tilespmem:$0x15900] =	vst v63  }
0x15c: {  	s20 =	rddreg [dreg:$0xe]  }
0x15d: {  	[tilespmem:s16], [sflag:$0x1] =	stream.indirect.gather [hbm4b:s4+s7], $0x20, s20, s7, $0xb8;
	[tilespmem:$0x15900] =	vst v63  }
0x15e: {  	s0 =	rddreg [dreg:$0xf]  }
0x15f: {  	[tilespmem:s17], [sflag:$0x1] =	stream.indirect.gather [hbm4b:s4+s7], $0x20, s0, s7, $0xb8;
	[tilespmem:$0x15900] =	vst v63  }
0x160: {  	s20 =	rddreg [dreg:$0x10]  }
0x161: {  	[tilespmem:s18], [sflag:$0x1] =	stream.indirect.gather [hbm4b:s4+s7], $0x20, s20, s7, $0xb8;
	[tilespmem:$0x15900] =	vst v63  }
0x162: {  	s0 =	rddreg [dreg:$0x11]  }
0x163: {  	[tilespmem:s9], [sflag:$0x2] =	stream.indirect.gather [hbm4b:s4+s7], $0x20, s0, s7, $0xb8;
	[tilespmem:$0x15900] =	vst v63  }
0x164: {  	s20 =	rddreg [dreg:$0x12]  }
0x165: {  	[tilespmem:s21], [sflag:$0x2] =	stream.indirect.gather [hbm4b:s4+s7], $0x20, s20, s7, $0xb8;
	[tilespmem:$0x15900] =	vst v63  }
0x166: {  	s0 =	rddreg [dreg:$0x13]  }
0x167: {  	[tilespmem:s22], [sflag:$0x2] =	stream.indirect.gather [hbm4b:s4+s7], $0x20, s0, s7, $0xb8;
	[tilespmem:$0x15900] =	vst v63  }
0x168: {  	s20 =	rddreg [dreg:$0x14]  }
0x169: {  	[tilespmem:s23], [sflag:$0x2] =	stream.indirect.gather [hbm4b:s4+s7], $0x20, s20, s7, $0xb8;
	[tilespmem:$0x15900] =	vst v63  }
0x16a: {  	s0 =	rddreg [dreg:$0x15]  }
0x16b: {  	[tilespmem:s24], [sflag:$0x2] =	stream.indirect.gather [hbm4b:s4+s7], $0x20, s0, s7, $0xb8;
	[tilespmem:$0x15900] =	vst v63  }
0x16c: {  	s20 =	rddreg [dreg:$0x16]  }
0x16d: {  	[tilespmem:s25], [sflag:$0x2] =	stream.indirect.gather [hbm4b:s4+s7], $0x20, s20, s7, $0xb8;
	[tilespmem:$0x15900] =	vst v63  }
0x16e: {  	s0 =	rddreg [dreg:$0x17]  }
0x16f: {  	[tilespmem:s26], [sflag:$0x2] =	stream.indirect.gather [hbm4b:s4+s7], $0x20, s0, s7, $0xb8;
	[tilespmem:$0x15900] =	vst v63  }
0x170: {  	s20 =	rddreg [dreg:$0x18]  }
0x171: {  	[tilespmem:s28], [sflag:$0x2] =	stream.indirect.gather [hbm4b:s4+s7], $0x20, s20, s7, $0xb8;
	[tilespmem:$0x15900] =	vst v63  }
0x172: {  	s0 =	rddreg [dreg:$0x19]  }
0x173: {  	[tilespmem:s29], [sflag:$0x2] =	stream.indirect.gather [hbm4b:s4+s7], $0x20, s0, s7, $0xb8;
	[tilespmem:$0x15900] =	vst v63  }
0x174: {  	s20 =	rddreg [dreg:$0x1a]  }
0x175: {  	[tilespmem:s30], [sflag:$0x2] =	stream.indirect.gather [hbm4b:s4+s7], $0x20, s20, s7, $0xb8;
	[tilespmem:$0x15900] =	vst v63  }
0x176: {  	_ =	swait.ge [sflag:s8], $0x1000  }
0x177: {  	[sflag:s8] =	ssyncset.done $0x0  }
0x178: {  	[sflag:s8] =	ssyncadd.s32 $0xFFFFF000  }
0x179: {  	_ =	swait.ge [sflag:s8], $0x1000  }
0x17a: {  	[sflag:s8] =	ssyncset.done $0x0  }
0x17b: {  	[sflag:s8] =	ssyncadd.s32 $0xFFFFF000  }
0x17c: {  	_ =	swait.ge [sflag:s8], $0x1000  }
0x17d: {  	[sflag:s8] =	ssyncset.done $0x0  }
0x17e: {  	[sflag:s8] =	ssyncadd.s32 $0xFFFFF000  }
0x17f: {  	_ =	swait.ge [sflag:s8], $0x1000  }
0x180: {  	[sflag:s8] =	ssyncset.done $0x0  }
0x181: {  	[sflag:s8] =	ssyncadd.s32 $0xFFFFF000  }
0x182: {  	_ =	swait.ge [sflag:s8], $0x1000  }
0x183: {  	[sflag:s8] =	ssyncset.done $0x0  }
0x184: {  	[sflag:s8] =	ssyncadd.s32 $0xFFFFF000  }
0x185: {  	_ =	swait.ge [sflag:s8], $0x1000  }
0x186: {  	[sflag:s8] =	ssyncset.done $0x0  }
0x187: {  	[sflag:s8] =	ssyncadd.s32 $0xFFFFF000  }
0x188: {  	_ =	swait.ge [sflag:s8], $0x1000  }
0x189: {  	[sflag:s8] =	ssyncset.done $0x0  }
0x18a: {  	[sflag:s8] =	ssyncadd.s32 $0xFFFFF000  }
0x18b: {  	_ =	swait.ge [sflag:s8], $0x1000  }
0x18c: {  	[sflag:s8] =	ssyncset.done $0x0  }
0x18d: {  	[sflag:s8] =	ssyncadd.s32 $0xFFFFF000  }
0x18e: {  	_ =	swait.ge [sflag:s8], $0x1000  }
0x18f: {  	[sflag:s8] =	ssyncset.done $0x0  }
0x190: {  	[sflag:s8] =	ssyncadd.s32 $0xFFFFF000  }
0x191: {  	_ =	swait.ge [sflag:s8], $0x1000  }
0x192: {  	[sflag:s8] =	ssyncset.done $0x0  }
0x193: {  	s20 =	rddreg [dreg:$0x4];
	[sflag:s8] =	ssyncadd.s32 $0xFFFFF000  }
0x194: {  	[hbm4b:s20+s2] =	stream.linear.scatter [tilespmem:s3], [sflag:$0x3], $0xA000, $0x38;
	[tilespmem:$0x15900] =	vst v63  }
0x195: {  	_ =	swait.ge [sflag:s5], $0xA000  }
0x196: {  	s0 =	rddreg [dreg:$0x1b];
	[sflag:s5] =	ssyncset.done $0x0  }
0x197: {  	s20 =	rddreg [dreg:$0x1c];
	[sflag:s5] =	ssyncadd.s32 $0xFFFF6000  }
0x198: {  	[tilespmem:s3], [sflag:$0x1] =	stream.indirect.gather [hbm4b:s4+s7], $0x20, s0, s7, $0xb8;
	[tilespmem:$0x15900] =	vst v63  }
0x199: {  	s0 =	rddreg [dreg:$0x1d]  }
0x19a: {  	[tilespmem:s10], [sflag:$0x1] =	stream.indirect.gather [hbm4b:s4+s7], $0x20, s20, s7, $0xb8;
	[tilespmem:$0x15900] =	vst v63  }
0x19b: {  	s20 =	rddreg [dreg:$0x1e]  }
0x19c: {  	[tilespmem:s11], [sflag:$0x1] =	stream.indirect.gather [hbm4b:s4+s7], $0x20, s0, s7, $0xb8;
	[tilespmem:$0x15900] =	vst v63  }
0x19d: {  	s0 =	rddreg [dreg:$0x1f]  }
0x19e: {  	[tilespmem:s12], [sflag:$0x1] =	stream.indirect.gather [hbm4b:s4+s7], $0x20, s20, s7, $0xb8;
	[tilespmem:$0x15900] =	vst v63  }
0x19f: {  	s20 =	sld [smem:$0x7E6]  }
0x1a0: {  	[tilespmem:s13], [sflag:$0x1] =	stream.indirect.gather [hbm4b:s4+s7], $0x20, s0, s7, $0xb8;
	[tilespmem:$0x15900] =	vst v63  }
0x1a1: {  	s0 =	sld [smem:$0x7E7]  }
0x1a2: {  	[tilespmem:s14], [sflag:$0x1] =	stream.indirect.gather [hbm4b:s4+s7], $0x20, s20, s7, $0xb8;
	[tilespmem:$0x15900] =	vst v63  }
0x1a3: {  	s20 =	sld [smem:$0x7E8]  }
0x1a4: {  	[tilespmem:s15], [sflag:$0x1] =	stream.indirect.gather [hbm4b:s4+s7], $0x20, s0, s7, $0xb8;
	[tilespmem:$0x15900] =	vst v63  }
0x1a5: {  	s0 =	sld [smem:$0x7E9]  }
0x1a6: {  	[tilespmem:s16], [sflag:$0x1] =	stream.indirect.gather [hbm4b:s4+s7], $0x20, s20, s7, $0xb8;
	[tilespmem:$0x15900] =	vst v63  }
0x1a7: {  	s20 =	sld [smem:$0x7EA]  }
0x1a8: {  	[tilespmem:s17], [sflag:$0x1] =	stream.indirect.gather [hbm4b:s4+s7], $0x20, s0, s7, $0xb8;
	[tilespmem:$0x15900] =	vst v63  }
0x1a9: {  	_ = 	snop  }
0x1aa: {  	[tilespmem:s18], [sflag:$0x1] =	stream.indirect.gather [hbm4b:s4+s7], $0x20, s20, s7, $0xb8;
	[tilespmem:$0x15900] =	vst v63  }
0x1ab: {  	_ =	swait.ge [sflag:s19], $0x1000  }
0x1ac: {  	[sflag:s19] =	ssyncset.done $0x0  }
0x1ad: {  	[sflag:s19] =	ssyncadd.s32 $0xFFFFF000  }
0x1ae: {  	_ =	swait.ge [sflag:s19], $0x1000  }
0x1af: {  	[sflag:s19] =	ssyncset.done $0x0  }
0x1b0: {  	[sflag:s19] =	ssyncadd.s32 $0xFFFFF000  }
0x1b1: {  	_ =	swait.ge [sflag:s19], $0x1000  }
0x1b2: {  	[sflag:s19] =	ssyncset.done $0x0  }
0x1b3: {  	[sflag:s19] =	ssyncadd.s32 $0xFFFFF000  }
0x1b4: {  	_ =	swait.ge [sflag:s19], $0x1000  }
0x1b5: {  	[sflag:s19] =	ssyncset.done $0x0  }
0x1b6: {  	[sflag:s19] =	ssyncadd.s32 $0xFFFFF000  }
0x1b7: {  	_ =	swait.ge [sflag:s19], $0x1000  }
0x1b8: {  	[sflag:s19] =	ssyncset.done $0x0  }
0x1b9: {  	[sflag:s19] =	ssyncadd.s32 $0xFFFFF000  }
0x1ba: {  	_ =	swait.ge [sflag:s19], $0x1000  }
0x1bb: {  	[sflag:s19] =	ssyncset.done $0x0  }
0x1bc: {  	[sflag:s19] =	ssyncadd.s32 $0xFFFFF000  }
0x1bd: {  	_ =	swait.ge [sflag:s19], $0x1000  }
0x1be: {  	[sflag:s19] =	ssyncset.done $0x0  }
0x1bf: {  	[sflag:s19] =	ssyncadd.s32 $0xFFFFF000  }
0x1c0: {  	_ =	swait.ge [sflag:s19], $0x1000  }
0x1c1: {  	[sflag:s19] =	ssyncset.done $0x0  }
0x1c2: {  	[sflag:s19] =	ssyncadd.s32 $0xFFFFF000  }
0x1c3: {  	_ =	swait.ge [sflag:s19], $0x1000  }
0x1c4: {  	[sflag:s19] =	ssyncset.done $0x0  }
0x1c5: {  	[sflag:s19] =	ssyncadd.s32 $0xFFFFF000  }
0x1c6: {  	_ =	swait.ge [sflag:s19], $0x1000  }
0x1c7: {  	[sflag:s19] =	ssyncset.done $0x0  }
0x1c8: {  	s20 =	rddreg [dreg:$0x5];
	[sflag:s19] =	ssyncadd.s32 $0xFFFFF000  }
0x1c9: {  	[hbm4b:s20+s2] =	stream.linear.scatter [tilespmem:s9], [sflag:$0x4], $0xA000, $0x38;
	[tilespmem:$0x15900] =	vst v63  }
0x1ca: {  	_ =	swait.ge [sflag:s6], $0xA000  }
0x1cb: {  	s0 =	sld [smem:$0x7EB]  }
0x1cc: {  	[sflag:s6] =	ssyncset.done $0x0  }
0x1cd: {  	s20 =	sld [smem:$0x7EC];
	[sflag:s6] =	ssyncadd.s32 $0xFFFF6000  }
0x1ce: {  	[tilespmem:s9], [sflag:$0x2] =	stream.indirect.gather [hbm4b:s4+s7], $0x20, s0, s7, $0xb8;
	[tilespmem:$0x15900] =	vst v63  }
0x1cf: {  	s0 =	sld [smem:$0x7ED]  }
0x1d0: {  	[tilespmem:s21], [sflag:$0x2] =	stream.indirect.gather [hbm4b:s4+s7], $0x20, s20, s7, $0xb8;
	[tilespmem:$0x15900] =	vst v63  }
0x1d1: {  	s20 =	sld [smem:$0x7EE]  }
0x1d2: {  	[tilespmem:s22], [sflag:$0x2] =	stream.indirect.gather [hbm4b:s4+s7], $0x20, s0, s7, $0xb8;
	[tilespmem:$0x15900] =	vst v63  }
0x1d3: {  	s0 =	sld [smem:$0x7EF]  }
0x1d4: {  	[tilespmem:s23], [sflag:$0x2] =	stream.indirect.gather [hbm4b:s4+s7], $0x20, s20, s7, $0xb8;
	[tilespmem:$0x15900] =	vst v63  }
0x1d5: {  	s20 =	sld [smem:$0x7F0]  }
0x1d6: {  	[tilespmem:s24], [sflag:$0x2] =	stream.indirect.gather [hbm4b:s4+s7], $0x20, s0, s7, $0xb8;
	[tilespmem:$0x15900] =	vst v63  }
0x1d7: {  	s0 =	sld [smem:$0x7F1]  }
0x1d8: {  	[tilespmem:s25], [sflag:$0x2] =	stream.indirect.gather [hbm4b:s4+s7], $0x20, s20, s7, $0xb8;
	[tilespmem:$0x15900] =	vst v63  }
0x1d9: {  	s20 =	sld [smem:$0x7F2]  }
0x1da: {  	[tilespmem:s26], [sflag:$0x2] =	stream.indirect.gather [hbm4b:s4+s7], $0x20, s0, s7, $0xb8;
	[tilespmem:$0x15900] =	vst v63  }
0x1db: {  	s0 =	sld [smem:$0x7F3]  }
0x1dc: {  	[tilespmem:s28], [sflag:$0x2] =	stream.indirect.gather [hbm4b:s4+s7], $0x20, s20, s7, $0xb8;
	[tilespmem:$0x15900] =	vst v63  }
0x1dd: {  	s20 =	sld [smem:$0x7F4]  }
0x1de: {  	[tilespmem:s29], [sflag:$0x2] =	stream.indirect.gather [hbm4b:s4+s7], $0x20, s0, s7, $0xb8;
	[tilespmem:$0x15900] =	vst v63  }
0x1df: {  	_ = 	snop  }
0x1e0: {  	[tilespmem:s30], [sflag:$0x2] =	stream.indirect.gather [hbm4b:s4+s7], $0x20, s20, s7, $0xb8;
	[tilespmem:$0x15900] =	vst v63  }
0x1e1: {  	_ =	swait.ge [sflag:s8], $0x1000  }
0x1e2: {  	[sflag:s8] =	ssyncset.done $0x0  }
0x1e3: {  	[sflag:s8] =	ssyncadd.s32 $0xFFFFF000  }
0x1e4: {  	_ =	swait.ge [sflag:s8], $0x1000  }
0x1e5: {  	[sflag:s8] =	ssyncset.done $0x0  }
0x1e6: {  	[sflag:s8] =	ssyncadd.s32 $0xFFFFF000  }
0x1e7: {  	_ =	swait.ge [sflag:s8], $0x1000  }
0x1e8: {  	[sflag:s8] =	ssyncset.done $0x0  }
0x1e9: {  	[sflag:s8] =	ssyncadd.s32 $0xFFFFF000  }
0x1ea: {  	_ =	swait.ge [sflag:s8], $0x1000  }
0x1eb: {  	[sflag:s8] =	ssyncset.done $0x0  }
0x1ec: {  	[sflag:s8] =	ssyncadd.s32 $0xFFFFF000  }
0x1ed: {  	_ =	swait.ge [sflag:s8], $0x1000  }
0x1ee: {  	[sflag:s8] =	ssyncset.done $0x0  }
0x1ef: {  	[sflag:s8] =	ssyncadd.s32 $0xFFFFF000  }
0x1f0: {  	_ =	swait.ge [sflag:s8], $0x1000  }
0x1f1: {  	[sflag:s8] =	ssyncset.done $0x0  }
0x1f2: {  	[sflag:s8] =	ssyncadd.s32 $0xFFFFF000  }
0x1f3: {  	_ =	swait.ge [sflag:s8], $0x1000  }
0x1f4: {  	[sflag:s8] =	ssyncset.done $0x0  }
0x1f5: {  	[sflag:s8] =	ssyncadd.s32 $0xFFFFF000  }
0x1f6: {  	_ =	swait.ge [sflag:s8], $0x1000  }
0x1f7: {  	[sflag:s8] =	ssyncset.done $0x0  }
0x1f8: {  	[sflag:s8] =	ssyncadd.s32 $0xFFFFF000  }
0x1f9: {  	_ =	swait.ge [sflag:s8], $0x1000  }
0x1fa: {  	[sflag:s8] =	ssyncset.done $0x0  }
0x1fb: {  	[sflag:s8] =	ssyncadd.s32 $0xFFFFF000  }
0x1fc: {  	_ =	swait.ge [sflag:s8], $0x1000  }
0x1fd: {  	[sflag:s8] =	ssyncset.done $0x0  }
0x1fe: {  	s20 =	rddreg [dreg:$0x6];
	[sflag:s8] =	ssyncadd.s32 $0xFFFFF000  }
0x1ff: {  	[hbm4b:s20+s2] =	stream.linear.scatter [tilespmem:s3], [sflag:$0x3], $0xA000, $0x38;
	[tilespmem:$0x15900] =	vst v63  }
0x200: {  	_ =	swait.ge [sflag:s5], $0xA000  }
0x201: {  	s0 =	sld [smem:$0x7F5]  }
0x202: {  	[sflag:s5] =	ssyncset.done $0x0  }
0x203: {  	s20 =	sld [smem:$0x7F6];
	[sflag:s5] =	ssyncadd.s32 $0xFFFF6000  }
0x204: {  	[tilespmem:s3], [sflag:$0x1] =	stream.indirect.gather [hbm4b:s4+s7], $0x20, s0, s7, $0xb8;
	[tilespmem:$0x15900] =	vst v63  }
0x205: {  	s0 =	sld [smem:$0x7F7]  }
0x206: {  	[tilespmem:s10], [sflag:$0x1] =	stream.indirect.gather [hbm4b:s4+s7], $0x20, s20, s7, $0xb8;
	[tilespmem:$0x15900] =	vst v63  }
0x207: {  	s20 =	sld [smem:$0x7F8]  }
0x208: {  	[tilespmem:s11], [sflag:$0x1] =	stream.indirect.gather [hbm4b:s4+s7], $0x20, s0, s7, $0xb8;
	[tilespmem:$0x15900] =	vst v63  }
0x209: {  	s0 =	sld [smem:$0x7F9]  }
0x20a: {  	[tilespmem:s12], [sflag:$0x1] =	stream.indirect.gather [hbm4b:s4+s7], $0x20, s20, s7, $0xb8;
	[tilespmem:$0x15900] =	vst v63  }
0x20b: {  	s20 =	sld [smem:$0x7FA]  }
0x20c: {  	[tilespmem:s13], [sflag:$0x1] =	stream.indirect.gather [hbm4b:s4+s7], $0x20, s0, s7, $0xb8;
	[tilespmem:$0x15900] =	vst v63  }
0x20d: {  	s0 =	sld [smem:$0x7FB]  }
0x20e: {  	[tilespmem:s14], [sflag:$0x1] =	stream.indirect.gather [hbm4b:s4+s7], $0x20, s20, s7, $0xb8;
	[tilespmem:$0x15900] =	vst v63  }
0x20f: {  	s20 =	sld [smem:$0x7FC]  }
0x210: {  	[tilespmem:s15], [sflag:$0x1] =	stream.indirect.gather [hbm4b:s4+s7], $0x20, s0, s7, $0xb8;
	[tilespmem:$0x15900] =	vst v63  }
0x211: {  	s0 =	sld [smem:$0x7FD]  }
0x212: {  	[tilespmem:s16], [sflag:$0x1] =	stream.indirect.gather [hbm4b:s4+s7], $0x20, s20, s7, $0xb8;
	[tilespmem:$0x15900] =	vst v63  }
0x213: {  	_ = 	snop  }
0x214: {  	[tilespmem:s17], [sflag:$0x1] =	stream.indirect.gather [hbm4b:s4+s7], $0x20, s0, s7, $0xb8;
	[tilespmem:$0x15900] =	vst v63  }
0x215: {  	s20 =	simm.s32 $0x1880  }
0x216: {  	[tilespmem:s18], [sflag:$0x1] =	stream.indirect.gather [hbm4b:s4+s7], $0x20, s20, s7, $0xb8;
	[tilespmem:$0x15900] =	vst v63  }
0x217: {  	_ =	swait.ge [sflag:s19], $0x1000  }
0x218: {  	[sflag:s19] =	ssyncset.done $0x0  }
0x219: {  	[sflag:s19] =	ssyncadd.s32 $0xFFFFF000  }
0x21a: {  	_ =	swait.ge [sflag:s19], $0x1000  }
0x21b: {  	[sflag:s19] =	ssyncset.done $0x0  }
0x21c: {  	[sflag:s19] =	ssyncadd.s32 $0xFFFFF000  }
0x21d: {  	_ =	swait.ge [sflag:s19], $0x1000  }
0x21e: {  	[sflag:s19] =	ssyncset.done $0x0  }
0x21f: {  	[sflag:s19] =	ssyncadd.s32 $0xFFFFF000  }
0x220: {  	_ =	swait.ge [sflag:s19], $0x1000  }
0x221: {  	[sflag:s19] =	ssyncset.done $0x0  }
0x222: {  	[sflag:s19] =	ssyncadd.s32 $0xFFFFF000  }
0x223: {  	_ =	swait.ge [sflag:s19], $0x1000  }
0x224: {  	[sflag:s19] =	ssyncset.done $0x0  }
0x225: {  	[sflag:s19] =	ssyncadd.s32 $0xFFFFF000  }
0x226: {  	_ =	swait.ge [sflag:s19], $0x1000  }
0x227: {  	[sflag:s19] =	ssyncset.done $0x0  }
0x228: {  	[sflag:s19] =	ssyncadd.s32 $0xFFFFF000  }
0x229: {  	_ =	swait.ge [sflag:s19], $0x1000  }
0x22a: {  	[sflag:s19] =	ssyncset.done $0x0  }
0x22b: {  	[sflag:s19] =	ssyncadd.s32 $0xFFFFF000  }
0x22c: {  	_ =	swait.ge [sflag:s19], $0x1000  }
0x22d: {  	[sflag:s19] =	ssyncset.done $0x0  }
0x22e: {  	[sflag:s19] =	ssyncadd.s32 $0xFFFFF000  }
0x22f: {  	_ =	swait.ge [sflag:s19], $0x1000  }
0x230: {  	[sflag:s19] =	ssyncset.done $0x0  }
0x231: {  	[sflag:s19] =	ssyncadd.s32 $0xFFFFF000  }
0x232: {  	_ =	swait.ge [sflag:s19], $0x1000  }
0x233: {  	[sflag:s19] =	ssyncset.done $0x0  }
0x234: {  	s20 =	rddreg [dreg:$0x7];
	[sflag:s19] =	ssyncadd.s32 $0xFFFFF000  }
0x235: {  	[hbm4b:s20+s2] =	stream.linear.scatter [tilespmem:s9], [sflag:$0x4], $0xA000, $0x38;
	[tilespmem:$0x15900] =	vst v63  }
0x236: {  	_ =	swait.ge [sflag:s8], $0x1000  }
0x237: {  	[sflag:s8] =	ssyncset.done $0x0  }
0x238: {  	[sflag:s8] =	ssyncadd.s32 $0xFFFFF000  }
0x239: {  	_ =	swait.ge [sflag:s8], $0x1000  }
0x23a: {  	[sflag:s8] =	ssyncset.done $0x0  }
0x23b: {  	[sflag:s8] =	ssyncadd.s32 $0xFFFFF000  }
0x23c: {  	_ =	swait.ge [sflag:s8], $0x1000  }
0x23d: {  	[sflag:s8] =	ssyncset.done $0x0  }
0x23e: {  	[sflag:s8] =	ssyncadd.s32 $0xFFFFF000  }
0x23f: {  	_ =	swait.ge [sflag:s8], $0x1000  }
0x240: {  	[sflag:s8] =	ssyncset.done $0x0  }
0x241: {  	[sflag:s8] =	ssyncadd.s32 $0xFFFFF000  }
0x242: {  	_ =	swait.ge [sflag:s8], $0x1000  }
0x243: {  	[sflag:s8] =	ssyncset.done $0x0  }
0x244: {  	[sflag:s8] =	ssyncadd.s32 $0xFFFFF000  }
0x245: {  	_ =	swait.ge [sflag:s8], $0x1000  }
0x246: {  	[sflag:s8] =	ssyncset.done $0x0  }
0x247: {  	[sflag:s8] =	ssyncadd.s32 $0xFFFFF000  }
0x248: {  	_ =	swait.ge [sflag:s8], $0x1000  }
0x249: {  	[sflag:s8] =	ssyncset.done $0x0  }
0x24a: {  	[sflag:s8] =	ssyncadd.s32 $0xFFFFF000  }
0x24b: {  	_ =	swait.ge [sflag:s8], $0x1000  }
0x24c: {  	[sflag:s8] =	ssyncset.done $0x0  }
0x24d: {  	[sflag:s8] =	ssyncadd.s32 $0xFFFFF000  }
0x24e: {  	_ =	swait.ge [sflag:s8], $0x1000  }
0x24f: {  	[sflag:s8] =	ssyncset.done $0x0  }
0x250: {  	[sflag:s8] =	ssyncadd.s32 $0xFFFFF000  }
0x251: {  	_ =	swait.ge [sflag:s8], $0x1000  }
0x252: {  	[sflag:s8] =	ssyncset.done $0x0  }
0x253: {  	p1 =	sne.s32 s1, $0x1;
	s20 =	rddreg [dreg:$0x8];
	[sflag:s8] =	ssyncadd.s32 $0xFFFFF000  }
0x254: {  	[hbm4b:s20+s2] =	stream.linear.scatter [tilespmem:s3], [sflag:$0x3], $0xA000, $0x38;
	[tilespmem:$0x15900] =	vst v63  }
.Ltmp2:
0x255: {  	_ =	swait.ge [sflag:s6], $0xA000;
	(pc) =	sbr.rel @p1 .LBB2_3-.Ltmp2, $4  }
0x256: {  	[sflag:s6] =	ssyncset.done $0x0  }
0x257: {  	[sflag:s6] =	ssyncadd.s32 $0xFFFF6000  }
0x258: {  	_ =	swait.ge [sflag:s5], $0xA000  }
0x259: {  	s1 =	sadd.s32 $0xFFFFFFFF, s1;
	s0 =	rddreg [dreg:$0x3];
	[sflag:s5] =	ssyncset.done $0x0  }
0x25a: {  	s20 =	stileid.u32  }
.LBB2_5:
0x25b: {  	[sflag:s5] =	ssyncadd.s32 @p0 $0xFFFF6000  }
0x25c: {  	[tilespmem:s2], [sflag:$0x5] =	stream.linear.gather [hbm4b:s0+s2], $0x1900, $0x38;
	[tilespmem:$0x15900] =	vst v63  }
0x25d: {  	_ =	swait.ge [sflag:s31], $0x1900  }
0x25e: {  	[sflag:s31] =	ssyncset.done $0x0  }
0x25f: {  	[sflag:s31] =	ssyncadd.s32 $0xFFFFE700  }
0x260: {  	[tilespmem:s3], [sflag:$0x1] =	stream.indirect.gather [hbm4b:s4+s7], $0x20, s2, s7, $0xb8;
	[tilespmem:$0x15900] =	vst v63  }
0x261: {  	_ = 	snop  }
0x262: {  	[tilespmem:s10], [sflag:$0x1] =	stream.indirect.gather [hbm4b:s4+s7], $0x20, s7, s7, $0xb8;
	[tilespmem:$0x15900] =	vst v63  }
0x263: {  	s31 =	rddreg [dreg:$0x9]  }
0x264: {  	[tilespmem:s11], [sflag:$0x1] =	stream.indirect.gather [hbm4b:s4+s7], $0x20, s31, s7, $0xb8;
	[tilespmem:$0x15900] =	vst v63  }
0x265: {  	s1 =	rddreg [dreg:$0xa]  }
0x266: {  	[tilespmem:s12], [sflag:$0x1] =	stream.indirect.gather [hbm4b:s4+s7], $0x20, s1, s7, $0xb8;
	[tilespmem:$0x15900] =	vst v63  }
0x267: {  	s0 =	rddreg [dreg:$0xb]  }
0x268: {  	[tilespmem:s13], [sflag:$0x1] =	stream.indirect.gather [hbm4b:s4+s7], $0x20, s0, s7, $0xb8;
	[tilespmem:$0x15900] =	vst v63  }
0x269: {  	s31 =	rddreg [dreg:$0xc]  }
0x26a: {  	[tilespmem:s14], [sflag:$0x1] =	stream.indirect.gather [hbm4b:s4+s7], $0x20, s31, s7, $0xb8;
	[tilespmem:$0x15900] =	vst v63  }
0x26b: {  	s0 =	rddreg [dreg:$0xd]  }
0x26c: {  	[tilespmem:s15], [sflag:$0x1] =	stream.indirect.gather [hbm4b:s4+s7], $0x20, s0, s7, $0xb8;
	[tilespmem:$0x15900] =	vst v63  }
0x26d: {  	s31 =	rddreg [dreg:$0xe]  }
0x26e: {  	[tilespmem:s16], [sflag:$0x1] =	stream.indirect.gather [hbm4b:s4+s7], $0x20, s31, s7, $0xb8;
	[tilespmem:$0x15900] =	vst v63  }
0x26f: {  	s0 =	rddreg [dreg:$0xf]  }
0x270: {  	[tilespmem:s17], [sflag:$0x1] =	stream.indirect.gather [hbm4b:s4+s7], $0x20, s0, s7, $0xb8;
	[tilespmem:$0x15900] =	vst v63  }
0x271: {  	s31 =	rddreg [dreg:$0x10]  }
0x272: {  	[tilespmem:s18], [sflag:$0x1] =	stream.indirect.gather [hbm4b:s4+s7], $0x20, s31, s7, $0xb8;
	[tilespmem:$0x15900] =	vst v63  }
0x273: {  	s0 =	rddreg [dreg:$0x11]  }
0x274: {  	[tilespmem:s9], [sflag:$0x2] =	stream.indirect.gather [hbm4b:s4+s7], $0x20, s0, s7, $0xb8;
	[tilespmem:$0x15900] =	vst v63  }
0x275: {  	s31 =	rddreg [dreg:$0x12]  }
0x276: {  	[tilespmem:s21], [sflag:$0x2] =	stream.indirect.gather [hbm4b:s4+s7], $0x20, s31, s7, $0xb8;
	[tilespmem:$0x15900] =	vst v63  }
0x277: {  	s0 =	rddreg [dreg:$0x13]  }
0x278: {  	[tilespmem:s22], [sflag:$0x2] =	stream.indirect.gather [hbm4b:s4+s7], $0x20, s0, s7, $0xb8;
	[tilespmem:$0x15900] =	vst v63  }
0x279: {  	s31 =	rddreg [dreg:$0x14]  }
0x27a: {  	[tilespmem:s23], [sflag:$0x2] =	stream.indirect.gather [hbm4b:s4+s7], $0x20, s31, s7, $0xb8;
	[tilespmem:$0x15900] =	vst v63  }
0x27b: {  	s0 =	rddreg [dreg:$0x15]  }
0x27c: {  	[tilespmem:s24], [sflag:$0x2] =	stream.indirect.gather [hbm4b:s4+s7], $0x20, s0, s7, $0xb8;
	[tilespmem:$0x15900] =	vst v63  }
0x27d: {  	s31 =	rddreg [dreg:$0x16]  }
0x27e: {  	[tilespmem:s25], [sflag:$0x2] =	stream.indirect.gather [hbm4b:s4+s7], $0x20, s31, s7, $0xb8;
	[tilespmem:$0x15900] =	vst v63  }
0x27f: {  	s0 =	rddreg [dreg:$0x17]  }
0x280: {  	[tilespmem:s26], [sflag:$0x2] =	stream.indirect.gather [hbm4b:s4+s7], $0x20, s0, s7, $0xb8;
	[tilespmem:$0x15900] =	vst v63  }
0x281: {  	s31 =	rddreg [dreg:$0x18]  }
0x282: {  	[tilespmem:s28], [sflag:$0x2] =	stream.indirect.gather [hbm4b:s4+s7], $0x20, s31, s7, $0xb8;
	[tilespmem:$0x15900] =	vst v63  }
0x283: {  	s0 =	rddreg [dreg:$0x19]  }
0x284: {  	[tilespmem:s29], [sflag:$0x2] =	stream.indirect.gather [hbm4b:s4+s7], $0x20, s0, s7, $0xb8;
	[tilespmem:$0x15900] =	vst v63  }
0x285: {  	s31 =	rddreg [dreg:$0x1a]  }
0x286: {  	[tilespmem:s30], [sflag:$0x2] =	stream.indirect.gather [hbm4b:s4+s7], $0x20, s31, s7, $0xb8;
	[tilespmem:$0x15900] =	vst v63  }
0x287: {  	_ =	swait.ge [sflag:s8], $0x1000  }
0x288: {  	[sflag:s8] =	ssyncset.done $0x0  }
0x289: {  	[sflag:s8] =	ssyncadd.s32 $0xFFFFF000  }
0x28a: {  	_ =	swait.ge [sflag:s8], $0x1000  }
0x28b: {  	[sflag:s8] =	ssyncset.done $0x0  }
0x28c: {  	[sflag:s8] =	ssyncadd.s32 $0xFFFFF000  }
0x28d: {  	_ =	swait.ge [sflag:s8], $0x1000  }
0x28e: {  	[sflag:s8] =	ssyncset.done $0x0  }
0x28f: {  	[sflag:s8] =	ssyncadd.s32 $0xFFFFF000  }
0x290: {  	_ =	swait.ge [sflag:s8], $0x1000  }
0x291: {  	[sflag:s8] =	ssyncset.done $0x0  }
0x292: {  	[sflag:s8] =	ssyncadd.s32 $0xFFFFF000  }
0x293: {  	_ =	swait.ge [sflag:s8], $0x1000  }
0x294: {  	[sflag:s8] =	ssyncset.done $0x0  }
0x295: {  	[sflag:s8] =	ssyncadd.s32 $0xFFFFF000  }
0x296: {  	_ =	swait.ge [sflag:s8], $0x1000  }
0x297: {  	[sflag:s8] =	ssyncset.done $0x0  }
0x298: {  	[sflag:s8] =	ssyncadd.s32 $0xFFFFF000  }
0x299: {  	_ =	swait.ge [sflag:s8], $0x1000  }
0x29a: {  	[sflag:s8] =	ssyncset.done $0x0  }
0x29b: {  	[sflag:s8] =	ssyncadd.s32 $0xFFFFF000  }
0x29c: {  	_ =	swait.ge [sflag:s8], $0x1000  }
0x29d: {  	[sflag:s8] =	ssyncset.done $0x0  }
0x29e: {  	[sflag:s8] =	ssyncadd.s32 $0xFFFFF000  }
0x29f: {  	_ =	swait.ge [sflag:s8], $0x1000  }
0x2a0: {  	[sflag:s8] =	ssyncset.done $0x0  }
0x2a1: {  	[sflag:s8] =	ssyncadd.s32 $0xFFFFF000  }
0x2a2: {  	_ =	swait.ge [sflag:s8], $0x1000  }
0x2a3: {  	[sflag:s8] =	ssyncset.done $0x0  }
0x2a4: {  	s31 =	rddreg [dreg:$0x4];
	[sflag:s8] =	ssyncadd.s32 $0xFFFFF000  }
0x2a5: {  	[hbm4b:s31+s2] =	stream.linear.scatter [tilespmem:s3], [sflag:$0x3], $0xA000, $0x38;
	[tilespmem:$0x15900] =	vst v63  }
0x2a6: {  	_ =	swait.ge [sflag:s5], $0xA000  }
0x2a7: {  	s1 =	rddreg [dreg:$0x1b];
	[sflag:s5] =	ssyncset.done $0x0  }
0x2a8: {  	s31 =	rddreg [dreg:$0x1c];
	[sflag:s5] =	ssyncadd.s32 $0xFFFF6000  }
0x2a9: {  	[tilespmem:s3], [sflag:$0x1] =	stream.indirect.gather [hbm4b:s4+s7], $0x20, s1, s7, $0xb8;
	[tilespmem:$0x15900] =	vst v63  }
0x2aa: {  	s0 =	rddreg [dreg:$0x1d]  }
0x2ab: {  	[tilespmem:s10], [sflag:$0x1] =	stream.indirect.gather [hbm4b:s4+s7], $0x20, s31, s7, $0xb8;
	[tilespmem:$0x15900] =	vst v63  }
0x2ac: {  	s31 =	rddreg [dreg:$0x1e]  }
0x2ad: {  	[tilespmem:s11], [sflag:$0x1] =	stream.indirect.gather [hbm4b:s4+s7], $0x20, s0, s7, $0xb8;
	[tilespmem:$0x15900] =	vst v63  }
0x2ae: {  	s0 =	rddreg [dreg:$0x1f]  }
0x2af: {  	[tilespmem:s12], [sflag:$0x1] =	stream.indirect.gather [hbm4b:s4+s7], $0x20, s31, s7, $0xb8;
	[tilespmem:$0x15900] =	vst v63  }
0x2b0: {  	s31 =	sld [smem:$0x7E6]  }
0x2b1: {  	[tilespmem:s13], [sflag:$0x1] =	stream.indirect.gather [hbm4b:s4+s7], $0x20, s0, s7, $0xb8;
	[tilespmem:$0x15900] =	vst v63  }
0x2b2: {  	s0 =	sld [smem:$0x7E7]  }
0x2b3: {  	[tilespmem:s14], [sflag:$0x1] =	stream.indirect.gather [hbm4b:s4+s7], $0x20, s31, s7, $0xb8;
	[tilespmem:$0x15900] =	vst v63  }
0x2b4: {  	s31 =	sld [smem:$0x7E8]  }
0x2b5: {  	[tilespmem:s15], [sflag:$0x1] =	stream.indirect.gather [hbm4b:s4+s7], $0x20, s0, s7, $0xb8;
	[tilespmem:$0x15900] =	vst v63  }
0x2b6: {  	s0 =	sld [smem:$0x7E9]  }
0x2b7: {  	[tilespmem:s16], [sflag:$0x1] =	stream.indirect.gather [hbm4b:s4+s7], $0x20, s31, s7, $0xb8;
	[tilespmem:$0x15900] =	vst v63  }
0x2b8: {  	s31 =	sld [smem:$0x7EA]  }
0x2b9: {  	[tilespmem:s17], [sflag:$0x1] =	stream.indirect.gather [hbm4b:s4+s7], $0x20, s0, s7, $0xb8;
	[tilespmem:$0x15900] =	vst v63  }
0x2ba: {  	_ = 	snop  }
0x2bb: {  	[tilespmem:s18], [sflag:$0x1] =	stream.indirect.gather [hbm4b:s4+s7], $0x20, s31, s7, $0xb8;
	[tilespmem:$0x15900] =	vst v63  }
0x2bc: {  	_ =	swait.ge [sflag:s19], $0x1000  }
0x2bd: {  	[sflag:s19] =	ssyncset.done $0x0  }
0x2be: {  	[sflag:s19] =	ssyncadd.s32 $0xFFFFF000  }
0x2bf: {  	_ =	swait.ge [sflag:s19], $0x1000  }
0x2c0: {  	[sflag:s19] =	ssyncset.done $0x0  }
0x2c1: {  	[sflag:s19] =	ssyncadd.s32 $0xFFFFF000  }
0x2c2: {  	_ =	swait.ge [sflag:s19], $0x1000  }
0x2c3: {  	[sflag:s19] =	ssyncset.done $0x0  }
0x2c4: {  	[sflag:s19] =	ssyncadd.s32 $0xFFFFF000  }
0x2c5: {  	_ =	swait.ge [sflag:s19], $0x1000  }
0x2c6: {  	[sflag:s19] =	ssyncset.done $0x0  }
0x2c7: {  	[sflag:s19] =	ssyncadd.s32 $0xFFFFF000  }
0x2c8: {  	_ =	swait.ge [sflag:s19], $0x1000  }
0x2c9: {  	[sflag:s19] =	ssyncset.done $0x0  }
0x2ca: {  	[sflag:s19] =	ssyncadd.s32 $0xFFFFF000  }
0x2cb: {  	_ =	swait.ge [sflag:s19], $0x1000  }
0x2cc: {  	[sflag:s19] =	ssyncset.done $0x0  }
0x2cd: {  	[sflag:s19] =	ssyncadd.s32 $0xFFFFF000  }
0x2ce: {  	_ =	swait.ge [sflag:s19], $0x1000  }
0x2cf: {  	[sflag:s19] =	ssyncset.done $0x0  }
0x2d0: {  	[sflag:s19] =	ssyncadd.s32 $0xFFFFF000  }
0x2d1: {  	_ =	swait.ge [sflag:s19], $0x1000  }
0x2d2: {  	[sflag:s19] =	ssyncset.done $0x0  }
0x2d3: {  	[sflag:s19] =	ssyncadd.s32 $0xFFFFF000  }
0x2d4: {  	_ =	swait.ge [sflag:s19], $0x1000  }
0x2d5: {  	[sflag:s19] =	ssyncset.done $0x0  }
0x2d6: {  	[sflag:s19] =	ssyncadd.s32 $0xFFFFF000  }
0x2d7: {  	_ =	swait.ge [sflag:s19], $0x1000  }
0x2d8: {  	[sflag:s19] =	ssyncset.done $0x0  }
0x2d9: {  	s1 =	rddreg [dreg:$0x5];
	[sflag:s19] =	ssyncadd.s32 $0xFFFFF000  }
0x2da: {  	[hbm4b:s1+s2] =	stream.linear.scatter [tilespmem:s9], [sflag:$0x4], $0xA000, $0x38;
	[tilespmem:$0x15900] =	vst v63  }
0x2db: {  	_ =	swait.ge [sflag:s6], $0xA000  }
0x2dc: {  	s31 =	sld [smem:$0x7EB]  }
0x2dd: {  	[sflag:s6] =	ssyncset.done $0x0  }
0x2de: {  	s1 =	sld [smem:$0x7EC];
	[sflag:s6] =	ssyncadd.s32 $0xFFFF6000  }
0x2df: {  	[tilespmem:s9], [sflag:$0x2] =	stream.indirect.gather [hbm4b:s4+s7], $0x20, s31, s7, $0xb8;
	[tilespmem:$0x15900] =	vst v63  }
0x2e0: {  	s31 =	sld [smem:$0x7ED]  }
0x2e1: {  	[tilespmem:s21], [sflag:$0x2] =	stream.indirect.gather [hbm4b:s4+s7], $0x20, s1, s7, $0xb8;
	[tilespmem:$0x15900] =	vst v63  }
0x2e2: {  	s21 =	sld [smem:$0x7EE]  }
0x2e3: {  	[tilespmem:s22], [sflag:$0x2] =	stream.indirect.gather [hbm4b:s4+s7], $0x20, s31, s7, $0xb8;
	[tilespmem:$0x15900] =	vst v63  }
0x2e4: {  	s22 =	sld [smem:$0x7EF]  }
0x2e5: {  	[tilespmem:s23], [sflag:$0x2] =	stream.indirect.gather [hbm4b:s4+s7], $0x20, s21, s7, $0xb8;
	[tilespmem:$0x15900] =	vst v63  }
0x2e6: {  	s23 =	sld [smem:$0x7F0]  }
0x2e7: {  	[tilespmem:s24], [sflag:$0x2] =	stream.indirect.gather [hbm4b:s4+s7], $0x20, s22, s7, $0xb8;
	[tilespmem:$0x15900] =	vst v63  }
0x2e8: {  	s24 =	sld [smem:$0x7F1]  }
0x2e9: {  	[tilespmem:s25], [sflag:$0x2] =	stream.indirect.gather [hbm4b:s4+s7], $0x20, s23, s7, $0xb8;
	[tilespmem:$0x15900] =	vst v63  }
0x2ea: {  	s25 =	sld [smem:$0x7F2]  }
0x2eb: {  	[tilespmem:s26], [sflag:$0x2] =	stream.indirect.gather [hbm4b:s4+s7], $0x20, s24, s7, $0xb8;
	[tilespmem:$0x15900] =	vst v63  }
0x2ec: {  	s26 =	sld [smem:$0x7F3]  }
0x2ed: {  	[tilespmem:s28], [sflag:$0x2] =	stream.indirect.gather [hbm4b:s4+s7], $0x20, s25, s7, $0xb8;
	[tilespmem:$0x15900] =	vst v63  }
0x2ee: {  	s28 =	sld [smem:$0x7F4]  }
0x2ef: {  	[tilespmem:s29], [sflag:$0x2] =	stream.indirect.gather [hbm4b:s4+s7], $0x20, s26, s7, $0xb8;
	[tilespmem:$0x15900] =	vst v63  }
0x2f0: {  	_ = 	snop  }
0x2f1: {  	[tilespmem:s30], [sflag:$0x2] =	stream.indirect.gather [hbm4b:s4+s7], $0x20, s28, s7, $0xb8;
	[tilespmem:$0x15900] =	vst v63  }
0x2f2: {  	_ =	swait.ge [sflag:s8], $0x1000  }
0x2f3: {  	[sflag:s8] =	ssyncset.done $0x0  }
0x2f4: {  	[sflag:s8] =	ssyncadd.s32 $0xFFFFF000  }
0x2f5: {  	_ =	swait.ge [sflag:s8], $0x1000  }
0x2f6: {  	[sflag:s8] =	ssyncset.done $0x0  }
0x2f7: {  	[sflag:s8] =	ssyncadd.s32 $0xFFFFF000  }
0x2f8: {  	_ =	swait.ge [sflag:s8], $0x1000  }
0x2f9: {  	[sflag:s8] =	ssyncset.done $0x0  }
0x2fa: {  	[sflag:s8] =	ssyncadd.s32 $0xFFFFF000  }
0x2fb: {  	_ =	swait.ge [sflag:s8], $0x1000  }
0x2fc: {  	[sflag:s8] =	ssyncset.done $0x0  }
0x2fd: {  	[sflag:s8] =	ssyncadd.s32 $0xFFFFF000  }
0x2fe: {  	_ =	swait.ge [sflag:s8], $0x1000  }
0x2ff: {  	[sflag:s8] =	ssyncset.done $0x0  }
0x300: {  	[sflag:s8] =	ssyncadd.s32 $0xFFFFF000  }
0x301: {  	_ =	swait.ge [sflag:s8], $0x1000  }
0x302: {  	[sflag:s8] =	ssyncset.done $0x0  }
0x303: {  	[sflag:s8] =	ssyncadd.s32 $0xFFFFF000  }
0x304: {  	_ =	swait.ge [sflag:s8], $0x1000  }
0x305: {  	[sflag:s8] =	ssyncset.done $0x0  }
0x306: {  	[sflag:s8] =	ssyncadd.s32 $0xFFFFF000  }
0x307: {  	_ =	swait.ge [sflag:s8], $0x1000  }
0x308: {  	[sflag:s8] =	ssyncset.done $0x0  }
0x309: {  	[sflag:s8] =	ssyncadd.s32 $0xFFFFF000  }
0x30a: {  	_ =	swait.ge [sflag:s8], $0x1000  }
0x30b: {  	[sflag:s8] =	ssyncset.done $0x0  }
0x30c: {  	[sflag:s8] =	ssyncadd.s32 $0xFFFFF000  }
0x30d: {  	_ =	swait.ge [sflag:s8], $0x1000  }
0x30e: {  	[sflag:s8] =	ssyncset.done $0x0  }
0x30f: {  	s29 =	rddreg [dreg:$0x6];
	[sflag:s8] =	ssyncadd.s32 $0xFFFFF000  }
0x310: {  	[hbm4b:s29+s2] =	stream.linear.scatter [tilespmem:s3], [sflag:$0x3], $0xA000, $0x38;
	[tilespmem:$0x15900] =	vst v63  }
0x311: {  	_ =	swait.ge [sflag:s5], $0xA000  }
0x312: {  	s30 =	sld [smem:$0x7F5]  }
0x313: {  	[sflag:s5] =	ssyncset.done $0x0  }
0x314: {  	s31 =	sld [smem:$0x7F6];
	[sflag:s5] =	ssyncadd.s32 $0xFFFF6000  }
0x315: {  	[tilespmem:s3], [sflag:$0x1] =	stream.indirect.gather [hbm4b:s4+s7], $0x20, s30, s7, $0xb8;
	[tilespmem:$0x15900] =	vst v63  }
0x316: {  	s21 =	sld [smem:$0x7F7]  }
0x317: {  	[tilespmem:s10], [sflag:$0x1] =	stream.indirect.gather [hbm4b:s4+s7], $0x20, s31, s7, $0xb8;
	[tilespmem:$0x15900] =	vst v63  }
0x318: {  	s22 =	sld [smem:$0x7F8]  }
0x319: {  	[tilespmem:s11], [sflag:$0x1] =	stream.indirect.gather [hbm4b:s4+s7], $0x20, s21, s7, $0xb8;
	[tilespmem:$0x15900] =	vst v63  }
0x31a: {  	s23 =	sld [smem:$0x7F9]  }
0x31b: {  	[tilespmem:s12], [sflag:$0x1] =	stream.indirect.gather [hbm4b:s4+s7], $0x20, s22, s7, $0xb8;
	[tilespmem:$0x15900] =	vst v63  }
0x31c: {  	s24 =	sld [smem:$0x7FA]  }
0x31d: {  	[tilespmem:s13], [sflag:$0x1] =	stream.indirect.gather [hbm4b:s4+s7], $0x20, s23, s7, $0xb8;
	[tilespmem:$0x15900] =	vst v63  }
0x31e: {  	s25 =	sld [smem:$0x7FB]  }
0x31f: {  	[tilespmem:s14], [sflag:$0x1] =	stream.indirect.gather [hbm4b:s4+s7], $0x20, s24, s7, $0xb8;
	[tilespmem:$0x15900] =	vst v63  }
0x320: {  	s26 =	sld [smem:$0x7FC]  }
0x321: {  	[tilespmem:s15], [sflag:$0x1] =	stream.indirect.gather [hbm4b:s4+s7], $0x20, s25, s7, $0xb8;
	[tilespmem:$0x15900] =	vst v63  }
0x322: {  	s28 =	sld [smem:$0x7FD]  }
0x323: {  	[tilespmem:s16], [sflag:$0x1] =	stream.indirect.gather [hbm4b:s4+s7], $0x20, s26, s7, $0xb8;
	[tilespmem:$0x15900] =	vst v63  }
0x324: {  	_ = 	snop  }
0x325: {  	[tilespmem:s17], [sflag:$0x1] =	stream.indirect.gather [hbm4b:s4+s7], $0x20, s28, s7, $0xb8;
	[tilespmem:$0x15900] =	vst v63  }
0x326: {  	s29 =	simm.s32 $0x1880  }
0x327: {  	[tilespmem:s18], [sflag:$0x1] =	stream.indirect.gather [hbm4b:s4+s7], $0x20, s29, s7, $0xb8;
	[tilespmem:$0x15900] =	vst v63  }
0x328: {  	_ =	swait.ge [sflag:s19], $0x1000  }
0x329: {  	[sflag:s19] =	ssyncset.done $0x0  }
0x32a: {  	[sflag:s19] =	ssyncadd.s32 $0xFFFFF000  }
0x32b: {  	_ =	swait.ge [sflag:s19], $0x1000  }
0x32c: {  	[sflag:s19] =	ssyncset.done $0x0  }
0x32d: {  	[sflag:s19] =	ssyncadd.s32 $0xFFFFF000  }
0x32e: {  	_ =	swait.ge [sflag:s19], $0x1000  }
0x32f: {  	[sflag:s19] =	ssyncset.done $0x0  }
0x330: {  	[sflag:s19] =	ssyncadd.s32 $0xFFFFF000  }
0x331: {  	_ =	swait.ge [sflag:s19], $0x1000  }
0x332: {  	[sflag:s19] =	ssyncset.done $0x0  }
0x333: {  	[sflag:s19] =	ssyncadd.s32 $0xFFFFF000  }
0x334: {  	_ =	swait.ge [sflag:s19], $0x1000  }
0x335: {  	[sflag:s19] =	ssyncset.done $0x0  }
0x336: {  	[sflag:s19] =	ssyncadd.s32 $0xFFFFF000  }
0x337: {  	_ =	swait.ge [sflag:s19], $0x1000  }
0x338: {  	[sflag:s19] =	ssyncset.done $0x0  }
0x339: {  	[sflag:s19] =	ssyncadd.s32 $0xFFFFF000  }
0x33a: {  	_ =	swait.ge [sflag:s19], $0x1000  }
0x33b: {  	[sflag:s19] =	ssyncset.done $0x0  }
0x33c: {  	[sflag:s19] =	ssyncadd.s32 $0xFFFFF000  }
0x33d: {  	_ =	swait.ge [sflag:s19], $0x1000  }
0x33e: {  	[sflag:s19] =	ssyncset.done $0x0  }
0x33f: {  	[sflag:s19] =	ssyncadd.s32 $0xFFFFF000  }
0x340: {  	_ =	swait.ge [sflag:s19], $0x1000  }
0x341: {  	[sflag:s19] =	ssyncset.done $0x0  }
0x342: {  	[sflag:s19] =	ssyncadd.s32 $0xFFFFF000  }
0x343: {  	_ =	swait.ge [sflag:s19], $0x1000  }
0x344: {  	[sflag:s19] =	ssyncset.done $0x0  }
0x345: {  	s30 =	rddreg [dreg:$0x7];
	[sflag:s19] =	ssyncadd.s32 $0xFFFFF000  }
0x346: {  	[hbm4b:s30+s2] =	stream.linear.scatter [tilespmem:s9], [sflag:$0x4], $0xA000, $0x38;
	[tilespmem:$0x15900] =	vst v63  }
0x347: {  	_ =	swait.ge [sflag:s8], $0x1000  }
0x348: {  	[sflag:s8] =	ssyncset.done $0x0  }
0x349: {  	[sflag:s8] =	ssyncadd.s32 $0xFFFFF000  }
0x34a: {  	_ =	swait.ge [sflag:s8], $0x1000  }
0x34b: {  	[sflag:s8] =	ssyncset.done $0x0  }
0x34c: {  	[sflag:s8] =	ssyncadd.s32 $0xFFFFF000  }
0x34d: {  	_ =	swait.ge [sflag:s8], $0x1000  }
0x34e: {  	[sflag:s8] =	ssyncset.done $0x0  }
0x34f: {  	[sflag:s8] =	ssyncadd.s32 $0xFFFFF000  }
0x350: {  	_ =	swait.ge [sflag:s8], $0x1000  }
0x351: {  	[sflag:s8] =	ssyncset.done $0x0  }
0x352: {  	[sflag:s8] =	ssyncadd.s32 $0xFFFFF000  }
0x353: {  	_ =	swait.ge [sflag:s8], $0x1000  }
0x354: {  	[sflag:s8] =	ssyncset.done $0x0  }
0x355: {  	[sflag:s8] =	ssyncadd.s32 $0xFFFFF000  }
0x356: {  	_ =	swait.ge [sflag:s8], $0x1000  }
0x357: {  	[sflag:s8] =	ssyncset.done $0x0  }
0x358: {  	[sflag:s8] =	ssyncadd.s32 $0xFFFFF000  }
0x359: {  	_ =	swait.ge [sflag:s8], $0x1000  }
0x35a: {  	[sflag:s8] =	ssyncset.done $0x0  }
0x35b: {  	[sflag:s8] =	ssyncadd.s32 $0xFFFFF000  }
0x35c: {  	_ =	swait.ge [sflag:s8], $0x1000  }
0x35d: {  	[sflag:s8] =	ssyncset.done $0x0  }
0x35e: {  	[sflag:s8] =	ssyncadd.s32 $0xFFFFF000  }
0x35f: {  	_ =	swait.ge [sflag:s8], $0x1000  }
0x360: {  	[sflag:s8] =	ssyncset.done $0x0  }
0x361: {  	[sflag:s8] =	ssyncadd.s32 $0xFFFFF000  }
0x362: {  	_ =	swait.ge [sflag:s8], $0x1000  }
0x363: {  	[sflag:s8] =	ssyncset.done $0x0  }
0x364: {  	s31 =	rddreg [dreg:$0x8];
	[sflag:s8] =	ssyncadd.s32 $0xFFFFF000  }
0x365: {  	[hbm4b:s31+s2] =	stream.linear.scatter [tilespmem:s3], [sflag:$0x3], $0xA000, $0x38;
	[tilespmem:$0x15900] =	vst v63  }
0x366: {  	_ =	swait.ge [sflag:s6], $0xA000  }
0x367: {  	[sflag:s6] =	ssyncset.done $0x0  }
0x368: {  	[sflag:s6] =	ssyncadd.s32 $0xFFFF6000  }
0x369: {  	_ =	swait.ge [sflag:s5], $0xA000  }
0x36a: {  	[sflag:s5] =	ssyncset.done $0x0  }
0x36b: {  	[sflag:s5] =	ssyncadd.s32 $0xFFFF6000  }
0x36c: {  	_ =	sfence.sel $0x180000  }
0x36d: {  	[bflag:$0x0] =	sbarrier.arrive $0xFFFF  }
0x36e: {  	_ =	strace $0x90000047  }
0x36f: {  	[bflag:$0x2] =	sbarrier.arrive $0xFFFF  }
0x370: {  	p0 =	sne.s32 s20, $0x0;
	s0 =	rddreg [dreg:$0x2]  }
0x371: {  	s0 =	sadd.s32 @!p0 $0x100000, s0  }
0x372: {  	[sflag:s0] =	ssyncadd.tile.s32 @!p0 $0x1;
	_ =	shalt  }
.LBB2_2:
.Ltmp3:
0x373: {  	(pc) =	sbr.rel .LBB2_5-.Ltmp3, $2  }
0x374: {  	_ =	sdelay $0x2  }
0x375: {  	s20 =	stileid.u32  }
.Lfunc_end2:
_tile_overlayer_lowered:
.L_overlay_start_2:
0x376: {  	(tag) =	ssettag $0x2  }
0x377: {  	s0 =	rddreg [dreg:$0x0];
	s2 =	stileid.u32  }
0x378: {  	s1 =	rddreg [dreg:$0x1];
	p0 =	sne.s32 s2, $0x0  }
0x379: {  	s3 =	rddreg [dreg:$0x2];
	[bflag:$0x3] =	sbarrier.arrive $0xFFFF;
	s2 =	simm.s32 @!p0 $0x1C05  }
0x37a: {  	[timem:s3], [sflag:s2] =	dma.local @!p0 [hbm:s0], s1  }
0x37b: {  	s0 =	simm.s32 @!p0 $0x5  }
0x37c: {  	_ =	swait.ge @!p0 [sflag:s0], s1  }
0x37d: {  	s1 =	ssub.s32 @!p0 $0x0, s1;
	[sflag:s0] =	ssyncset.done @!p0 $0x0  }
0x37e: {  	[sflag:s0] =	ssyncadd.s32 @!p0 s1  }
0x37f: {  	[bflag:$0x3] =	sbarrier.arrive $0xFFFF  }
0x380: {  	_ =	shalt  }

</sc_bundles>
